<compile_context>
chip_gen: v7x
topology: tpu7x:2x2x1
jax: 0.10.2.dev20260603
libtpu: 0.0.44.dev20260713+nightly
codegen_flags: <defaults>
</compile_context>

<pallas_src>
import jax
import jax.numpy as jnp
from jax import lax
from jax.experimental import pallas as pl
from jax.experimental.pallas import tpu as pltpu
from jax.experimental.pallas import tpu_sc as plsc

LATENT = 32
BATCH = 16384

NUM_CORES = 2
NUM_SUBCORES = 16
LANES = 16
NW = NUM_CORES * NUM_SUBCORES
B_PER_W = BATCH // NW
CHUNKS = B_PER_W // LANES
NBUF = 8


def _cf_body(idxu_hbm, idxi_hbm, user_t_hbm, item_t_hbm, out_hbm,
             idxu_v, idxi_v, ublk_v, vblk_v, out_v, usems, vsems):
    wid = lax.axis_index("s") * NUM_CORES + lax.axis_index("c")
    base = wid * B_PER_W

    pltpu.sync_copy(idxu_hbm.at[pl.ds(base, B_PER_W)], idxu_v)
    pltpu.sync_copy(idxi_hbm.at[pl.ds(base, B_PER_W)], idxi_v)

    lane = lax.iota(jnp.int32, LANES)
    rows_lo = lane
    rows_hi = lane + LANES

    def fire(slot, cu, ci):
        off_u = pl.multiple_of(cu * 128, 128)
        off_i = pl.multiple_of(ci * 128, 128)
        pltpu.async_copy(
            user_t_hbm.at[:, pl.ds(off_u, 128)], ublk_v.at[slot],
            usems.at[slot])
        pltpu.async_copy(
            item_t_hbm.at[:, pl.ds(off_i, 128)], vblk_v.at[slot],
            vsems.at[slot])

    def drain(slot):
        pltpu.make_async_copy(
            user_t_hbm.at[:, pl.ds(0, 128)], ublk_v.at[slot],
            usems.at[slot]).wait()
        pltpu.make_async_copy(
            item_t_hbm.at[:, pl.ds(0, 128)], vblk_v.at[slot],
            vsems.at[slot]).wait()

    u0 = idxu_v[pl.ds(0, LANES)]
    i0 = idxi_v[pl.ds(0, LANES)]
    cu0 = lax.shift_right_logical(u0, 7)
    ci0 = lax.shift_right_logical(i0, 7)
    for k in range(NBUF):
        fire(k, cu0[k], ci0[k])

    def step(c, carry):
        uvec = idxu_v[pl.ds(c * LANES, LANES)]
        ivec = idxi_v[pl.ds(c * LANES, LANES)]
        cu_vec = lax.shift_right_logical(uvec, 7)
        ci_vec = lax.shift_right_logical(ivec, 7)
        lu_vec = lax.bitwise_and(uvec, 127)
        li_vec = lax.bitwise_and(ivec, 127)
        cn = jnp.where(c + 1 < CHUNKS, c + 1, 0)
        nuvec = idxu_v[pl.ds(cn * LANES, LANES)]
        nivec = idxi_v[pl.ds(cn * LANES, LANES)]
        pu_vec = lax.shift_right_logical(nuvec, 7)
        pi_vec = lax.shift_right_logical(nivec, 7)

        acc = jnp.zeros((LANES,), jnp.float32)
        for k in range(LANES):
            slot = k % NBUF
            drain(slot)
            slot_v = jnp.full((LANES,), slot, jnp.int32)
            lu = jnp.full((LANES,), lu_vec[k], jnp.int32)
            li = jnp.full((LANES,), li_vec[k], jnp.int32)
            u_lo = plsc.load_gather(ublk_v, [slot_v, rows_lo, lu])
            u_hi = plsc.load_gather(ublk_v, [slot_v, rows_hi, lu])
            v_lo = plsc.load_gather(vblk_v, [slot_v, rows_lo, li])
            v_hi = plsc.load_gather(vblk_v, [slot_v, rows_hi, li])
            p = u_lo * v_lo + u_hi * v_hi
            s = jnp.sum(p)
            acc = jnp.where(lane == k, s, acc)
            if k < NBUF:
                fire(slot, cu_vec[k + NBUF], ci_vec[k + NBUF])
            else:
                @pl.when(c + 1 < CHUNKS)
                def _():
                    fire(slot, pu_vec[k - NBUF], pi_vec[k - NBUF])
        acc = jnp.clip(acc, 0.0, 5.0)
        out_v[pl.ds(c * LANES, LANES)] = acc
        return carry

    lax.fori_loop(0, CHUNKS, step, 0)

    pltpu.sync_copy(out_v, out_hbm.at[pl.ds(base, B_PER_W)])


@jax.jit
def kernel(batched_inputs, user_hidden_emb, item_hidden_emb):
    idx_user = batched_inputs[:, 0].astype(jnp.int32)
    idx_item = batched_inputs[:, 2].astype(jnp.int32)
    mesh = plsc.VectorSubcoreMesh(core_axis_name="c", subcore_axis_name="s")
    run = pl.kernel(
        _cf_body,
        out_type=jax.ShapeDtypeStruct((BATCH,), jnp.float32),
        mesh=mesh,
        scratch_types=[
            pltpu.VMEM((B_PER_W,), jnp.int32),
            pltpu.VMEM((B_PER_W,), jnp.int32),
            pltpu.VMEM((NBUF, LATENT, 128), jnp.float32),
            pltpu.VMEM((NBUF, LATENT, 128), jnp.float32),
            pltpu.VMEM((B_PER_W,), jnp.float32),
            pltpu.SemaphoreType.DMA((NBUF,)),
            pltpu.SemaphoreType.DMA((NBUF,)),
        ],
        compiler_params=pltpu.CompilerParams(
            needs_layout_passes=False, use_tc_tiling_on_sc=True),
    )
    return run(idx_user, idx_item, user_hidden_emb.T, item_hidden_emb.T)

# --- scband reference (transcript-rebuilt; emitter-appended) ---
"""Pipeline reference for scband-collaborative-filtering-22385369546823 (READ-ONLY COPY).

The authoritative reference and input builder live on the scoring server;
editing this copy changes nothing except your own understanding.
"""

import jax, jax.numpy as jnp
import numpy as np

USER_SIZE = 1000000
ITEM_SIZE = 1000000
LATENT = 32
BATCH = 16384


def setup_inputs(seed: int = 0) -> dict:
    key = jax.random.key(seed)
    k1, k2, k3, k4, k5, k6 = jax.random.split(key, 6)
    # batched_inputs columns: [user_idx, rating_gt, item_idx, mean]
    user_idx = jax.random.randint(k1, (BATCH,), 0, USER_SIZE).astype(jnp.float32)
    rating = jax.random.uniform(k2, (BATCH,), minval=0.0, maxval=5.0)
    item_idx = jax.random.randint(k3, (BATCH,), 0, ITEM_SIZE).astype(jnp.float32)
    mean = jax.random.uniform(k4, (BATCH,), minval=-1.0, maxval=6.0)
    batched_inputs = jnp.stack([user_idx, rating, item_idx, mean], axis=1)
    # Parameters: kaiming_normal_ -> std = sqrt(2 / fan_in), fan_in = latent_size
    std = float(np.sqrt(2.0 / LATENT))
    user_hidden_emb = jax.random.normal(k5, (USER_SIZE, LATENT), dtype=jnp.float32) * std
    item_hidden_emb = jax.random.normal(k6, (ITEM_SIZE, LATENT), dtype=jnp.float32) * std
    return {
        'batched_inputs': batched_inputs,
        'user_hidden_emb': user_hidden_emb,
        'item_hidden_emb': item_hidden_emb,
    }


def reference(batched_inputs, user_hidden_emb, item_hidden_emb):
    # extract_batch
    idx_user = batched_inputs[:, 0].astype(jnp.int32)
    idx_item = batched_inputs[:, 2].astype(jnp.int32)
    rating_gt = batched_inputs[:, 1]
    mean_tensor = jnp.clip(batched_inputs[:, 3], 0.0, 5.0)
    # embedding gathers (SparseCore-friendly)
    user_batch = jnp.take(user_hidden_emb, idx_user, axis=0)
    item_batch = jnp.take(item_hidden_emb, idx_item, axis=0)
    # process_batch: standard matrix-factorization dot-product (subclass behavior)
    rating_matrix = jnp.sum(user_batch * item_batch, axis=-1)
    # eval path
    output = jnp.clip(rating_matrix, 0.0, 5.0)
    return output

if __name__ == "__main__":
    import jax
    _d = setup_inputs()
    print(jax.jit(kernel)(*tuple(_d.values())))

</pallas_src>

<mosaic_0001>
#map = affine_map<(d0, d1) -> (0)>
#map1 = affine_map<(d0, d1) -> (0, 0)>
module attributes {stable_mosaic.version = 14 : i64} {
  func.func @_cf_body(%arg0: i32, %arg1: i32, %arg2: memref<16384xi32, #tpu.memory_space<hbm>>, %arg3: memref<16384xi32, #tpu.memory_space<hbm>>, %arg4: memref<32x1000000xf32, #tpu.memory_space<hbm>>, %arg5: memref<32x1000000xf32, #tpu.memory_space<hbm>>, %arg6: memref<16384xf32, #tpu.memory_space<hbm>>, %arg7: memref<512xi32, #tpu.memory_space<vmem>>, %arg8: memref<512xi32, #tpu.memory_space<vmem>>, %arg9: memref<8x32x128xf32, #tpu.memory_space<vmem>>, %arg10: memref<8x32x128xf32, #tpu.memory_space<vmem>>, %arg11: memref<512xf32, #tpu.memory_space<vmem>>, %arg12: memref<8x!tpu.dma_semaphore, #tpu.memory_space<semaphore_mem>>, %arg13: memref<8x!tpu.dma_semaphore, #tpu.memory_space<semaphore_mem>>) attributes {dimension_semantics = [#tpu.dimension_semantics<core_parallel>, #tpu.dimension_semantics<subcore_parallel>], iteration_bounds = array<i64: 2, 16>, scalar_prefetch = 0 : i64, scratch_operands = 7 : i64, tpu.core_type = #tpu.core_type<sc_vector_subcore>, window_params = [{transform_indices = #map}, {transform_indices = #map}, {transform_indices = #map1}, {transform_indices = #map1}, {transform_indices = #map}]} {
    %mul3A = arith.constant 2 : i32
    %mul3A_0 = arith.muli %arg1, %mul3A : i32
    %add3A = arith.addi %mul3A_0, %arg0 : i32
    %mul3A_1 = arith.constant 512 : i32
    %mul3A_2 = arith.muli %add3A, %mul3A_1 : i32
    "tpu.region"() ({
      %run_scoped3A = tpu.sem_alloc : memref<!tpu.dma_semaphore, #tpu.memory_space<semaphore_mem>>
      %dma_start3A_351 = tpu.memref_slice %arg2[%mul3A_2] : memref<16384xi32, #tpu.memory_space<hbm>> -> memref<512xi32, #tpu.memory_space<hbm>>
      %dma_start3A_352 = tpu.memref_slice %arg2[%mul3A_2] : memref<16384xi32, #tpu.memory_space<hbm>> -> memref<512xi32, #tpu.memory_space<hbm>>
      tpu.enqueue_dma source(%dma_start3A_352 : memref<512xi32, #tpu.memory_space<hbm>>) target(%arg7 : memref<512xi32, #tpu.memory_space<vmem>>) target_semaphore(%run_scoped3A : memref<!tpu.dma_semaphore, #tpu.memory_space<semaphore_mem>>)
      %dma_wait3A = tpu.memref_slice %arg2[%mul3A_2] : memref<16384xi32, #tpu.memory_space<hbm>> -> memref<512xi32, #tpu.memory_space<hbm>>
      %dma_wait3A_353 = tpu.memref_slice %arg2[%mul3A_2] : memref<16384xi32, #tpu.memory_space<hbm>> -> memref<512xi32, #tpu.memory_space<hbm>>
      tpu.wait_dma2 semaphore(%run_scoped3A : memref<!tpu.dma_semaphore, #tpu.memory_space<semaphore_mem>>) src(%dma_wait3A_353 : memref<512xi32, #tpu.memory_space<hbm>>) dst(%arg7 : memref<512xi32, #tpu.memory_space<vmem>>)
      tpu.yield
    }) : () -> ()
    "tpu.region"() ({
      %run_scoped3A = tpu.sem_alloc : memref<!tpu.dma_semaphore, #tpu.memory_space<semaphore_mem>>
      %dma_start3A_351 = tpu.memref_slice %arg3[%mul3A_2] : memref<16384xi32, #tpu.memory_space<hbm>> -> memref<512xi32, #tpu.memory_space<hbm>>
      %dma_start3A_352 = tpu.memref_slice %arg3[%mul3A_2] : memref<16384xi32, #tpu.memory_space<hbm>> -> memref<512xi32, #tpu.memory_space<hbm>>
      tpu.enqueue_dma source(%dma_start3A_352 : memref<512xi32, #tpu.memory_space<hbm>>) target(%arg8 : memref<512xi32, #tpu.memory_space<vmem>>) target_semaphore(%run_scoped3A : memref<!tpu.dma_semaphore, #tpu.memory_space<semaphore_mem>>)
      %dma_wait3A = tpu.memref_slice %arg3[%mul3A_2] : memref<16384xi32, #tpu.memory_space<hbm>> -> memref<512xi32, #tpu.memory_space<hbm>>
      %dma_wait3A_353 = tpu.memref_slice %arg3[%mul3A_2] : memref<16384xi32, #tpu.memory_space<hbm>> -> memref<512xi32, #tpu.memory_space<hbm>>
      tpu.wait_dma2 semaphore(%run_scoped3A : memref<!tpu.dma_semaphore, #tpu.memory_space<semaphore_mem>>) src(%dma_wait3A_353 : memref<512xi32, #tpu.memory_space<hbm>>) dst(%arg8 : memref<512xi32, #tpu.memory_space<vmem>>)
      tpu.yield
    }) : () -> ()
    %iota3A = tpu.iota {dimensions = array<i32: 0>} : vector<16xi32>
    %add3A_3 = arith.constant 16 : i32
    %add3A_4 = vector.broadcast %add3A_3 : i32 to vector<16xi32>
    %add3A_5 = arith.addi %iota3A, %add3A_4 : vector<16xi32>
    %get3A = arith.constant 0 : index
    %get3A_6 = tpu.vector_load %arg7[%get3A] {strides = array<i32>} : memref<512xi32, #tpu.memory_space<vmem>>, vector<16xi32>,
    %get3A_7 = arith.constant 0 : index
    %get3A_8 = tpu.vector_load %arg8[%get3A_7] {strides = array<i32>} : memref<512xi32, #tpu.memory_space<vmem>>, vector<16xi32>,
    %shift_right_logical3A = arith.constant 7 : i32
    %shift_right_logical3A_9 = vector.broadcast %shift_right_logical3A : i32 to vector<16xi32>
    %shift_right_logical3A_10 = arith.shrui %get3A_6, %shift_right_logical3A_9 : vector<16xi32>
    %shift_right_logical3A_11 = arith.constant 7 : i32
    %shift_right_logical3A_12 = vector.broadcast %shift_right_logical3A_11 : i32 to vector<16xi32>
    %shift_right_logical3A_13 = arith.shrui %get3A_8, %shift_right_logical3A_12 : vector<16xi32>
    %slice3A = vector.extract_strided_slice %shift_right_logical3A_10 {offsets = [0], sizes = [1], strides = [1]} : vector<16xi32> to vector<1xi32>
    %squeeze3A = vector.extract %slice3A[0] : i32 from vector<1xi32>
    %slice3A_14 = vector.extract_strided_slice %shift_right_logical3A_13 {offsets = [0], sizes = [1], strides = [1]} : vector<16xi32> to vector<1xi32>
    %squeeze3A_15 = vector.extract %slice3A_14[0] : i32 from vector<1xi32>
    %mul3A_16 = arith.constant 128 : i32
    %mul3A_17 = arith.muli %squeeze3A, %mul3A_16 : i32
    %multiple_of3A = tpu.assume_multiple %mul3A_17, 128 : i32
    %mul3A_18 = arith.constant 128 : i32
    %mul3A_19 = arith.muli %squeeze3A_15, %mul3A_18 : i32
    %multiple_of3A_20 = tpu.assume_multiple %mul3A_19, 128 : i32
    %dma_start3A = arith.constant 0 : i32
    %dma_start3A_21 = arith.constant 0 : i32
    %dma_start3A_22 = arith.constant 0 : i32
    %dma_start3A_23 = arith.constant 0 : i32
    %dma_start3A_24 = tpu.memref_slice %arg9[%dma_start3A, %dma_start3A_22, %dma_start3A_23] : memref<8x32x128xf32, #tpu.memory_space<vmem>> -> memref<1x32x128xf32, #tpu.memory_space<vmem>>
    %dma_start3A_25 = tpu.memref_squeeze %dma_start3A_24 : memref<1x32x128xf32, #tpu.memory_space<vmem>> -> memref<32x128xf32, #tpu.memory_space<vmem>>
    %dma_start3A_26 = arith.constant 0 : i32
    %dma_start3A_27 = tpu.memref_slice %arg4[%dma_start3A_26, %multiple_of3A] : memref<32x1000000xf32, #tpu.memory_space<hbm>> -> memref<32x128xf32, #tpu.memory_space<hbm>>
    %dma_start3A_28 = tpu.memref_slice %arg12[%dma_start3A_21] : memref<8x!tpu.dma_semaphore, #tpu.memory_space<semaphore_mem>> -> memref<1x!tpu.dma_semaphore, #tpu.memory_space<semaphore_mem>>
    %dma_start3A_29 = tpu.memref_squeeze %dma_start3A_28 : memref<1x!tpu.dma_semaphore, #tpu.memory_space<semaphore_mem>> -> memref<!tpu.dma_semaphore, #tpu.memory_space<semaphore_mem>>
    %dma_start3A_30 = arith.constant 0 : i32
    %dma_start3A_31 = arith.constant 0 : i32
    %dma_start3A_32 = tpu.memref_slice %arg9[%dma_start3A, %dma_start3A_30, %dma_start3A_31] : memref<8x32x128xf32, #tpu.memory_space<vmem>> -> memref<1x32x128xf32, #tpu.memory_space<vmem>>
    %dma_start3A_33 = tpu.memref_squeeze %dma_start3A_32 : memref<1x32x128xf32, #tpu.memory_space<vmem>> -> memref<32x128xf32, #tpu.memory_space<vmem>>
    %dma_start3A_34 = arith.constant 0 : i32
    %dma_start3A_35 = tpu.memref_slice %arg4[%dma_start3A_34, %multiple_of3A] : memref<32x1000000xf32, #tpu.memory_space<hbm>> -> memref<32x128xf32, #tpu.memory_space<hbm>>
    tpu.enqueue_dma source(%dma_start3A_35 : memref<32x128xf32, #tpu.memory_space<hbm>>) target(%dma_start3A_33 : memref<32x128xf32, #tpu.memory_space<vmem>>) target_semaphore(%dma_start3A_29 : memref<!tpu.dma_semaphore, #tpu.memory_space<semaphore_mem>>)
    %dma_start3A_36 = arith.constant 0 : i32
    %dma_start3A_37 = arith.constant 0 : i32
    %dma_start3A_38 = arith.constant 0 : i32
    %dma_start3A_39 = arith.constant 0 : i32
    %dma_start3A_40 = tpu.memref_slice %arg10[%dma_start3A_36, %dma_start3A_38, %dma_start3A_39] : memref<8x32x128xf32, #tpu.memory_space<vmem>> -> memref<1x32x128xf32, #tpu.memory_space<vmem>>
    %dma_start3A_41 = tpu.memref_squeeze %dma_start3A_40 : memref<1x32x128xf32, #tpu.memory_space<vmem>> -> memref<32x128xf32, #tpu.memory_space<vmem>>
    %dma_start3A_42 = arith.constant 0 : i32
    %dma_start3A_43 = tpu.memref_slice %arg5[%dma_start3A_42, %multiple_of3A_20] : memref<32x1000000xf32, #tpu.memory_space<hbm>> -> memref<32x128xf32, #tpu.memory_space<hbm>>
    %dma_start3A_44 = tpu.memref_slice %arg13[%dma_start3A_37] : memref<8x!tpu.dma_semaphore, #tpu.memory_space<semaphore_mem>> -> memref<1x!tpu.dma_semaphore, #tpu.memory_space<semaphore_mem>>
    %dma_start3A_45 = tpu.memref_squeeze %dma_start3A_44 : memref<1x!tpu.dma_semaphore, #tpu.memory_space<semaphore_mem>> -> memref<!tpu.dma_semaphore, #tpu.memory_space<semaphore_mem>>
    %dma_start3A_46 = arith.constant 0 : i32
    %dma_start3A_47 = arith.constant 0 : i32
    %dma_start3A_48 = tpu.memref_slice %arg10[%dma_start3A_36, %dma_start3A_46, %dma_start3A_47] : memref<8x32x128xf32, #tpu.memory_space<vmem>> -> memref<1x32x128xf32, #tpu.memory_space<vmem>>
    %dma_start3A_49 = tpu.memref_squeeze %dma_start3A_48 : memref<1x32x128xf32, #tpu.memory_space<vmem>> -> memref<32x128xf32, #tpu.memory_space<vmem>>
    %dma_start3A_50 = arith.constant 0 : i32
    %dma_start3A_51 = tpu.memref_slice %arg5[%dma_start3A_50, %multiple_of3A_20] : memref<32x1000000xf32, #tpu.memory_space<hbm>> -> memref<32x128xf32, #tpu.memory_space<hbm>>
    tpu.enqueue_dma source(%dma_start3A_51 : memref<32x128xf32, #tpu.memory_space<hbm>>) target(%dma_start3A_49 : memref<32x128xf32, #tpu.memory_space<vmem>>) target_semaphore(%dma_start3A_45 : memref<!tpu.dma_semaphore, #tpu.memory_space<semaphore_mem>>)
    %slice3A_52 = vector.extract_strided_slice %shift_right_logical3A_10 {offsets = [1], sizes = [1], strides = [1]} : vector<16xi32> to vector<1xi32>
    %squeeze3A_53 = vector.extract %slice3A_52[0] : i32 from vector<1xi32>
    %slice3A_54 = vector.extract_strided_slice %shift_right_logical3A_13 {offsets = [1], sizes = [1], strides = [1]} : vector<16xi32> to vector<1xi32>
    %squeeze3A_55 = vector.extract %slice3A_54[0] : i32 from vector<1xi32>
    %mul3A_56 = arith.constant 128 : i32
    %mul3A_57 = arith.muli %squeeze3A_53, %mul3A_56 : i32
    %multiple_of3A_58 = tpu.assume_multiple %mul3A_57, 128 : i32
    %mul3A_59 = arith.constant 128 : i32
    %mul3A_60 = arith.muli %squeeze3A_55, %mul3A_59 : i32
    %multiple_of3A_61 = tpu.assume_multiple %mul3A_60, 128 : i32
    %dma_start3A_62 = arith.constant 1 : i32
    %dma_start3A_63 = arith.constant 1 : i32
    %dma_start3A_64 = arith.constant 0 : i32
    %dma_start3A_65 = arith.constant 0 : i32
    %dma_start3A_66 = tpu.memref_slice %arg9[%dma_start3A_62, %dma_start3A_64, %dma_start3A_65] : memref<8x32x128xf32, #tpu.memory_space<vmem>> -> memref<1x32x128xf32, #tpu.memory_space<vmem>>
    %dma_start3A_67 = tpu.memref_squeeze %dma_start3A_66 : memref<1x32x128xf32, #tpu.memory_space<vmem>> -> memref<32x128xf32, #tpu.memory_space<vmem>>
    %dma_start3A_68 = arith.constant 0 : i32
    %dma_start3A_69 = tpu.memref_slice %arg4[%dma_start3A_68, %multiple_of3A_58] : memref<32x1000000xf32, #tpu.memory_space<hbm>> -> memref<32x128xf32, #tpu.memory_space<hbm>>
    %dma_start3A_70 = tpu.memref_slice %arg12[%dma_start3A_63] : memref<8x!tpu.dma_semaphore, #tpu.memory_space<semaphore_mem>> -> memref<1x!tpu.dma_semaphore, #tpu.memory_space<semaphore_mem>>
    %dma_start3A_71 = tpu.memref_squeeze %dma_start3A_70 : memref<1x!tpu.dma_semaphore, #tpu.memory_space<semaphore_mem>> -> memref<!tpu.dma_semaphore, #tpu.memory_space<semaphore_mem>>
    %dma_start3A_72 = arith.constant 0 : i32
    %dma_start3A_73 = arith.constant 0 : i32
    %dma_start3A_74 = tpu.memref_slice %arg9[%dma_start3A_62, %dma_start3A_72, %dma_start3A_73] : memref<8x32x128xf32, #tpu.memory_space<vmem>> -> memref<1x32x128xf32, #tpu.memory_space<vmem>>
    %dma_start3A_75 = tpu.memref_squeeze %dma_start3A_74 : memref<1x32x128xf32, #tpu.memory_space<vmem>> -> memref<32x128xf32, #tpu.memory_space<vmem>>
    %dma_start3A_76 = arith.constant 0 : i32
    %dma_start3A_77 = tpu.memref_slice %arg4[%dma_start3A_76, %multiple_of3A_58] : memref<32x1000000xf32, #tpu.memory_space<hbm>> -> memref<32x128xf32, #tpu.memory_space<hbm>>
    tpu.enqueue_dma source(%dma_start3A_77 : memref<32x128xf32, #tpu.memory_space<hbm>>) target(%dma_start3A_75 : memref<32x128xf32, #tpu.memory_space<vmem>>) target_semaphore(%dma_start3A_71 : memref<!tpu.dma_semaphore, #tpu.memory_space<semaphore_mem>>)
    %dma_start3A_78 = arith.constant 1 : i32
    %dma_start3A_79 = arith.constant 1 : i32
    %dma_start3A_80 = arith.constant 0 : i32
    %dma_start3A_81 = arith.constant 0 : i32
    %dma_start3A_82 = tpu.memref_slice %arg10[%dma_start3A_78, %dma_start3A_80, %dma_start3A_81] : memref<8x32x128xf32, #tpu.memory_space<vmem>> -> memref<1x32x128xf32, #tpu.memory_space<vmem>>
    %dma_start3A_83 = tpu.memref_squeeze %dma_start3A_82 : memref<1x32x128xf32, #tpu.memory_space<vmem>> -> memref<32x128xf32, #tpu.memory_space<vmem>>
    %dma_start3A_84 = arith.constant 0 : i32
    %dma_start3A_85 = tpu.memref_slice %arg5[%dma_start3A_84, %multiple_of3A_61] : memref<32x1000000xf32, #tpu.memory_space<hbm>> -> memref<32x128xf32, #tpu.memory_space<hbm>>
    %dma_start3A_86 = tpu.memref_slice %arg13[%dma_start3A_79] : memref<8x!tpu.dma_semaphore, #tpu.memory_space<semaphore_mem>> -> memref<1x!tpu.dma_semaphore, #tpu.memory_space<semaphore_mem>>
    %dma_start3A_87 = tpu.memref_squeeze %dma_start3A_86 : memref<1x!tpu.dma_semaphore, #tpu.memory_space<semaphore_mem>> -> memref<!tpu.dma_semaphore, #tpu.memory_space<semaphore_mem>>
    %dma_start3A_88 = arith.constant 0 : i32
    %dma_start3A_89 = arith.constant 0 : i32
    %dma_start3A_90 = tpu.memref_slice %arg10[%dma_start3A_78, %dma_start3A_88, %dma_start3A_89] : memref<8x32x128xf32, #tpu.memory_space<vmem>> -> memref<1x32x128xf32, #tpu.memory_space<vmem>>
    %dma_start3A_91 = tpu.memref_squeeze %dma_start3A_90 : memref<1x32x128xf32, #tpu.memory_space<vmem>> -> memref<32x128xf32, #tpu.memory_space<vmem>>
    %dma_start3A_92 = arith.constant 0 : i32
    %dma_start3A_93 = tpu.memref_slice %arg5[%dma_start3A_92, %multiple_of3A_61] : memref<32x1000000xf32, #tpu.memory_space<hbm>> -> memref<32x128xf32, #tpu.memory_space<hbm>>
    tpu.enqueue_dma source(%dma_start3A_93 : memref<32x128xf32, #tpu.memory_space<hbm>>) target(%dma_start3A_91 : memref<32x128xf32, #tpu.memory_space<vmem>>) target_semaphore(%dma_start3A_87 : memref<!tpu.dma_semaphore, #tpu.memory_space<semaphore_mem>>)
    %slice3A_94 = vector.extract_strided_slice %shift_right_logical3A_10 {offsets = [2], sizes = [1], strides = [1]} : vector<16xi32> to vector<1xi32>
    %squeeze3A_95 = vector.extract %slice3A_94[0] : i32 from vector<1xi32>
    %slice3A_96 = vector.extract_strided_slice %shift_right_logical3A_13 {offsets = [2], sizes = [1], strides = [1]} : vector<16xi32> to vector<1xi32>
    %squeeze3A_97 = vector.extract %slice3A_96[0] : i32 from vector<1xi32>
    %mul3A_98 = arith.constant 128 : i32
    %mul3A_99 = arith.muli %squeeze3A_95, %mul3A_98 : i32
    %multiple_of3A_100 = tpu.assume_multiple %mul3A_99, 128 : i32
    %mul3A_101 = arith.constant 128 : i32
    %mul3A_102 = arith.muli %squeeze3A_97, %mul3A_101 : i32
    %multiple_of3A_103 = tpu.assume_multiple %mul3A_102, 128 : i32
    %dma_start3A_104 = arith.constant 2 : i32
    %dma_start3A_105 = arith.constant 2 : i32
    %dma_start3A_106 = arith.constant 0 : i32
    %dma_start3A_107 = arith.constant 0 : i32
    %dma_start3A_108 = tpu.memref_slice %arg9[%dma_start3A_104, %dma_start3A_106, %dma_start3A_107] : memref<8x32x128xf32, #tpu.memory_space<vmem>> -> memref<1x32x128xf32, #tpu.memory_space<vmem>>
    %dma_start3A_109 = tpu.memref_squeeze %dma_start3A_108 : memref<1x32x128xf32, #tpu.memory_space<vmem>> -> memref<32x128xf32, #tpu.memory_space<vmem>>
    %dma_start3A_110 = arith.constant 0 : i32
    %dma_start3A_111 = tpu.memref_slice %arg4[%dma_start3A_110, %multiple_of3A_100] : memref<32x1000000xf32, #tpu.memory_space<hbm>> -> memref<32x128xf32, #tpu.memory_space<hbm>>
    %dma_start3A_112 = tpu.memref_slice %arg12[%dma_start3A_105] : memref<8x!tpu.dma_semaphore, #tpu.memory_space<semaphore_mem>> -> memref<1x!tpu.dma_semaphore, #tpu.memory_space<semaphore_mem>>
    %dma_start3A_113 = tpu.memref_squeeze %dma_start3A_112 : memref<1x!tpu.dma_semaphore, #tpu.memory_space<semaphore_mem>> -> memref<!tpu.dma_semaphore, #tpu.memory_space<semaphore_mem>>
    %dma_start3A_114 = arith.constant 0 : i32
    %dma_start3A_115 = arith.constant 0 : i32
    %dma_start3A_116 = tpu.memref_slice %arg9[%dma_start3A_104, %dma_start3A_114, %dma_start3A_115] : memref<8x32x128xf32, #tpu.memory_space<vmem>> -> memref<1x32x128xf32, #tpu.memory_space<vmem>>
    %dma_start3A_117 = tpu.memref_squeeze %dma_start3A_116 : memref<1x32x128xf32, #tpu.memory_space<vmem>> -> memref<32x128xf32, #tpu.memory_space<vmem>>
    %dma_start3A_118 = arith.constant 0 : i32
    %dma_start3A_119 = tpu.memref_slice %arg4[%dma_start3A_118, %multiple_of3A_100] : memref<32x1000000xf32, #tpu.memory_space<hbm>> -> memref<32x128xf32, #tpu.memory_space<hbm>>
    tpu.enqueue_dma source(%dma_start3A_119 : memref<32x128xf32, #tpu.memory_space<hbm>>) target(%dma_start3A_117 : memref<32x128xf32, #tpu.memory_space<vmem>>) target_semaphore(%dma_start3A_113 : memref<!tpu.dma_semaphore, #tpu.memory_space<semaphore_mem>>)
    %dma_start3A_120 = arith.constant 2 : i32
    %dma_start3A_121 = arith.constant 2 : i32
    %dma_start3A_122 = arith.constant 0 : i32
    %dma_start3A_123 = arith.constant 0 : i32
    %dma_start3A_124 = tpu.memref_slice %arg10[%dma_start3A_120, %dma_start3A_122, %dma_start3A_123] : memref<8x32x128xf32, #tpu.memory_space<vmem>> -> memref<1x32x128xf32, #tpu.memory_space<vmem>>
    %dma_start3A_125 = tpu.memref_squeeze %dma_start3A_124 : memref<1x32x128xf32, #tpu.memory_space<vmem>> -> memref<32x128xf32, #tpu.memory_space<vmem>>
    %dma_start3A_126 = arith.constant 0 : i32
    %dma_start3A_127 = tpu.memref_slice %arg5[%dma_start3A_126, %multiple_of3A_103] : memref<32x1000000xf32, #tpu.memory_space<hbm>> -> memref<32x128xf32, #tpu.memory_space<hbm>>
    %dma_start3A_128 = tpu.memref_slice %arg13[%dma_start3A_121] : memref<8x!tpu.dma_semaphore, #tpu.memory_space<semaphore_mem>> -> memref<1x!tpu.dma_semaphore, #tpu.memory_space<semaphore_mem>>
    %dma_start3A_129 = tpu.memref_squeeze %dma_start3A_128 : memref<1x!tpu.dma_semaphore, #tpu.memory_space<semaphore_mem>> -> memref<!tpu.dma_semaphore, #tpu.memory_space<semaphore_mem>>
    %dma_start3A_130 = arith.constant 0 : i32
    %dma_start3A_131 = arith.constant 0 : i32
    %dma_start3A_132 = tpu.memref_slice %arg10[%dma_start3A_120, %dma_start3A_130, %dma_start3A_131] : memref<8x32x128xf32, #tpu.memory_space<vmem>> -> memref<1x32x128xf32, #tpu.memory_space<vmem>>
    %dma_start3A_133 = tpu.memref_squeeze %dma_start3A_132 : memref<1x32x128xf32, #tpu.memory_space<vmem>> -> memref<32x128xf32, #tpu.memory_space<vmem>>
    %dma_start3A_134 = arith.constant 0 : i32
    %dma_start3A_135 = tpu.memref_slice %arg5[%dma_start3A_134, %multiple_of3A_103] : memref<32x1000000xf32, #tpu.memory_space<hbm>> -> memref<32x128xf32, #tpu.memory_space<hbm>>
    tpu.enqueue_dma source(%dma_start3A_135 : memref<32x128xf32, #tpu.memory_space<hbm>>) target(%dma_start3A_133 : memref<32x128xf32, #tpu.memory_space<vmem>>) target_semaphore(%dma_start3A_129 : memref<!tpu.dma_semaphore, #tpu.memory_space<semaphore_mem>>)
    %slice3A_136 = vector.extract_strided_slice %shift_right_logical3A_10 {offsets = [3], sizes = [1], strides = [1]} : vector<16xi32> to vector<1xi32>
    %squeeze3A_137 = vector.extract %slice3A_136[0] : i32 from vector<1xi32>
    %slice3A_138 = vector.extract_strided_slice %shift_right_logical3A_13 {offsets = [3], sizes = [1], strides = [1]} : vector<16xi32> to vector<1xi32>
    %squeeze3A_139 = vector.extract %slice3A_138[0] : i32 from vector<1xi32>
    %mul3A_140 = arith.constant 128 : i32
    %mul3A_141 = arith.muli %squeeze3A_137, %mul3A_140 : i32
    %multiple_of3A_142 = tpu.assume_multiple %mul3A_141, 128 : i32
    %mul3A_143 = arith.constant 128 : i32
    %mul3A_144 = arith.muli %squeeze3A_139, %mul3A_143 : i32
    %multiple_of3A_145 = tpu.assume_multiple %mul3A_144, 128 : i32
    %dma_start3A_146 = arith.constant 3 : i32
    %dma_start3A_147 = arith.constant 3 : i32
    %dma_start3A_148 = arith.constant 0 : i32
    %dma_start3A_149 = arith.constant 0 : i32
    %dma_start3A_150 = tpu.memref_slice %arg9[%dma_start3A_146, %dma_start3A_148, %dma_start3A_149] : memref<8x32x128xf32, #tpu.memory_space<vmem>> -> memref<1x32x128xf32, #tpu.memory_space<vmem>>
    %dma_start3A_151 = tpu.memref_squeeze %dma_start3A_150 : memref<1x32x128xf32, #tpu.memory_space<vmem>> -> memref<32x128xf32, #tpu.memory_space<vmem>>
    %dma_start3A_152 = arith.constant 0 : i32
    %dma_start3A_153 = tpu.memref_slice %arg4[%dma_start3A_152, %multiple_of3A_142] : memref<32x1000000xf32, #tpu.memory_space<hbm>> -> memref<32x128xf32, #tpu.memory_space<hbm>>
    %dma_start3A_154 = tpu.memref_slice %arg12[%dma_start3A_147] : memref<8x!tpu.dma_semaphore, #tpu.memory_space<semaphore_mem>> -> memref<1x!tpu.dma_semaphore, #tpu.memory_space<semaphore_mem>>
    %dma_start3A_155 = tpu.memref_squeeze %dma_start3A_154 : memref<1x!tpu.dma_semaphore, #tpu.memory_space<semaphore_mem>> -> memref<!tpu.dma_semaphore, #tpu.memory_space<semaphore_mem>>
    %dma_start3A_156 = arith.constant 0 : i32
    %dma_start3A_157 = arith.constant 0 : i32
    %dma_start3A_158 = tpu.memref_slice %arg9[%dma_start3A_146, %dma_start3A_156, %dma_start3A_157] : memref<8x32x128xf32, #tpu.memory_space<vmem>> -> memref<1x32x128xf32, #tpu.memory_space<vmem>>
    %dma_start3A_159 = tpu.memref_squeeze %dma_start3A_158 : memref<1x32x128xf32, #tpu.memory_space<vmem>> -> memref<32x128xf32, #tpu.memory_space<vmem>>
    %dma_start3A_160 = arith.constant 0 : i32
    %dma_start3A_161 = tpu.memref_slice %arg4[%dma_start3A_160, %multiple_of3A_142] : memref<32x1000000xf32, #tpu.memory_space<hbm>> -> memref<32x128xf32, #tpu.memory_space<hbm>>
    tpu.enqueue_dma source(%dma_start3A_161 : memref<32x128xf32, #tpu.memory_space<hbm>>) target(%dma_start3A_159 : memref<32x128xf32, #tpu.memory_space<vmem>>) target_semaphore(%dma_start3A_155 : memref<!tpu.dma_semaphore, #tpu.memory_space<semaphore_mem>>)
    %dma_start3A_162 = arith.constant 3 : i32
    %dma_start3A_163 = arith.constant 3 : i32
    %dma_start3A_164 = arith.constant 0 : i32
    %dma_start3A_165 = arith.constant 0 : i32
    %dma_start3A_166 = tpu.memref_slice %arg10[%dma_start3A_162, %dma_start3A_164, %dma_start3A_165] : memref<8x32x128xf32, #tpu.memory_space<vmem>> -> memref<1x32x128xf32, #tpu.memory_space<vmem>>
    %dma_start3A_167 = tpu.memref_squeeze %dma_start3A_166 : memref<1x32x128xf32, #tpu.memory_space<vmem>> -> memref<32x128xf32, #tpu.memory_space<vmem>>
    %dma_start3A_168 = arith.constant 0 : i32
    %dma_start3A_169 = tpu.memref_slice %arg5[%dma_start3A_168, %multiple_of3A_145] : memref<32x1000000xf32, #tpu.memory_space<hbm>> -> memref<32x128xf32, #tpu.memory_space<hbm>>
    %dma_start3A_170 = tpu.memref_slice %arg13[%dma_start3A_163] : memref<8x!tpu.dma_semaphore, #tpu.memory_space<semaphore_mem>> -> memref<1x!tpu.dma_semaphore, #tpu.memory_space<semaphore_mem>>
    %dma_start3A_171 = tpu.memref_squeeze %dma_start3A_170 : memref<1x!tpu.dma_semaphore, #tpu.memory_space<semaphore_mem>> -> memref<!tpu.dma_semaphore, #tpu.memory_space<semaphore_mem>>
    %dma_start3A_172 = arith.constant 0 : i32
    %dma_start3A_173 = arith.constant 0 : i32
    %dma_start3A_174 = tpu.memref_slice %arg10[%dma_start3A_162, %dma_start3A_172, %dma_start3A_173] : memref<8x32x128xf32, #tpu.memory_space<vmem>> -> memref<1x32x128xf32, #tpu.memory_space<vmem>>
    %dma_start3A_175 = tpu.memref_squeeze %dma_start3A_174 : memref<1x32x128xf32, #tpu.memory_space<vmem>> -> memref<32x128xf32, #tpu.memory_space<vmem>>
    %dma_start3A_176 = arith.constant 0 : i32
    %dma_start3A_177 = tpu.memref_slice %arg5[%dma_start3A_176, %multiple_of3A_145] : memref<32x1000000xf32, #tpu.memory_space<hbm>> -> memref<32x128xf32, #tpu.memory_space<hbm>>
    tpu.enqueue_dma source(%dma_start3A_177 : memref<32x128xf32, #tpu.memory_space<hbm>>) target(%dma_start3A_175 : memref<32x128xf32, #tpu.memory_space<vmem>>) target_semaphore(%dma_start3A_171 : memref<!tpu.dma_semaphore, #tpu.memory_space<semaphore_mem>>)
    %slice3A_178 = vector.extract_strided_slice %shift_right_logical3A_10 {offsets = [4], sizes = [1], strides = [1]} : vector<16xi32> to vector<1xi32>
    %squeeze3A_179 = vector.extract %slice3A_178[0] : i32 from vector<1xi32>
    %slice3A_180 = vector.extract_strided_slice %shift_right_logical3A_13 {offsets = [4], sizes = [1], strides = [1]} : vector<16xi32> to vector<1xi32>
    %squeeze3A_181 = vector.extract %slice3A_180[0] : i32 from vector<1xi32>
    %mul3A_182 = arith.constant 128 : i32
    %mul3A_183 = arith.muli %squeeze3A_179, %mul3A_182 : i32
    %multiple_of3A_184 = tpu.assume_multiple %mul3A_183, 128 : i32
    %mul3A_185 = arith.constant 128 : i32
    %mul3A_186 = arith.muli %squeeze3A_181, %mul3A_185 : i32
    %multiple_of3A_187 = tpu.assume_multiple %mul3A_186, 128 : i32
    %dma_start3A_188 = arith.constant 4 : i32
    %dma_start3A_189 = arith.constant 4 : i32
    %dma_start3A_190 = arith.constant 0 : i32
    %dma_start3A_191 = arith.constant 0 : i32
    %dma_start3A_192 = tpu.memref_slice %arg9[%dma_start3A_188, %dma_start3A_190, %dma_start3A_191] : memref<8x32x128xf32, #tpu.memory_space<vmem>> -> memref<1x32x128xf32, #tpu.memory_space<vmem>>
    %dma_start3A_193 = tpu.memref_squeeze %dma_start3A_192 : memref<1x32x128xf32, #tpu.memory_space<vmem>> -> memref<32x128xf32, #tpu.memory_space<vmem>>
    %dma_start3A_194 = arith.constant 0 : i32
    %dma_start3A_195 = tpu.memref_slice %arg4[%dma_start3A_194, %multiple_of3A_184] : memref<32x1000000xf32, #tpu.memory_space<hbm>> -> memref<32x128xf32, #tpu.memory_space<hbm>>
    %dma_start3A_196 = tpu.memref_slice %arg12[%dma_start3A_189] : memref<8x!tpu.dma_semaphore, #tpu.memory_space<semaphore_mem>> -> memref<1x!tpu.dma_semaphore, #tpu.memory_space<semaphore_mem>>
    %dma_start3A_197 = tpu.memref_squeeze %dma_start3A_196 : memref<1x!tpu.dma_semaphore, #tpu.memory_space<semaphore_mem>> -> memref<!tpu.dma_semaphore, #tpu.memory_space<semaphore_mem>>
    %dma_start3A_198 = arith.constant 0 : i32
    %dma_start3A_199 = arith.constant 0 : i32
    %dma_start3A_200 = tpu.memref_slice %arg9[%dma_start3A_188, %dma_start3A_198, %dma_start3A_199] : memref<8x32x128xf32, #tpu.memory_space<vmem>> -> memref<1x32x128xf32, #tpu.memory_space<vmem>>
    %dma_start3A_201 = tpu.memref_squeeze %dma_start3A_200 : memref<1x32x128xf32, #tpu.memory_space<vmem>> -> memref<32x128xf32, #tpu.memory_space<vmem>>
    %dma_start3A_202 = arith.constant 0 : i32
    %dma_start3A_203 = tpu.memref_slice %arg4[%dma_start3A_202, %multiple_of3A_184] : memref<32x1000000xf32, #tpu.memory_space<hbm>> -> memref<32x128xf32, #tpu.memory_space<hbm>>
    tpu.enqueue_dma source(%dma_start3A_203 : memref<32x128xf32, #tpu.memory_space<hbm>>) target(%dma_start3A_201 : memref<32x128xf32, #tpu.memory_space<vmem>>) target_semaphore(%dma_start3A_197 : memref<!tpu.dma_semaphore, #tpu.memory_space<semaphore_mem>>)
    %dma_start3A_204 = arith.constant 4 : i32
    %dma_start3A_205 = arith.constant 4 : i32
    %dma_start3A_206 = arith.constant 0 : i32
    %dma_start3A_207 = arith.constant 0 : i32
    %dma_start3A_208 = tpu.memref_slice %arg10[%dma_start3A_204, %dma_start3A_206, %dma_start3A_207] : memref<8x32x128xf32, #tpu.memory_space<vmem>> -> memref<1x32x128xf32, #tpu.memory_space<vmem>>
    %dma_start3A_209 = tpu.memref_squeeze %dma_start3A_208 : memref<1x32x128xf32, #tpu.memory_space<vmem>> -> memref<32x128xf32, #tpu.memory_space<vmem>>
    %dma_start3A_210 = arith.constant 0 : i32
    %dma_start3A_211 = tpu.memref_slice %arg5[%dma_start3A_210, %multiple_of3A_187] : memref<32x1000000xf32, #tpu.memory_space<hbm>> -> memref<32x128xf32, #tpu.memory_space<hbm>>
    %dma_start3A_212 = tpu.memref_slice %arg13[%dma_start3A_205] : memref<8x!tpu.dma_semaphore, #tpu.memory_space<semaphore_mem>> -> memref<1x!tpu.dma_semaphore, #tpu.memory_space<semaphore_mem>>
    %dma_start3A_213 = tpu.memref_squeeze %dma_start3A_212 : memref<1x!tpu.dma_semaphore, #tpu.memory_space<semaphore_mem>> -> memref<!tpu.dma_semaphore, #tpu.memory_space<semaphore_mem>>
    %dma_start3A_214 = arith.constant 0 : i32
    %dma_start3A_215 = arith.constant 0 : i32
    %dma_start3A_216 = tpu.memref_slice %arg10[%dma_start3A_204, %dma_start3A_214, %dma_start3A_215] : memref<8x32x128xf32, #tpu.memory_space<vmem>> -> memref<1x32x128xf32, #tpu.memory_space<vmem>>
    %dma_start3A_217 = tpu.memref_squeeze %dma_start3A_216 : memref<1x32x128xf32, #tpu.memory_space<vmem>> -> memref<32x128xf32, #tpu.memory_space<vmem>>
    %dma_start3A_218 = arith.constant 0 : i32
    %dma_start3A_219 = tpu.memref_slice %arg5[%dma_start3A_218, %multiple_of3A_187] : memref<32x1000000xf32, #tpu.memory_space<hbm>> -> memref<32x128xf32, #tpu.memory_space<hbm>>
    tpu.enqueue_dma source(%dma_start3A_219 : memref<32x128xf32, #tpu.memory_space<hbm>>) target(%dma_start3A_217 : memref<32x128xf32, #tpu.memory_space<vmem>>) target_semaphore(%dma_start3A_213 : memref<!tpu.dma_semaphore, #tpu.memory_space<semaphore_mem>>)
    %slice3A_220 = vector.extract_strided_slice %shift_right_logical3A_10 {offsets = [5], sizes = [1], strides = [1]} : vector<16xi32> to vector<1xi32>
    %squeeze3A_221 = vector.extract %slice3A_220[0] : i32 from vector<1xi32>
    %slice3A_222 = vector.extract_strided_slice %shift_right_logical3A_13 {offsets = [5], sizes = [1], strides = [1]} : vector<16xi32> to vector<1xi32>
    %squeeze3A_223 = vector.extract %slice3A_222[0] : i32 from vector<1xi32>
    %mul3A_224 = arith.constant 128 : i32
    %mul3A_225 = arith.muli %squeeze3A_221, %mul3A_224 : i32
    %multiple_of3A_226 = tpu.assume_multiple %mul3A_225, 128 : i32
    %mul3A_227 = arith.constant 128 : i32
    %mul3A_228 = arith.muli %squeeze3A_223, %mul3A_227 : i32
    %multiple_of3A_229 = tpu.assume_multiple %mul3A_228, 128 : i32
    %dma_start3A_230 = arith.constant 5 : i32
    %dma_start3A_231 = arith.constant 5 : i32
    %dma_start3A_232 = arith.constant 0 : i32
    %dma_start3A_233 = arith.constant 0 : i32
    %dma_start3A_234 = tpu.memref_slice %arg9[%dma_start3A_230, %dma_start3A_232, %dma_start3A_233] : memref<8x32x128xf32, #tpu.memory_space<vmem>> -> memref<1x32x128xf32, #tpu.memory_space<vmem>>
    %dma_start3A_235 = tpu.memref_squeeze %dma_start3A_234 : memref<1x32x128xf32, #tpu.memory_space<vmem>> -> memref<32x128xf32, #tpu.memory_space<vmem>>
    %dma_start3A_236 = arith.constant 0 : i32
    %dma_start3A_237 = tpu.memref_slice %arg4[%dma_start3A_236, %multiple_of3A_226] : memref<32x1000000xf32, #tpu.memory_space<hbm>> -> memref<32x128xf32, #tpu.memory_space<hbm>>
    %dma_start3A_238 = tpu.memref_slice %arg12[%dma_start3A_231] : memref<8x!tpu.dma_semaphore, #tpu.memory_space<semaphore_mem>> -> memref<1x!tpu.dma_semaphore, #tpu.memory_space<semaphore_mem>>
    %dma_start3A_239 = tpu.memref_squeeze %dma_start3A_238 : memref<1x!tpu.dma_semaphore, #tpu.memory_space<semaphore_mem>> -> memref<!tpu.dma_semaphore, #tpu.memory_space<semaphore_mem>>
    %dma_start3A_240 = arith.constant 0 : i32
    %dma_start3A_241 = arith.constant 0 : i32
    %dma_start3A_242 = tpu.memref_slice %arg9[%dma_start3A_230, %dma_start3A_240, %dma_start3A_241] : memref<8x32x128xf32, #tpu.memory_space<vmem>> -> memref<1x32x128xf32, #tpu.memory_space<vmem>>
    %dma_start3A_243 = tpu.memref_squeeze %dma_start3A_242 : memref<1x32x128xf32, #tpu.memory_space<vmem>> -> memref<32x128xf32, #tpu.memory_space<vmem>>
    %dma_start3A_244 = arith.constant 0 : i32
    %dma_start3A_245 = tpu.memref_slice %arg4[%dma_start3A_244, %multiple_of3A_226] : memref<32x1000000xf32, #tpu.memory_space<hbm>> -> memref<32x128xf32, #tpu.memory_space<hbm>>
    tpu.enqueue_dma source(%dma_start3A_245 : memref<32x128xf32, #tpu.memory_space<hbm>>) target(%dma_start3A_243 : memref<32x128xf32, #tpu.memory_space<vmem>>) target_semaphore(%dma_start3A_239 : memref<!tpu.dma_semaphore, #tpu.memory_space<semaphore_mem>>)
    %dma_start3A_246 = arith.constant 5 : i32
    %dma_start3A_247 = arith.constant 5 : i32
    %dma_start3A_248 = arith.constant 0 : i32
    %dma_start3A_249 = arith.constant 0 : i32
    %dma_start3A_250 = tpu.memref_slice %arg10[%dma_start3A_246, %dma_start3A_248, %dma_start3A_249] : memref<8x32x128xf32, #tpu.memory_space<vmem>> -> memref<1x32x128xf32, #tpu.memory_space<vmem>>
    %dma_start3A_251 = tpu.memref_squeeze %dma_start3A_250 : memref<1x32x128xf32, #tpu.memory_space<vmem>> -> memref<32x128xf32, #tpu.memory_space<vmem>>
    %dma_start3A_252 = arith.constant 0 : i32
    %dma_start3A_253 = tpu.memref_slice %arg5[%dma_start3A_252, %multiple_of3A_229] : memref<32x1000000xf32, #tpu.memory_space<hbm>> -> memref<32x128xf32, #tpu.memory_space<hbm>>
    %dma_start3A_254 = tpu.memref_slice %arg13[%dma_start3A_247] : memref<8x!tpu.dma_semaphore, #tpu.memory_space<semaphore_mem>> -> memref<1x!tpu.dma_semaphore, #tpu.memory_space<semaphore_mem>>
    %dma_start3A_255 = tpu.memref_squeeze %dma_start3A_254 : memref<1x!tpu.dma_semaphore, #tpu.memory_space<semaphore_mem>> -> memref<!tpu.dma_semaphore, #tpu.memory_space<semaphore_mem>>
    %dma_start3A_256 = arith.constant 0 : i32
    %dma_start3A_257 = arith.constant 0 : i32
    %dma_start3A_258 = tpu.memref_slice %arg10[%dma_start3A_246, %dma_start3A_256, %dma_start3A_257] : memref<8x32x128xf32, #tpu.memory_space<vmem>> -> memref<1x32x128xf32, #tpu.memory_space<vmem>>
    %dma_start3A_259 = tpu.memref_squeeze %dma_start3A_258 : memref<1x32x128xf32, #tpu.memory_space<vmem>> -> memref<32x128xf32, #tpu.memory_space<vmem>>
    %dma_start3A_260 = arith.constant 0 : i32
    %dma_start3A_261 = tpu.memref_slice %arg5[%dma_start3A_260, %multiple_of3A_229] : memref<32x1000000xf32, #tpu.memory_space<hbm>> -> memref<32x128xf32, #tpu.memory_space<hbm>>
    tpu.enqueue_dma source(%dma_start3A_261 : memref<32x128xf32, #tpu.memory_space<hbm>>) target(%dma_start3A_259 : memref<32x128xf32, #tpu.memory_space<vmem>>) target_semaphore(%dma_start3A_255 : memref<!tpu.dma_semaphore, #tpu.memory_space<semaphore_mem>>)
    %slice3A_262 = vector.extract_strided_slice %shift_right_logical3A_10 {offsets = [6], sizes = [1], strides = [1]} : vector<16xi32> to vector<1xi32>
    %squeeze3A_263 = vector.extract %slice3A_262[0] : i32 from vector<1xi32>
    %slice3A_264 = vector.extract_strided_slice %shift_right_logical3A_13 {offsets = [6], sizes = [1], strides = [1]} : vector<16xi32> to vector<1xi32>
    %squeeze3A_265 = vector.extract %slice3A_264[0] : i32 from vector<1xi32>
    %mul3A_266 = arith.constant 128 : i32
    %mul3A_267 = arith.muli %squeeze3A_263, %mul3A_266 : i32
    %multiple_of3A_268 = tpu.assume_multiple %mul3A_267, 128 : i32
    %mul3A_269 = arith.constant 128 : i32
    %mul3A_270 = arith.muli %squeeze3A_265, %mul3A_269 : i32
    %multiple_of3A_271 = tpu.assume_multiple %mul3A_270, 128 : i32
    %dma_start3A_272 = arith.constant 6 : i32
    %dma_start3A_273 = arith.constant 6 : i32
    %dma_start3A_274 = arith.constant 0 : i32
    %dma_start3A_275 = arith.constant 0 : i32
    %dma_start3A_276 = tpu.memref_slice %arg9[%dma_start3A_272, %dma_start3A_274, %dma_start3A_275] : memref<8x32x128xf32, #tpu.memory_space<vmem>> -> memref<1x32x128xf32, #tpu.memory_space<vmem>>
    %dma_start3A_277 = tpu.memref_squeeze %dma_start3A_276 : memref<1x32x128xf32, #tpu.memory_space<vmem>> -> memref<32x128xf32, #tpu.memory_space<vmem>>
    %dma_start3A_278 = arith.constant 0 : i32
    %dma_start3A_279 = tpu.memref_slice %arg4[%dma_start3A_278, %multiple_of3A_268] : memref<32x1000000xf32, #tpu.memory_space<hbm>> -> memref<32x128xf32, #tpu.memory_space<hbm>>
    %dma_start3A_280 = tpu.memref_slice %arg12[%dma_start3A_273] : memref<8x!tpu.dma_semaphore, #tpu.memory_space<semaphore_mem>> -> memref<1x!tpu.dma_semaphore, #tpu.memory_space<semaphore_mem>>
    %dma_start3A_281 = tpu.memref_squeeze %dma_start3A_280 : memref<1x!tpu.dma_semaphore, #tpu.memory_space<semaphore_mem>> -> memref<!tpu.dma_semaphore, #tpu.memory_space<semaphore_mem>>
    %dma_start3A_282 = arith.constant 0 : i32
    %dma_start3A_283 = arith.constant 0 : i32
    %dma_start3A_284 = tpu.memref_slice %arg9[%dma_start3A_272, %dma_start3A_282, %dma_start3A_283] : memref<8x32x128xf32, #tpu.memory_space<vmem>> -> memref<1x32x128xf32, #tpu.memory_space<vmem>>
    %dma_start3A_285 = tpu.memref_squeeze %dma_start3A_284 : memref<1x32x128xf32, #tpu.memory_space<vmem>> -> memref<32x128xf32, #tpu.memory_space<vmem>>
    %dma_start3A_286 = arith.constant 0 : i32
    %dma_start3A_287 = tpu.memref_slice %arg4[%dma_start3A_286, %multiple_of3A_268] : memref<32x1000000xf32, #tpu.memory_space<hbm>> -> memref<32x128xf32, #tpu.memory_space<hbm>>
    tpu.enqueue_dma source(%dma_start3A_287 : memref<32x128xf32, #tpu.memory_space<hbm>>) target(%dma_start3A_285 : memref<32x128xf32, #tpu.memory_space<vmem>>) target_semaphore(%dma_start3A_281 : memref<!tpu.dma_semaphore, #tpu.memory_space<semaphore_mem>>)
    %dma_start3A_288 = arith.constant 6 : i32
    %dma_start3A_289 = arith.constant 6 : i32
    %dma_start3A_290 = arith.constant 0 : i32
    %dma_start3A_291 = arith.constant 0 : i32
    %dma_start3A_292 = tpu.memref_slice %arg10[%dma_start3A_288, %dma_start3A_290, %dma_start3A_291] : memref<8x32x128xf32, #tpu.memory_space<vmem>> -> memref<1x32x128xf32, #tpu.memory_space<vmem>>
    %dma_start3A_293 = tpu.memref_squeeze %dma_start3A_292 : memref<1x32x128xf32, #tpu.memory_space<vmem>> -> memref<32x128xf32, #tpu.memory_space<vmem>>
    %dma_start3A_294 = arith.constant 0 : i32
    %dma_start3A_295 = tpu.memref_slice %arg5[%dma_start3A_294, %multiple_of3A_271] : memref<32x1000000xf32, #tpu.memory_space<hbm>> -> memref<32x128xf32, #tpu.memory_space<hbm>>
    %dma_start3A_296 = tpu.memref_slice %arg13[%dma_start3A_289] : memref<8x!tpu.dma_semaphore, #tpu.memory_space<semaphore_mem>> -> memref<1x!tpu.dma_semaphore, #tpu.memory_space<semaphore_mem>>
    %dma_start3A_297 = tpu.memref_squeeze %dma_start3A_296 : memref<1x!tpu.dma_semaphore, #tpu.memory_space<semaphore_mem>> -> memref<!tpu.dma_semaphore, #tpu.memory_space<semaphore_mem>>
    %dma_start3A_298 = arith.constant 0 : i32
    %dma_start3A_299 = arith.constant 0 : i32
    %dma_start3A_300 = tpu.memref_slice %arg10[%dma_start3A_288, %dma_start3A_298, %dma_start3A_299] : memref<8x32x128xf32, #tpu.memory_space<vmem>> -> memref<1x32x128xf32, #tpu.memory_space<vmem>>
    %dma_start3A_301 = tpu.memref_squeeze %dma_start3A_300 : memref<1x32x128xf32, #tpu.memory_space<vmem>> -> memref<32x128xf32, #tpu.memory_space<vmem>>
    %dma_start3A_302 = arith.constant 0 : i32
    %dma_start3A_303 = tpu.memref_slice %arg5[%dma_start3A_302, %multiple_of3A_271] : memref<32x1000000xf32, #tpu.memory_space<hbm>> -> memref<32x128xf32, #tpu.memory_space<hbm>>
    tpu.enqueue_dma source(%dma_start3A_303 : memref<32x128xf32, #tpu.memory_space<hbm>>) target(%dma_start3A_301 : memref<32x128xf32, #tpu.memory_space<vmem>>) target_semaphore(%dma_start3A_297 : memref<!tpu.dma_semaphore, #tpu.memory_space<semaphore_mem>>)
    %slice3A_304 = vector.extract_strided_slice %shift_right_logical3A_10 {offsets = [7], sizes = [1], strides = [1]} : vector<16xi32> to vector<1xi32>
    %squeeze3A_305 = vector.extract %slice3A_304[0] : i32 from vector<1xi32>
    %slice3A_306 = vector.extract_strided_slice %shift_right_logical3A_13 {offsets = [7], sizes = [1], strides = [1]} : vector<16xi32> to vector<1xi32>
    %squeeze3A_307 = vector.extract %slice3A_306[0] : i32 from vector<1xi32>
    %mul3A_308 = arith.constant 128 : i32
    %mul3A_309 = arith.muli %squeeze3A_305, %mul3A_308 : i32
    %multiple_of3A_310 = tpu.assume_multiple %mul3A_309, 128 : i32
    %mul3A_311 = arith.constant 128 : i32
    %mul3A_312 = arith.muli %squeeze3A_307, %mul3A_311 : i32
    %multiple_of3A_313 = tpu.assume_multiple %mul3A_312, 128 : i32
    %dma_start3A_314 = arith.constant 7 : i32
    %dma_start3A_315 = arith.constant 7 : i32
    %dma_start3A_316 = arith.constant 0 : i32
    %dma_start3A_317 = arith.constant 0 : i32
    %dma_start3A_318 = tpu.memref_slice %arg9[%dma_start3A_314, %dma_start3A_316, %dma_start3A_317] : memref<8x32x128xf32, #tpu.memory_space<vmem>> -> memref<1x32x128xf32, #tpu.memory_space<vmem>>
    %dma_start3A_319 = tpu.memref_squeeze %dma_start3A_318 : memref<1x32x128xf32, #tpu.memory_space<vmem>> -> memref<32x128xf32, #tpu.memory_space<vmem>>
    %dma_start3A_320 = arith.constant 0 : i32
    %dma_start3A_321 = tpu.memref_slice %arg4[%dma_start3A_320, %multiple_of3A_310] : memref<32x1000000xf32, #tpu.memory_space<hbm>> -> memref<32x128xf32, #tpu.memory_space<hbm>>
    %dma_start3A_322 = tpu.memref_slice %arg12[%dma_start3A_315] : memref<8x!tpu.dma_semaphore, #tpu.memory_space<semaphore_mem>> -> memref<1x!tpu.dma_semaphore, #tpu.memory_space<semaphore_mem>>
    %dma_start3A_323 = tpu.memref_squeeze %dma_start3A_322 : memref<1x!tpu.dma_semaphore, #tpu.memory_space<semaphore_mem>> -> memref<!tpu.dma_semaphore, #tpu.memory_space<semaphore_mem>>
    %dma_start3A_324 = arith.constant 0 : i32
    %dma_start3A_325 = arith.constant 0 : i32
    %dma_start3A_326 = tpu.memref_slice %arg9[%dma_start3A_314, %dma_start3A_324, %dma_start3A_325] : memref<8x32x128xf32, #tpu.memory_space<vmem>> -> memref<1x32x128xf32, #tpu.memory_space<vmem>>
    %dma_start3A_327 = tpu.memref_squeeze %dma_start3A_326 : memref<1x32x128xf32, #tpu.memory_space<vmem>> -> memref<32x128xf32, #tpu.memory_space<vmem>>
    %dma_start3A_328 = arith.constant 0 : i32
    %dma_start3A_329 = tpu.memref_slice %arg4[%dma_start3A_328, %multiple_of3A_310] : memref<32x1000000xf32, #tpu.memory_space<hbm>> -> memref<32x128xf32, #tpu.memory_space<hbm>>
    tpu.enqueue_dma source(%dma_start3A_329 : memref<32x128xf32, #tpu.memory_space<hbm>>) target(%dma_start3A_327 : memref<32x128xf32, #tpu.memory_space<vmem>>) target_semaphore(%dma_start3A_323 : memref<!tpu.dma_semaphore, #tpu.memory_space<semaphore_mem>>)
    %dma_start3A_330 = arith.constant 7 : i32
    %dma_start3A_331 = arith.constant 7 : i32
    %dma_start3A_332 = arith.constant 0 : i32
    %dma_start3A_333 = arith.constant 0 : i32
    %dma_start3A_334 = tpu.memref_slice %arg10[%dma_start3A_330, %dma_start3A_332, %dma_start3A_333] : memref<8x32x128xf32, #tpu.memory_space<vmem>> -> memref<1x32x128xf32, #tpu.memory_space<vmem>>
    %dma_start3A_335 = tpu.memref_squeeze %dma_start3A_334 : memref<1x32x128xf32, #tpu.memory_space<vmem>> -> memref<32x128xf32, #tpu.memory_space<vmem>>
    %dma_start3A_336 = arith.constant 0 : i32
    %dma_start3A_337 = tpu.memref_slice %arg5[%dma_start3A_336, %multiple_of3A_313] : memref<32x1000000xf32, #tpu.memory_space<hbm>> -> memref<32x128xf32, #tpu.memory_space<hbm>>
    %dma_start3A_338 = tpu.memref_slice %arg13[%dma_start3A_331] : memref<8x!tpu.dma_semaphore, #tpu.memory_space<semaphore_mem>> -> memref<1x!tpu.dma_semaphore, #tpu.memory_space<semaphore_mem>>
    %dma_start3A_339 = tpu.memref_squeeze %dma_start3A_338 : memref<1x!tpu.dma_semaphore, #tpu.memory_space<semaphore_mem>> -> memref<!tpu.dma_semaphore, #tpu.memory_space<semaphore_mem>>
    %dma_start3A_340 = arith.constant 0 : i32
    %dma_start3A_341 = arith.constant 0 : i32
    %dma_start3A_342 = tpu.memref_slice %arg10[%dma_start3A_330, %dma_start3A_340, %dma_start3A_341] : memref<8x32x128xf32, #tpu.memory_space<vmem>> -> memref<1x32x128xf32, #tpu.memory_space<vmem>>
    %dma_start3A_343 = tpu.memref_squeeze %dma_start3A_342 : memref<1x32x128xf32, #tpu.memory_space<vmem>> -> memref<32x128xf32, #tpu.memory_space<vmem>>
    %dma_start3A_344 = arith.constant 0 : i32
    %dma_start3A_345 = tpu.memref_slice %arg5[%dma_start3A_344, %multiple_of3A_313] : memref<32x1000000xf32, #tpu.memory_space<hbm>> -> memref<32x128xf32, #tpu.memory_space<hbm>>
    tpu.enqueue_dma source(%dma_start3A_345 : memref<32x128xf32, #tpu.memory_space<hbm>>) target(%dma_start3A_343 : memref<32x128xf32, #tpu.memory_space<vmem>>) target_semaphore(%dma_start3A_339 : memref<!tpu.dma_semaphore, #tpu.memory_space<semaphore_mem>>)
    %scan3A = arith.constant 0 : i32
    %scan3A_346 = arith.constant 0 : i32
    %scan3A_347 = arith.constant 32 : i32
    %scan3A_348 = arith.addi %scan3A_346, %scan3A_347 : i32
    %scan3A_349 = arith.constant 1 : i32
    scf.for %scan3A_351 = %scan3A_346 to %scan3A_348 step %scan3A_349  : i32 {
      %mul3A_352 = arith.constant 16 : i32
      %mul3A_353 = arith.muli %scan3A_351, %mul3A_352 : i32
      %get3A_354 = arith.index_cast %mul3A_353 : i32 to index
      %get3A_355 = tpu.vector_load %arg7[%get3A_354] {strides = array<i32>} : memref<512xi32, #tpu.memory_space<vmem>>, vector<16xi32>,
      %mul3A_356 = arith.constant 16 : i32
      %mul3A_357 = arith.muli %scan3A_351, %mul3A_356 : i32
      %get3A_358 = arith.index_cast %mul3A_357 : i32 to index
      %get3A_359 = tpu.vector_load %arg8[%get3A_358] {strides = array<i32>} : memref<512xi32, #tpu.memory_space<vmem>>, vector<16xi32>,
      %shift_right_logical3A_360 = arith.constant 7 : i32
      %shift_right_logical3A_361 = vector.broadcast %shift_right_logical3A_360 : i32 to vector<16xi32>
      %shift_right_logical3A_362 = arith.shrui %get3A_355, %shift_right_logical3A_361 : vector<16xi32>
      %shift_right_logical3A_363 = arith.constant 7 : i32
      %shift_right_logical3A_364 = vector.broadcast %shift_right_logical3A_363 : i32 to vector<16xi32>
      %shift_right_logical3A_365 = arith.shrui %get3A_359, %shift_right_logical3A_364 : vector<16xi32>
      %and3A = arith.constant 127 : i32
      %and3A_366 = vector.broadcast %and3A : i32 to vector<16xi32>
      %and3A_367 = arith.andi %get3A_355, %and3A_366 : vector<16xi32>
      %and3A_368 = arith.constant 127 : i32
      %and3A_369 = vector.broadcast %and3A_368 : i32 to vector<16xi32>
      %and3A_370 = arith.andi %get3A_359, %and3A_369 : vector<16xi32>
      %add3A_371 = arith.constant 1 : i32
      %add3A_372 = arith.addi %scan3A_351, %add3A_371 : i32
      %lt3A = arith.constant 32 : i32
      %lt3A_373 = arith.cmpi slt, %add3A_372, %lt3A : i32
      %add3A_374 = arith.constant 1 : i32
      %add3A_375 = arith.addi %scan3A_351, %add3A_374 : i32
      %jit3A = arith.constant 0 : i32
      %select_n3A = arith.select %lt3A_373, %add3A_375, %jit3A : i32
      %mul3A_376 = arith.constant 16 : i32
      %mul3A_377 = arith.muli %select_n3A, %mul3A_376 : i32
      %get3A_378 = arith.index_cast %mul3A_377 : i32 to index
      %get3A_379 = tpu.vector_load %arg7[%get3A_378] {strides = array<i32>} : memref<512xi32, #tpu.memory_space<vmem>>, vector<16xi32>,
      %mul3A_380 = arith.constant 16 : i32
      %mul3A_381 = arith.muli %select_n3A, %mul3A_380 : i32
      %get3A_382 = arith.index_cast %mul3A_381 : i32 to index
      %get3A_383 = tpu.vector_load %arg8[%get3A_382] {strides = array<i32>} : memref<512xi32, #tpu.memory_space<vmem>>, vector<16xi32>,
      %shift_right_logical3A_384 = arith.constant 7 : i32
      %shift_right_logical3A_385 = vector.broadcast %shift_right_logical3A_384 : i32 to vector<16xi32>
      %shift_right_logical3A_386 = arith.shrui %get3A_379, %shift_right_logical3A_385 : vector<16xi32>
      %shift_right_logical3A_387 = arith.constant 7 : i32
      %shift_right_logical3A_388 = vector.broadcast %shift_right_logical3A_387 : i32 to vector<16xi32>
      %shift_right_logical3A_389 = arith.shrui %get3A_383, %shift_right_logical3A_388 : vector<16xi32>
      %broadcast_in_dim3A = arith.constant 0.000000e+00 : f32
      %broadcast_in_dim3A_390 = vector.broadcast %broadcast_in_dim3A : f32 to vector<16xf32>
      %dma_wait3A = arith.constant 0 : i32
      %dma_wait3A_391 = arith.constant 0 : i32
      %dma_wait3A_392 = arith.constant 0 : i32
      %dma_wait3A_393 = arith.constant 0 : i32
      %dma_wait3A_394 = tpu.memref_slice %arg9[%dma_wait3A, %dma_wait3A_392, %dma_wait3A_393] : memref<8x32x128xf32, #tpu.memory_space<vmem>> -> memref<1x32x128xf32, #tpu.memory_space<vmem>>
      %dma_wait3A_395 = tpu.memref_squeeze %dma_wait3A_394 : memref<1x32x128xf32, #tpu.memory_space<vmem>> -> memref<32x128xf32, #tpu.memory_space<vmem>>
      %dma_wait3A_396 = arith.constant 0 : i32
      %dma_wait3A_397 = arith.constant 0 : i32
      %dma_wait3A_398 = tpu.memref_slice %arg4[%dma_wait3A_396, %dma_wait3A_397] : memref<32x1000000xf32, #tpu.memory_space<hbm>> -> memref<32x128xf32, #tpu.memory_space<hbm>>
      %dma_wait3A_399 = tpu.memref_slice %arg12[%dma_wait3A_391] : memref<8x!tpu.dma_semaphore, #tpu.memory_space<semaphore_mem>> -> memref<1x!tpu.dma_semaphore, #tpu.memory_space<semaphore_mem>>
      %dma_wait3A_400 = tpu.memref_squeeze %dma_wait3A_399 : memref<1x!tpu.dma_semaphore, #tpu.memory_space<semaphore_mem>> -> memref<!tpu.dma_semaphore, #tpu.memory_space<semaphore_mem>>
      %dma_wait3A_401 = arith.constant 0 : i32
      %dma_wait3A_402 = arith.constant 0 : i32
      %dma_wait3A_403 = tpu.memref_slice %arg9[%dma_wait3A, %dma_wait3A_401, %dma_wait3A_402] : memref<8x32x128xf32, #tpu.memory_space<vmem>> -> memref<1x32x128xf32, #tpu.memory_space<vmem>>
      %dma_wait3A_404 = tpu.memref_squeeze %dma_wait3A_403 : memref<1x32x128xf32, #tpu.memory_space<vmem>> -> memref<32x128xf32, #tpu.memory_space<vmem>>
      %dma_wait3A_405 = arith.constant 0 : i32
      %dma_wait3A_406 = arith.constant 0 : i32
      %dma_wait3A_407 = tpu.memref_slice %arg4[%dma_wait3A_405, %dma_wait3A_406] : memref<32x1000000xf32, #tpu.memory_space<hbm>> -> memref<32x128xf32, #tpu.memory_space<hbm>>
      tpu.wait_dma2 semaphore(%dma_wait3A_400 : memref<!tpu.dma_semaphore, #tpu.memory_space<semaphore_mem>>) src(%dma_wait3A_407 : memref<32x128xf32, #tpu.memory_space<hbm>>) dst(%dma_wait3A_404 : memref<32x128xf32, #tpu.memory_space<vmem>>)
      %dma_wait3A_408 = arith.constant 0 : i32
      %dma_wait3A_409 = arith.constant 0 : i32
      %dma_wait3A_410 = arith.constant 0 : i32
      %dma_wait3A_411 = arith.constant 0 : i32
      %dma_wait3A_412 = tpu.memref_slice %arg10[%dma_wait3A_408, %dma_wait3A_410, %dma_wait3A_411] : memref<8x32x128xf32, #tpu.memory_space<vmem>> -> memref<1x32x128xf32, #tpu.memory_space<vmem>>
      %dma_wait3A_413 = tpu.memref_squeeze %dma_wait3A_412 : memref<1x32x128xf32, #tpu.memory_space<vmem>> -> memref<32x128xf32, #tpu.memory_space<vmem>>
      %dma_wait3A_414 = arith.constant 0 : i32
      %dma_wait3A_415 = arith.constant 0 : i32
      %dma_wait3A_416 = tpu.memref_slice %arg5[%dma_wait3A_414, %dma_wait3A_415] : memref<32x1000000xf32, #tpu.memory_space<hbm>> -> memref<32x128xf32, #tpu.memory_space<hbm>>
      %dma_wait3A_417 = tpu.memref_slice %arg13[%dma_wait3A_409] : memref<8x!tpu.dma_semaphore, #tpu.memory_space<semaphore_mem>> -> memref<1x!tpu.dma_semaphore, #tpu.memory_space<semaphore_mem>>
      %dma_wait3A_418 = tpu.memref_squeeze %dma_wait3A_417 : memref<1x!tpu.dma_semaphore, #tpu.memory_space<semaphore_mem>> -> memref<!tpu.dma_semaphore, #tpu.memory_space<semaphore_mem>>
      %dma_wait3A_419 = arith.constant 0 : i32
      %dma_wait3A_420 = arith.constant 0 : i32
      %dma_wait3A_421 = tpu.memref_slice %arg10[%dma_wait3A_408, %dma_wait3A_419, %dma_wait3A_420] : memref<8x32x128xf32, #tpu.memory_space<vmem>> -> memref<1x32x128xf32, #tpu.memory_space<vmem>>
      %dma_wait3A_422 = tpu.memref_squeeze %dma_wait3A_421 : memref<1x32x128xf32, #tpu.memory_space<vmem>> -> memref<32x128xf32, #tpu.memory_space<vmem>>
      %dma_wait3A_423 = arith.constant 0 : i32
      %dma_wait3A_424 = arith.constant 0 : i32
      %dma_wait3A_425 = tpu.memref_slice %arg5[%dma_wait3A_423, %dma_wait3A_424] : memref<32x1000000xf32, #tpu.memory_space<hbm>> -> memref<32x128xf32, #tpu.memory_space<hbm>>
      tpu.wait_dma2 semaphore(%dma_wait3A_418 : memref<!tpu.dma_semaphore, #tpu.memory_space<semaphore_mem>>) src(%dma_wait3A_425 : memref<32x128xf32, #tpu.memory_space<hbm>>) dst(%dma_wait3A_422 : memref<32x128xf32, #tpu.memory_space<vmem>>)
      %broadcast_in_dim3A_426 = arith.constant 0 : i32
      %broadcast_in_dim3A_427 = vector.broadcast %broadcast_in_dim3A_426 : i32 to vector<16xi32>
      %slice3A_428 = vector.extract_strided_slice %and3A_367 {offsets = [0], sizes = [1], strides = [1]} : vector<16xi32> to vector<1xi32>
      %squeeze3A_429 = vector.extract %slice3A_428[0] : i32 from vector<1xi32>
      %broadcast_in_dim3A_430 = vector.broadcast %squeeze3A_429 : i32 to vector<16xi32>
      %slice3A_431 = vector.extract_strided_slice %and3A_370 {offsets = [0], sizes = [1], strides = [1]} : vector<16xi32> to vector<1xi32>
      %squeeze3A_432 = vector.extract %slice3A_431[0] : i32 from vector<1xi32>
      %broadcast_in_dim3A_433 = vector.broadcast %squeeze3A_432 : i32 to vector<16xi32>
      %gather3A = tpu.vector_load_idx %arg9[%broadcast_in_dim3A_427, %iota3A, %broadcast_in_dim3A_430] : memref<8x32x128xf32, #tpu.memory_space<vmem>>[vector<16xi32>, vector<16xi32>, vector<16xi32>], vector<16xf32>,
      %gather3A_434 = tpu.vector_load_idx %arg9[%broadcast_in_dim3A_427, %add3A_5, %broadcast_in_dim3A_430] : memref<8x32x128xf32, #tpu.memory_space<vmem>>[vector<16xi32>, vector<16xi32>, vector<16xi32>], vector<16xf32>,
      %gather3A_435 = tpu.vector_load_idx %arg10[%broadcast_in_dim3A_427, %iota3A, %broadcast_in_dim3A_433] : memref<8x32x128xf32, #tpu.memory_space<vmem>>[vector<16xi32>, vector<16xi32>, vector<16xi32>], vector<16xf32>,
      %gather3A_436 = tpu.vector_load_idx %arg10[%broadcast_in_dim3A_427, %add3A_5, %broadcast_in_dim3A_433] : memref<8x32x128xf32, #tpu.memory_space<vmem>>[vector<16xi32>, vector<16xi32>, vector<16xi32>], vector<16xf32>,
      %mul3A_437 = arith.mulf %gather3A, %gather3A_435 : vector<16xf32>
      %mul3A_438 = arith.mulf %gather3A_434, %gather3A_436 : vector<16xf32>
      %add3A_439 = arith.addf %mul3A_437, %mul3A_438 : vector<16xf32>
      %reduce_sum3A = arith.constant true
      %reduce_sum3A_440 = vector.broadcast %reduce_sum3A : i1 to vector<16xi1>
      %reduce_sum3A_441 = tpu.scan <sum>, %add3A_439 masked %reduce_sum3A_440 : vector<16xf32>, vector<16xi1> -> vector<16xf32>
      %reduce_sum3A_442 = vector.extract %reduce_sum3A_441[15] : f32 from vector<16xf32>
      %eq3A = arith.constant 0 : i32
      %eq3A_443 = vector.broadcast %eq3A : i32 to vector<16xi32>
      %eq3A_444 = arith.cmpi eq, %iota3A, %eq3A_443 : vector<16xi32>
      %broadcast_in_dim3A_445 = vector.broadcast %reduce_sum3A_442 : f32 to vector<16xf32>
      %select_n3A_446 = arith.select %eq3A_444, %broadcast_in_dim3A_445, %broadcast_in_dim3A_390 : vector<16xi1>, vector<16xf32>
      %slice3A_447 = vector.extract_strided_slice %shift_right_logical3A_362 {offsets = [8], sizes = [1], strides = [1]} : vector<16xi32> to vector<1xi32>
      %squeeze3A_448 = vector.extract %slice3A_447[0] : i32 from vector<1xi32>
      %slice3A_449 = vector.extract_strided_slice %shift_right_logical3A_365 {offsets = [8], sizes = [1], strides = [1]} : vector<16xi32> to vector<1xi32>
      %squeeze3A_450 = vector.extract %slice3A_449[0] : i32 from vector<1xi32>
      %mul3A_451 = arith.constant 128 : i32
      %mul3A_452 = arith.muli %squeeze3A_448, %mul3A_451 : i32
      %multiple_of3A_453 = tpu.assume_multiple %mul3A_452, 128 : i32
      %mul3A_454 = arith.constant 128 : i32
      %mul3A_455 = arith.muli %squeeze3A_450, %mul3A_454 : i32
      %multiple_of3A_456 = tpu.assume_multiple %mul3A_455, 128 : i32
      %dma_start3A_457 = arith.constant 0 : i32
      %dma_start3A_458 = arith.constant 0 : i32
      %dma_start3A_459 = arith.constant 0 : i32
      %dma_start3A_460 = arith.constant 0 : i32
      %dma_start3A_461 = tpu.memref_slice %arg9[%dma_start3A_457, %dma_start3A_459, %dma_start3A_460] : memref<8x32x128xf32, #tpu.memory_space<vmem>> -> memref<1x32x128xf32, #tpu.memory_space<vmem>>
      %dma_start3A_462 = tpu.memref_squeeze %dma_start3A_461 : memref<1x32x128xf32, #tpu.memory_space<vmem>> -> memref<32x128xf32, #tpu.memory_space<vmem>>
      %dma_start3A_463 = arith.constant 0 : i32
      %dma_start3A_464 = tpu.memref_slice %arg4[%dma_start3A_463, %multiple_of3A_453] : memref<32x1000000xf32, #tpu.memory_space<hbm>> -> memref<32x128xf32, #tpu.memory_space<hbm>>
      %dma_start3A_465 = tpu.memref_slice %arg12[%dma_start3A_458] : memref<8x!tpu.dma_semaphore, #tpu.memory_space<semaphore_mem>> -> memref<1x!tpu.dma_semaphore, #tpu.memory_space<semaphore_mem>>
      %dma_start3A_466 = tpu.memref_squeeze %dma_start3A_465 : memref<1x!tpu.dma_semaphore, #tpu.memory_space<semaphore_mem>> -> memref<!tpu.dma_semaphore, #tpu.memory_space<semaphore_mem>>
      %dma_start3A_467 = arith.constant 0 : i32
      %dma_start3A_468 = arith.constant 0 : i32
      %dma_start3A_469 = tpu.memref_slice %arg9[%dma_start3A_457, %dma_start3A_467, %dma_start3A_468] : memref<8x32x128xf32, #tpu.memory_space<vmem>> -> memref<1x32x128xf32, #tpu.memory_space<vmem>>
      %dma_start3A_470 = tpu.memref_squeeze %dma_start3A_469 : memref<1x32x128xf32, #tpu.memory_space<vmem>> -> memref<32x128xf32, #tpu.memory_space<vmem>>
      %dma_start3A_471 = arith.constant 0 : i32
      %dma_start3A_472 = tpu.memref_slice %arg4[%dma_start3A_471, %multiple_of3A_453] : memref<32x1000000xf32, #tpu.memory_space<hbm>> -> memref<32x128xf32, #tpu.memory_space<hbm>>
      tpu.enqueue_dma source(%dma_start3A_472 : memref<32x128xf32, #tpu.memory_space<hbm>>) target(%dma_start3A_470 : memref<32x128xf32, #tpu.memory_space<vmem>>) target_semaphore(%dma_start3A_466 : memref<!tpu.dma_semaphore, #tpu.memory_space<semaphore_mem>>)
      %dma_start3A_473 = arith.constant 0 : i32
      %dma_start3A_474 = arith.constant 0 : i32
      %dma_start3A_475 = arith.constant 0 : i32
      %dma_start3A_476 = arith.constant 0 : i32
      %dma_start3A_477 = tpu.memref_slice %arg10[%dma_start3A_473, %dma_start3A_475, %dma_start3A_476] : memref<8x32x128xf32, #tpu.memory_space<vmem>> -> memref<1x32x128xf32, #tpu.memory_space<vmem>>
      %dma_start3A_478 = tpu.memref_squeeze %dma_start3A_477 : memref<1x32x128xf32, #tpu.memory_space<vmem>> -> memref<32x128xf32, #tpu.memory_space<vmem>>
      %dma_start3A_479 = arith.constant 0 : i32
      %dma_start3A_480 = tpu.memref_slice %arg5[%dma_start3A_479, %multiple_of3A_456] : memref<32x1000000xf32, #tpu.memory_space<hbm>> -> memref<32x128xf32, #tpu.memory_space<hbm>>
      %dma_start3A_481 = tpu.memref_slice %arg13[%dma_start3A_474] : memref<8x!tpu.dma_semaphore, #tpu.memory_space<semaphore_mem>> -> memref<1x!tpu.dma_semaphore, #tpu.memory_space<semaphore_mem>>
      %dma_start3A_482 = tpu.memref_squeeze %dma_start3A_481 : memref<1x!tpu.dma_semaphore, #tpu.memory_space<semaphore_mem>> -> memref<!tpu.dma_semaphore, #tpu.memory_space<semaphore_mem>>
      %dma_start3A_483 = arith.constant 0 : i32
      %dma_start3A_484 = arith.constant 0 : i32
      %dma_start3A_485 = tpu.memref_slice %arg10[%dma_start3A_473, %dma_start3A_483, %dma_start3A_484] : memref<8x32x128xf32, #tpu.memory_space<vmem>> -> memref<1x32x128xf32, #tpu.memory_space<vmem>>
      %dma_start3A_486 = tpu.memref_squeeze %dma_start3A_485 : memref<1x32x128xf32, #tpu.memory_space<vmem>> -> memref<32x128xf32, #tpu.memory_space<vmem>>
      %dma_start3A_487 = arith.constant 0 : i32
      %dma_start3A_488 = tpu.memref_slice %arg5[%dma_start3A_487, %multiple_of3A_456] : memref<32x1000000xf32, #tpu.memory_space<hbm>> -> memref<32x128xf32, #tpu.memory_space<hbm>>
      tpu.enqueue_dma source(%dma_start3A_488 : memref<32x128xf32, #tpu.memory_space<hbm>>) target(%dma_start3A_486 : memref<32x128xf32, #tpu.memory_space<vmem>>) target_semaphore(%dma_start3A_482 : memref<!tpu.dma_semaphore, #tpu.memory_space<semaphore_mem>>)
      %dma_wait3A_489 = arith.constant 1 : i32
      %dma_wait3A_490 = arith.constant 1 : i32
      %dma_wait3A_491 = arith.constant 0 : i32
      %dma_wait3A_492 = arith.constant 0 : i32
      %dma_wait3A_493 = tpu.memref_slice %arg9[%dma_wait3A_489, %dma_wait3A_491, %dma_wait3A_492] : memref<8x32x128xf32, #tpu.memory_space<vmem>> -> memref<1x32x128xf32, #tpu.memory_space<vmem>>
      %dma_wait3A_494 = tpu.memref_squeeze %dma_wait3A_493 : memref<1x32x128xf32, #tpu.memory_space<vmem>> -> memref<32x128xf32, #tpu.memory_space<vmem>>
      %dma_wait3A_495 = arith.constant 0 : i32
      %dma_wait3A_496 = arith.constant 0 : i32
      %dma_wait3A_497 = tpu.memref_slice %arg4[%dma_wait3A_495, %dma_wait3A_496] : memref<32x1000000xf32, #tpu.memory_space<hbm>> -> memref<32x128xf32, #tpu.memory_space<hbm>>
      %dma_wait3A_498 = tpu.memref_slice %arg12[%dma_wait3A_490] : memref<8x!tpu.dma_semaphore, #tpu.memory_space<semaphore_mem>> -> memref<1x!tpu.dma_semaphore, #tpu.memory_space<semaphore_mem>>
      %dma_wait3A_499 = tpu.memref_squeeze %dma_wait3A_498 : memref<1x!tpu.dma_semaphore, #tpu.memory_space<semaphore_mem>> -> memref<!tpu.dma_semaphore, #tpu.memory_space<semaphore_mem>>
      %dma_wait3A_500 = arith.constant 0 : i32
      %dma_wait3A_501 = arith.constant 0 : i32
      %dma_wait3A_502 = tpu.memref_slice %arg9[%dma_wait3A_489, %dma_wait3A_500, %dma_wait3A_501] : memref<8x32x128xf32, #tpu.memory_space<vmem>> -> memref<1x32x128xf32, #tpu.memory_space<vmem>>
      %dma_wait3A_503 = tpu.memref_squeeze %dma_wait3A_502 : memref<1x32x128xf32, #tpu.memory_space<vmem>> -> memref<32x128xf32, #tpu.memory_space<vmem>>
      %dma_wait3A_504 = arith.constant 0 : i32
      %dma_wait3A_505 = arith.constant 0 : i32
      %dma_wait3A_506 = tpu.memref_slice %arg4[%dma_wait3A_504, %dma_wait3A_505] : memref<32x1000000xf32, #tpu.memory_space<hbm>> -> memref<32x128xf32, #tpu.memory_space<hbm>>
      tpu.wait_dma2 semaphore(%dma_wait3A_499 : memref<!tpu.dma_semaphore, #tpu.memory_space<semaphore_mem>>) src(%dma_wait3A_506 : memref<32x128xf32, #tpu.memory_space<hbm>>) dst(%dma_wait3A_503 : memref<32x128xf32, #tpu.memory_space<vmem>>)
      %dma_wait3A_507 = arith.constant 1 : i32
      %dma_wait3A_508 = arith.constant 1 : i32
      %dma_wait3A_509 = arith.constant 0 : i32
      %dma_wait3A_510 = arith.constant 0 : i32
      %dma_wait3A_511 = tpu.memref_slice %arg10[%dma_wait3A_507, %dma_wait3A_509, %dma_wait3A_510] : memref<8x32x128xf32, #tpu.memory_space<vmem>> -> memref<1x32x128xf32, #tpu.memory_space<vmem>>
      %dma_wait3A_512 = tpu.memref_squeeze %dma_wait3A_511 : memref<1x32x128xf32, #tpu.memory_space<vmem>> -> memref<32x128xf32, #tpu.memory_space<vmem>>
      %dma_wait3A_513 = arith.constant 0 : i32
      %dma_wait3A_514 = arith.constant 0 : i32
      %dma_wait3A_515 = tpu.memref_slice %arg5[%dma_wait3A_513, %dma_wait3A_514] : memref<32x1000000xf32, #tpu.memory_space<hbm>> -> memref<32x128xf32, #tpu.memory_space<hbm>>
      %dma_wait3A_516 = tpu.memref_slice %arg13[%dma_wait3A_508] : memref<8x!tpu.dma_semaphore, #tpu.memory_space<semaphore_mem>> -> memref<1x!tpu.dma_semaphore, #tpu.memory_space<semaphore_mem>>
      %dma_wait3A_517 = tpu.memref_squeeze %dma_wait3A_516 : memref<1x!tpu.dma_semaphore, #tpu.memory_space<semaphore_mem>> -> memref<!tpu.dma_semaphore, #tpu.memory_space<semaphore_mem>>
      %dma_wait3A_518 = arith.constant 0 : i32
      %dma_wait3A_519 = arith.constant 0 : i32
      %dma_wait3A_520 = tpu.memref_slice %arg10[%dma_wait3A_507, %dma_wait3A_518, %dma_wait3A_519] : memref<8x32x128xf32, #tpu.memory_space<vmem>> -> memref<1x32x128xf32, #tpu.memory_space<vmem>>
      %dma_wait3A_521 = tpu.memref_squeeze %dma_wait3A_520 : memref<1x32x128xf32, #tpu.memory_space<vmem>> -> memref<32x128xf32, #tpu.memory_space<vmem>>
      %dma_wait3A_522 = arith.constant 0 : i32
      %dma_wait3A_523 = arith.constant 0 : i32
      %dma_wait3A_524 = tpu.memref_slice %arg5[%dma_wait3A_522, %dma_wait3A_523] : memref<32x1000000xf32, #tpu.memory_space<hbm>> -> memref<32x128xf32, #tpu.memory_space<hbm>>
      tpu.wait_dma2 semaphore(%dma_wait3A_517 : memref<!tpu.dma_semaphore, #tpu.memory_space<semaphore_mem>>) src(%dma_wait3A_524 : memref<32x128xf32, #tpu.memory_space<hbm>>) dst(%dma_wait3A_521 : memref<32x128xf32, #tpu.memory_space<vmem>>)
      %broadcast_in_dim3A_525 = arith.constant 1 : i32
      %broadcast_in_dim3A_526 = vector.broadcast %broadcast_in_dim3A_525 : i32 to vector<16xi32>
      %slice3A_527 = vector.extract_strided_slice %and3A_367 {offsets = [1], sizes = [1], strides = [1]} : vector<16xi32> to vector<1xi32>
      %squeeze3A_528 = vector.extract %slice3A_527[0] : i32 from vector<1xi32>
      %broadcast_in_dim3A_529 = vector.broadcast %squeeze3A_528 : i32 to vector<16xi32>
      %slice3A_530 = vector.extract_strided_slice %and3A_370 {offsets = [1], sizes = [1], strides = [1]} : vector<16xi32> to vector<1xi32>
      %squeeze3A_531 = vector.extract %slice3A_530[0] : i32 from vector<1xi32>
      %broadcast_in_dim3A_532 = vector.broadcast %squeeze3A_531 : i32 to vector<16xi32>
      %gather3A_533 = tpu.vector_load_idx %arg9[%broadcast_in_dim3A_526, %iota3A, %broadcast_in_dim3A_529] : memref<8x32x128xf32, #tpu.memory_space<vmem>>[vector<16xi32>, vector<16xi32>, vector<16xi32>], vector<16xf32>,
      %gather3A_534 = tpu.vector_load_idx %arg9[%broadcast_in_dim3A_526, %add3A_5, %broadcast_in_dim3A_529] : memref<8x32x128xf32, #tpu.memory_space<vmem>>[vector<16xi32>, vector<16xi32>, vector<16xi32>], vector<16xf32>,
      %gather3A_535 = tpu.vector_load_idx %arg10[%broadcast_in_dim3A_526, %iota3A, %broadcast_in_dim3A_532] : memref<8x32x128xf32, #tpu.memory_space<vmem>>[vector<16xi32>, vector<16xi32>, vector<16xi32>], vector<16xf32>,
      %gather3A_536 = tpu.vector_load_idx %arg10[%broadcast_in_dim3A_526, %add3A_5, %broadcast_in_dim3A_532] : memref<8x32x128xf32, #tpu.memory_space<vmem>>[vector<16xi32>, vector<16xi32>, vector<16xi32>], vector<16xf32>,
      %mul3A_537 = arith.mulf %gather3A_533, %gather3A_535 : vector<16xf32>
      %mul3A_538 = arith.mulf %gather3A_534, %gather3A_536 : vector<16xf32>
      %add3A_539 = arith.addf %mul3A_537, %mul3A_538 : vector<16xf32>
      %reduce_sum3A_540 = arith.constant true
      %reduce_sum3A_541 = vector.broadcast %reduce_sum3A_540 : i1 to vector<16xi1>
      %reduce_sum3A_542 = tpu.scan <sum>, %add3A_539 masked %reduce_sum3A_541 : vector<16xf32>, vector<16xi1> -> vector<16xf32>
      %reduce_sum3A_543 = vector.extract %reduce_sum3A_542[15] : f32 from vector<16xf32>
      %eq3A_544 = arith.constant 1 : i32
      %eq3A_545 = vector.broadcast %eq3A_544 : i32 to vector<16xi32>
      %eq3A_546 = arith.cmpi eq, %iota3A, %eq3A_545 : vector<16xi32>
      %broadcast_in_dim3A_547 = vector.broadcast %reduce_sum3A_543 : f32 to vector<16xf32>
      %select_n3A_548 = arith.select %eq3A_546, %broadcast_in_dim3A_547, %select_n3A_446 : vector<16xi1>, vector<16xf32>
      %slice3A_549 = vector.extract_strided_slice %shift_right_logical3A_362 {offsets = [9], sizes = [1], strides = [1]} : vector<16xi32> to vector<1xi32>
      %squeeze3A_550 = vector.extract %slice3A_549[0] : i32 from vector<1xi32>
      %slice3A_551 = vector.extract_strided_slice %shift_right_logical3A_365 {offsets = [9], sizes = [1], strides = [1]} : vector<16xi32> to vector<1xi32>
      %squeeze3A_552 = vector.extract %slice3A_551[0] : i32 from vector<1xi32>
      %mul3A_553 = arith.constant 128 : i32
      %mul3A_554 = arith.muli %squeeze3A_550, %mul3A_553 : i32
      %multiple_of3A_555 = tpu.assume_multiple %mul3A_554, 128 : i32
      %mul3A_556 = arith.constant 128 : i32
      %mul3A_557 = arith.muli %squeeze3A_552, %mul3A_556 : i32
      %multiple_of3A_558 = tpu.assume_multiple %mul3A_557, 128 : i32
      %dma_start3A_559 = arith.constant 1 : i32
      %dma_start3A_560 = arith.constant 1 : i32
      %dma_start3A_561 = arith.constant 0 : i32
      %dma_start3A_562 = arith.constant 0 : i32
      %dma_start3A_563 = tpu.memref_slice %arg9[%dma_start3A_559, %dma_start3A_561, %dma_start3A_562] : memref<8x32x128xf32, #tpu.memory_space<vmem>> -> memref<1x32x128xf32, #tpu.memory_space<vmem>>
      %dma_start3A_564 = tpu.memref_squeeze %dma_start3A_563 : memref<1x32x128xf32, #tpu.memory_space<vmem>> -> memref<32x128xf32, #tpu.memory_space<vmem>>
      %dma_start3A_565 = arith.constant 0 : i32
      %dma_start3A_566 = tpu.memref_slice %arg4[%dma_start3A_565, %multiple_of3A_555] : memref<32x1000000xf32, #tpu.memory_space<hbm>> -> memref<32x128xf32, #tpu.memory_space<hbm>>
      %dma_start3A_567 = tpu.memref_slice %arg12[%dma_start3A_560] : memref<8x!tpu.dma_semaphore, #tpu.memory_space<semaphore_mem>> -> memref<1x!tpu.dma_semaphore, #tpu.memory_space<semaphore_mem>>
      %dma_start3A_568 = tpu.memref_squeeze %dma_start3A_567 : memref<1x!tpu.dma_semaphore, #tpu.memory_space<semaphore_mem>> -> memref<!tpu.dma_semaphore, #tpu.memory_space<semaphore_mem>>
      %dma_start3A_569 = arith.constant 0 : i32
      %dma_start3A_570 = arith.constant 0 : i32
      %dma_start3A_571 = tpu.memref_slice %arg9[%dma_start3A_559, %dma_start3A_569, %dma_start3A_570] : memref<8x32x128xf32, #tpu.memory_space<vmem>> -> memref<1x32x128xf32, #tpu.memory_space<vmem>>
      %dma_start3A_572 = tpu.memref_squeeze %dma_start3A_571 : memref<1x32x128xf32, #tpu.memory_space<vmem>> -> memref<32x128xf32, #tpu.memory_space<vmem>>
      %dma_start3A_573 = arith.constant 0 : i32
      %dma_start3A_574 = tpu.memref_slice %arg4[%dma_start3A_573, %multiple_of3A_555] : memref<32x1000000xf32, #tpu.memory_space<hbm>> -> memref<32x128xf32, #tpu.memory_space<hbm>>
      tpu.enqueue_dma source(%dma_start3A_574 : memref<32x128xf32, #tpu.memory_space<hbm>>) target(%dma_start3A_572 : memref<32x128xf32, #tpu.memory_space<vmem>>) target_semaphore(%dma_start3A_568 : memref<!tpu.dma_semaphore, #tpu.memory_space<semaphore_mem>>)
      %dma_start3A_575 = arith.constant 1 : i32
      %dma_start3A_576 = arith.constant 1 : i32
      %dma_start3A_577 = arith.constant 0 : i32
      %dma_start3A_578 = arith.constant 0 : i32
      %dma_start3A_579 = tpu.memref_slice %arg10[%dma_start3A_575, %dma_start3A_577, %dma_start3A_578] : memref<8x32x128xf32, #tpu.memory_space<vmem>> -> memref<1x32x128xf32, #tpu.memory_space<vmem>>
      %dma_start3A_580 = tpu.memref_squeeze %dma_start3A_579 : memref<1x32x128xf32, #tpu.memory_space<vmem>> -> memref<32x128xf32, #tpu.memory_space<vmem>>
      %dma_start3A_581 = arith.constant 0 : i32
      %dma_start3A_582 = tpu.memref_slice %arg5[%dma_start3A_581, %multiple_of3A_558] : memref<32x1000000xf32, #tpu.memory_space<hbm>> -> memref<32x128xf32, #tpu.memory_space<hbm>>
      %dma_start3A_583 = tpu.memref_slice %arg13[%dma_start3A_576] : memref<8x!tpu.dma_semaphore, #tpu.memory_space<semaphore_mem>> -> memref<1x!tpu.dma_semaphore, #tpu.memory_space<semaphore_mem>>
      %dma_start3A_584 = tpu.memref_squeeze %dma_start3A_583 : memref<1x!tpu.dma_semaphore, #tpu.memory_space<semaphore_mem>> -> memref<!tpu.dma_semaphore, #tpu.memory_space<semaphore_mem>>
      %dma_start3A_585 = arith.constant 0 : i32
      %dma_start3A_586 = arith.constant 0 : i32
      %dma_start3A_587 = tpu.memref_slice %arg10[%dma_start3A_575, %dma_start3A_585, %dma_start3A_586] : memref<8x32x128xf32, #tpu.memory_space<vmem>> -> memref<1x32x128xf32, #tpu.memory_space<vmem>>
      %dma_start3A_588 = tpu.memref_squeeze %dma_start3A_587 : memref<1x32x128xf32, #tpu.memory_space<vmem>> -> memref<32x128xf32, #tpu.memory_space<vmem>>
      %dma_start3A_589 = arith.constant 0 : i32
      %dma_start3A_590 = tpu.memref_slice %arg5[%dma_start3A_589, %multiple_of3A_558] : memref<32x1000000xf32, #tpu.memory_space<hbm>> -> memref<32x128xf32, #tpu.memory_space<hbm>>
      tpu.enqueue_dma source(%dma_start3A_590 : memref<32x128xf32, #tpu.memory_space<hbm>>) target(%dma_start3A_588 : memref<32x128xf32, #tpu.memory_space<vmem>>) target_semaphore(%dma_start3A_584 : memref<!tpu.dma_semaphore, #tpu.memory_space<semaphore_mem>>)
      %dma_wait3A_591 = arith.constant 2 : i32
      %dma_wait3A_592 = arith.constant 2 : i32
      %dma_wait3A_593 = arith.constant 0 : i32
      %dma_wait3A_594 = arith.constant 0 : i32
      %dma_wait3A_595 = tpu.memref_slice %arg9[%dma_wait3A_591, %dma_wait3A_593, %dma_wait3A_594] : memref<8x32x128xf32, #tpu.memory_space<vmem>> -> memref<1x32x128xf32, #tpu.memory_space<vmem>>
      %dma_wait3A_596 = tpu.memref_squeeze %dma_wait3A_595 : memref<1x32x128xf32, #tpu.memory_space<vmem>> -> memref<32x128xf32, #tpu.memory_space<vmem>>
      %dma_wait3A_597 = arith.constant 0 : i32
      %dma_wait3A_598 = arith.constant 0 : i32
      %dma_wait3A_599 = tpu.memref_slice %arg4[%dma_wait3A_597, %dma_wait3A_598] : memref<32x1000000xf32, #tpu.memory_space<hbm>> -> memref<32x128xf32, #tpu.memory_space<hbm>>
      %dma_wait3A_600 = tpu.memref_slice %arg12[%dma_wait3A_592] : memref<8x!tpu.dma_semaphore, #tpu.memory_space<semaphore_mem>> -> memref<1x!tpu.dma_semaphore, #tpu.memory_space<semaphore_mem>>
      %dma_wait3A_601 = tpu.memref_squeeze %dma_wait3A_600 : memref<1x!tpu.dma_semaphore, #tpu.memory_space<semaphore_mem>> -> memref<!tpu.dma_semaphore, #tpu.memory_space<semaphore_mem>>
      %dma_wait3A_602 = arith.constant 0 : i32
      %dma_wait3A_603 = arith.constant 0 : i32
      %dma_wait3A_604 = tpu.memref_slice %arg9[%dma_wait3A_591, %dma_wait3A_602, %dma_wait3A_603] : memref<8x32x128xf32, #tpu.memory_space<vmem>> -> memref<1x32x128xf32, #tpu.memory_space<vmem>>
      %dma_wait3A_605 = tpu.memref_squeeze %dma_wait3A_604 : memref<1x32x128xf32, #tpu.memory_space<vmem>> -> memref<32x128xf32, #tpu.memory_space<vmem>>
      %dma_wait3A_606 = arith.constant 0 : i32
      %dma_wait3A_607 = arith.constant 0 : i32
      %dma_wait3A_608 = tpu.memref_slice %arg4[%dma_wait3A_606, %dma_wait3A_607] : memref<32x1000000xf32, #tpu.memory_space<hbm>> -> memref<32x128xf32, #tpu.memory_space<hbm>>
      tpu.wait_dma2 semaphore(%dma_wait3A_601 : memref<!tpu.dma_semaphore, #tpu.memory_space<semaphore_mem>>) src(%dma_wait3A_608 : memref<32x128xf32, #tpu.memory_space<hbm>>) dst(%dma_wait3A_605 : memref<32x128xf32, #tpu.memory_space<vmem>>)
      %dma_wait3A_609 = arith.constant 2 : i32
      %dma_wait3A_610 = arith.constant 2 : i32
      %dma_wait3A_611 = arith.constant 0 : i32
      %dma_wait3A_612 = arith.constant 0 : i32
      %dma_wait3A_613 = tpu.memref_slice %arg10[%dma_wait3A_609, %dma_wait3A_611, %dma_wait3A_612] : memref<8x32x128xf32, #tpu.memory_space<vmem>> -> memref<1x32x128xf32, #tpu.memory_space<vmem>>
      %dma_wait3A_614 = tpu.memref_squeeze %dma_wait3A_613 : memref<1x32x128xf32, #tpu.memory_space<vmem>> -> memref<32x128xf32, #tpu.memory_space<vmem>>
      %dma_wait3A_615 = arith.constant 0 : i32
      %dma_wait3A_616 = arith.constant 0 : i32
      %dma_wait3A_617 = tpu.memref_slice %arg5[%dma_wait3A_615, %dma_wait3A_616] : memref<32x1000000xf32, #tpu.memory_space<hbm>> -> memref<32x128xf32, #tpu.memory_space<hbm>>
      %dma_wait3A_618 = tpu.memref_slice %arg13[%dma_wait3A_610] : memref<8x!tpu.dma_semaphore, #tpu.memory_space<semaphore_mem>> -> memref<1x!tpu.dma_semaphore, #tpu.memory_space<semaphore_mem>>
      %dma_wait3A_619 = tpu.memref_squeeze %dma_wait3A_618 : memref<1x!tpu.dma_semaphore, #tpu.memory_space<semaphore_mem>> -> memref<!tpu.dma_semaphore, #tpu.memory_space<semaphore_mem>>
      %dma_wait3A_620 = arith.constant 0 : i32
      %dma_wait3A_621 = arith.constant 0 : i32
      %dma_wait3A_622 = tpu.memref_slice %arg10[%dma_wait3A_609, %dma_wait3A_620, %dma_wait3A_621] : memref<8x32x128xf32, #tpu.memory_space<vmem>> -> memref<1x32x128xf32, #tpu.memory_space<vmem>>
      %dma_wait3A_623 = tpu.memref_squeeze %dma_wait3A_622 : memref<1x32x128xf32, #tpu.memory_space<vmem>> -> memref<32x128xf32, #tpu.memory_space<vmem>>
      %dma_wait3A_624 = arith.constant 0 : i32
      %dma_wait3A_625 = arith.constant 0 : i32
      %dma_wait3A_626 = tpu.memref_slice %arg5[%dma_wait3A_624, %dma_wait3A_625] : memref<32x1000000xf32, #tpu.memory_space<hbm>> -> memref<32x128xf32, #tpu.memory_space<hbm>>
      tpu.wait_dma2 semaphore(%dma_wait3A_619 : memref<!tpu.dma_semaphore, #tpu.memory_space<semaphore_mem>>) src(%dma_wait3A_626 : memref<32x128xf32, #tpu.memory_space<hbm>>) dst(%dma_wait3A_623 : memref<32x128xf32, #tpu.memory_space<vmem>>)
      %broadcast_in_dim3A_627 = arith.constant 2 : i32
      %broadcast_in_dim3A_628 = vector.broadcast %broadcast_in_dim3A_627 : i32 to vector<16xi32>
      %slice3A_629 = vector.extract_strided_slice %and3A_367 {offsets = [2], sizes = [1], strides = [1]} : vector<16xi32> to vector<1xi32>
      %squeeze3A_630 = vector.extract %slice3A_629[0] : i32 from vector<1xi32>
      %broadcast_in_dim3A_631 = vector.broadcast %squeeze3A_630 : i32 to vector<16xi32>
      %slice3A_632 = vector.extract_strided_slice %and3A_370 {offsets = [2], sizes = [1], strides = [1]} : vector<16xi32> to vector<1xi32>
      %squeeze3A_633 = vector.extract %slice3A_632[0] : i32 from vector<1xi32>
      %broadcast_in_dim3A_634 = vector.broadcast %squeeze3A_633 : i32 to vector<16xi32>
      %gather3A_635 = tpu.vector_load_idx %arg9[%broadcast_in_dim3A_628, %iota3A, %broadcast_in_dim3A_631] : memref<8x32x128xf32, #tpu.memory_space<vmem>>[vector<16xi32>, vector<16xi32>, vector<16xi32>], vector<16xf32>,
      %gather3A_636 = tpu.vector_load_idx %arg9[%broadcast_in_dim3A_628, %add3A_5, %broadcast_in_dim3A_631] : memref<8x32x128xf32, #tpu.memory_space<vmem>>[vector<16xi32>, vector<16xi32>, vector<16xi32>], vector<16xf32>,
      %gather3A_637 = tpu.vector_load_idx %arg10[%broadcast_in_dim3A_628, %iota3A, %broadcast_in_dim3A_634] : memref<8x32x128xf32, #tpu.memory_space<vmem>>[vector<16xi32>, vector<16xi32>, vector<16xi32>], vector<16xf32>,
      %gather3A_638 = tpu.vector_load_idx %arg10[%broadcast_in_dim3A_628, %add3A_5, %broadcast_in_dim3A_634] : memref<8x32x128xf32, #tpu.memory_space<vmem>>[vector<16xi32>, vector<16xi32>, vector<16xi32>], vector<16xf32>,
      %mul3A_639 = arith.mulf %gather3A_635, %gather3A_637 : vector<16xf32>
      %mul3A_640 = arith.mulf %gather3A_636, %gather3A_638 : vector<16xf32>
      %add3A_641 = arith.addf %mul3A_639, %mul3A_640 : vector<16xf32>
      %reduce_sum3A_642 = arith.constant true
      %reduce_sum3A_643 = vector.broadcast %reduce_sum3A_642 : i1 to vector<16xi1>
      %reduce_sum3A_644 = tpu.scan <sum>, %add3A_641 masked %reduce_sum3A_643 : vector<16xf32>, vector<16xi1> -> vector<16xf32>
      %reduce_sum3A_645 = vector.extract %reduce_sum3A_644[15] : f32 from vector<16xf32>
      %eq3A_646 = arith.constant 2 : i32
      %eq3A_647 = vector.broadcast %eq3A_646 : i32 to vector<16xi32>
      %eq3A_648 = arith.cmpi eq, %iota3A, %eq3A_647 : vector<16xi32>
      %broadcast_in_dim3A_649 = vector.broadcast %reduce_sum3A_645 : f32 to vector<16xf32>
      %select_n3A_650 = arith.select %eq3A_648, %broadcast_in_dim3A_649, %select_n3A_548 : vector<16xi1>, vector<16xf32>
      %slice3A_651 = vector.extract_strided_slice %shift_right_logical3A_362 {offsets = [10], sizes = [1], strides = [1]} : vector<16xi32> to vector<1xi32>
      %squeeze3A_652 = vector.extract %slice3A_651[0] : i32 from vector<1xi32>
      %slice3A_653 = vector.extract_strided_slice %shift_right_logical3A_365 {offsets = [10], sizes = [1], strides = [1]} : vector<16xi32> to vector<1xi32>
      %squeeze3A_654 = vector.extract %slice3A_653[0] : i32 from vector<1xi32>
      %mul3A_655 = arith.constant 128 : i32
      %mul3A_656 = arith.muli %squeeze3A_652, %mul3A_655 : i32
      %multiple_of3A_657 = tpu.assume_multiple %mul3A_656, 128 : i32
      %mul3A_658 = arith.constant 128 : i32
      %mul3A_659 = arith.muli %squeeze3A_654, %mul3A_658 : i32
      %multiple_of3A_660 = tpu.assume_multiple %mul3A_659, 128 : i32
      %dma_start3A_661 = arith.constant 2 : i32
      %dma_start3A_662 = arith.constant 2 : i32
      %dma_start3A_663 = arith.constant 0 : i32
      %dma_start3A_664 = arith.constant 0 : i32
      %dma_start3A_665 = tpu.memref_slice %arg9[%dma_start3A_661, %dma_start3A_663, %dma_start3A_664] : memref<8x32x128xf32, #tpu.memory_space<vmem>> -> memref<1x32x128xf32, #tpu.memory_space<vmem>>
      %dma_start3A_666 = tpu.memref_squeeze %dma_start3A_665 : memref<1x32x128xf32, #tpu.memory_space<vmem>> -> memref<32x128xf32, #tpu.memory_space<vmem>>
      %dma_start3A_667 = arith.constant 0 : i32
      %dma_start3A_668 = tpu.memref_slice %arg4[%dma_start3A_667, %multiple_of3A_657] : memref<32x1000000xf32, #tpu.memory_space<hbm>> -> memref<32x128xf32, #tpu.memory_space<hbm>>
      %dma_start3A_669 = tpu.memref_slice %arg12[%dma_start3A_662] : memref<8x!tpu.dma_semaphore, #tpu.memory_space<semaphore_mem>> -> memref<1x!tpu.dma_semaphore, #tpu.memory_space<semaphore_mem>>
      %dma_start3A_670 = tpu.memref_squeeze %dma_start3A_669 : memref<1x!tpu.dma_semaphore, #tpu.memory_space<semaphore_mem>> -> memref<!tpu.dma_semaphore, #tpu.memory_space<semaphore_mem>>
      %dma_start3A_671 = arith.constant 0 : i32
      %dma_start3A_672 = arith.constant 0 : i32
      %dma_start3A_673 = tpu.memref_slice %arg9[%dma_start3A_661, %dma_start3A_671, %dma_start3A_672] : memref<8x32x128xf32, #tpu.memory_space<vmem>> -> memref<1x32x128xf32, #tpu.memory_space<vmem>>
      %dma_start3A_674 = tpu.memref_squeeze %dma_start3A_673 : memref<1x32x128xf32, #tpu.memory_space<vmem>> -> memref<32x128xf32, #tpu.memory_space<vmem>>
      %dma_start3A_675 = arith.constant 0 : i32
      %dma_start3A_676 = tpu.memref_slice %arg4[%dma_start3A_675, %multiple_of3A_657] : memref<32x1000000xf32, #tpu.memory_space<hbm>> -> memref<32x128xf32, #tpu.memory_space<hbm>>
      tpu.enqueue_dma source(%dma_start3A_676 : memref<32x128xf32, #tpu.memory_space<hbm>>) target(%dma_start3A_674 : memref<32x128xf32, #tpu.memory_space<vmem>>) target_semaphore(%dma_start3A_670 : memref<!tpu.dma_semaphore, #tpu.memory_space<semaphore_mem>>)
      %dma_start3A_677 = arith.constant 2 : i32
      %dma_start3A_678 = arith.constant 2 : i32
      %dma_start3A_679 = arith.constant 0 : i32
      %dma_start3A_680 = arith.constant 0 : i32
      %dma_start3A_681 = tpu.memref_slice %arg10[%dma_start3A_677, %dma_start3A_679, %dma_start3A_680] : memref<8x32x128xf32, #tpu.memory_space<vmem>> -> memref<1x32x128xf32, #tpu.memory_space<vmem>>
      %dma_start3A_682 = tpu.memref_squeeze %dma_start3A_681 : memref<1x32x128xf32, #tpu.memory_space<vmem>> -> memref<32x128xf32, #tpu.memory_space<vmem>>
      %dma_start3A_683 = arith.constant 0 : i32
      %dma_start3A_684 = tpu.memref_slice %arg5[%dma_start3A_683, %multiple_of3A_660] : memref<32x1000000xf32, #tpu.memory_space<hbm>> -> memref<32x128xf32, #tpu.memory_space<hbm>>
      %dma_start3A_685 = tpu.memref_slice %arg13[%dma_start3A_678] : memref<8x!tpu.dma_semaphore, #tpu.memory_space<semaphore_mem>> -> memref<1x!tpu.dma_semaphore, #tpu.memory_space<semaphore_mem>>
      %dma_start3A_686 = tpu.memref_squeeze %dma_start3A_685 : memref<1x!tpu.dma_semaphore, #tpu.memory_space<semaphore_mem>> -> memref<!tpu.dma_semaphore, #tpu.memory_space<semaphore_mem>>
      %dma_start3A_687 = arith.constant 0 : i32
      %dma_start3A_688 = arith.constant 0 : i32
      %dma_start3A_689 = tpu.memref_slice %arg10[%dma_start3A_677, %dma_start3A_687, %dma_start3A_688] : memref<8x32x128xf32, #tpu.memory_space<vmem>> -> memref<1x32x128xf32, #tpu.memory_space<vmem>>
      %dma_start3A_690 = tpu.memref_squeeze %dma_start3A_689 : memref<1x32x128xf32, #tpu.memory_space<vmem>> -> memref<32x128xf32, #tpu.memory_space<vmem>>
      %dma_start3A_691 = arith.constant 0 : i32
      %dma_start3A_692 = tpu.memref_slice %arg5[%dma_start3A_691, %multiple_of3A_660] : memref<32x1000000xf32, #tpu.memory_space<hbm>> -> memref<32x128xf32, #tpu.memory_space<hbm>>
      tpu.enqueue_dma source(%dma_start3A_692 : memref<32x128xf32, #tpu.memory_space<hbm>>) target(%dma_start3A_690 : memref<32x128xf32, #tpu.memory_space<vmem>>) target_semaphore(%dma_start3A_686 : memref<!tpu.dma_semaphore, #tpu.memory_space<semaphore_mem>>)
      %dma_wait3A_693 = arith.constant 3 : i32
      %dma_wait3A_694 = arith.constant 3 : i32
      %dma_wait3A_695 = arith.constant 0 : i32
      %dma_wait3A_696 = arith.constant 0 : i32
      %dma_wait3A_697 = tpu.memref_slice %arg9[%dma_wait3A_693, %dma_wait3A_695, %dma_wait3A_696] : memref<8x32x128xf32, #tpu.memory_space<vmem>> -> memref<1x32x128xf32, #tpu.memory_space<vmem>>
      %dma_wait3A_698 = tpu.memref_squeeze %dma_wait3A_697 : memref<1x32x128xf32, #tpu.memory_space<vmem>> -> memref<32x128xf32, #tpu.memory_space<vmem>>
      %dma_wait3A_699 = arith.constant 0 : i32
      %dma_wait3A_700 = arith.constant 0 : i32
      %dma_wait3A_701 = tpu.memref_slice %arg4[%dma_wait3A_699, %dma_wait3A_700] : memref<32x1000000xf32, #tpu.memory_space<hbm>> -> memref<32x128xf32, #tpu.memory_space<hbm>>
      %dma_wait3A_702 = tpu.memref_slice %arg12[%dma_wait3A_694] : memref<8x!tpu.dma_semaphore, #tpu.memory_space<semaphore_mem>> -> memref<1x!tpu.dma_semaphore, #tpu.memory_space<semaphore_mem>>
      %dma_wait3A_703 = tpu.memref_squeeze %dma_wait3A_702 : memref<1x!tpu.dma_semaphore, #tpu.memory_space<semaphore_mem>> -> memref<!tpu.dma_semaphore, #tpu.memory_space<semaphore_mem>>
      %dma_wait3A_704 = arith.constant 0 : i32
      %dma_wait3A_705 = arith.constant 0 : i32
      %dma_wait3A_706 = tpu.memref_slice %arg9[%dma_wait3A_693, %dma_wait3A_704, %dma_wait3A_705] : memref<8x32x128xf32, #tpu.memory_space<vmem>> -> memref<1x32x128xf32, #tpu.memory_space<vmem>>
      %dma_wait3A_707 = tpu.memref_squeeze %dma_wait3A_706 : memref<1x32x128xf32, #tpu.memory_space<vmem>> -> memref<32x128xf32, #tpu.memory_space<vmem>>
      %dma_wait3A_708 = arith.constant 0 : i32
      %dma_wait3A_709 = arith.constant 0 : i32
      %dma_wait3A_710 = tpu.memref_slice %arg4[%dma_wait3A_708, %dma_wait3A_709] : memref<32x1000000xf32, #tpu.memory_space<hbm>> -> memref<32x128xf32, #tpu.memory_space<hbm>>
      tpu.wait_dma2 semaphore(%dma_wait3A_703 : memref<!tpu.dma_semaphore, #tpu.memory_space<semaphore_mem>>) src(%dma_wait3A_710 : memref<32x128xf32, #tpu.memory_space<hbm>>) dst(%dma_wait3A_707 : memref<32x128xf32, #tpu.memory_space<vmem>>)
      %dma_wait3A_711 = arith.constant 3 : i32
      %dma_wait3A_712 = arith.constant 3 : i32
      %dma_wait3A_713 = arith.constant 0 : i32
      %dma_wait3A_714 = arith.constant 0 : i32
      %dma_wait3A_715 = tpu.memref_slice %arg10[%dma_wait3A_711, %dma_wait3A_713, %dma_wait3A_714] : memref<8x32x128xf32, #tpu.memory_space<vmem>> -> memref<1x32x128xf32, #tpu.memory_space<vmem>>
      %dma_wait3A_716 = tpu.memref_squeeze %dma_wait3A_715 : memref<1x32x128xf32, #tpu.memory_space<vmem>> -> memref<32x128xf32, #tpu.memory_space<vmem>>
      %dma_wait3A_717 = arith.constant 0 : i32
      %dma_wait3A_718 = arith.constant 0 : i32
      %dma_wait3A_719 = tpu.memref_slice %arg5[%dma_wait3A_717, %dma_wait3A_718] : memref<32x1000000xf32, #tpu.memory_space<hbm>> -> memref<32x128xf32, #tpu.memory_space<hbm>>
      %dma_wait3A_720 = tpu.memref_slice %arg13[%dma_wait3A_712] : memref<8x!tpu.dma_semaphore, #tpu.memory_space<semaphore_mem>> -> memref<1x!tpu.dma_semaphore, #tpu.memory_space<semaphore_mem>>
      %dma_wait3A_721 = tpu.memref_squeeze %dma_wait3A_720 : memref<1x!tpu.dma_semaphore, #tpu.memory_space<semaphore_mem>> -> memref<!tpu.dma_semaphore, #tpu.memory_space<semaphore_mem>>
      %dma_wait3A_722 = arith.constant 0 : i32
      %dma_wait3A_723 = arith.constant 0 : i32
      %dma_wait3A_724 = tpu.memref_slice %arg10[%dma_wait3A_711, %dma_wait3A_722, %dma_wait3A_723] : memref<8x32x128xf32, #tpu.memory_space<vmem>> -> memref<1x32x128xf32, #tpu.memory_space<vmem>>
      %dma_wait3A_725 = tpu.memref_squeeze %dma_wait3A_724 : memref<1x32x128xf32, #tpu.memory_space<vmem>> -> memref<32x128xf32, #tpu.memory_space<vmem>>
      %dma_wait3A_726 = arith.constant 0 : i32
      %dma_wait3A_727 = arith.constant 0 : i32
      %dma_wait3A_728 = tpu.memref_slice %arg5[%dma_wait3A_726, %dma_wait3A_727] : memref<32x1000000xf32, #tpu.memory_space<hbm>> -> memref<32x128xf32, #tpu.memory_space<hbm>>
      tpu.wait_dma2 semaphore(%dma_wait3A_721 : memref<!tpu.dma_semaphore, #tpu.memory_space<semaphore_mem>>) src(%dma_wait3A_728 : memref<32x128xf32, #tpu.memory_space<hbm>>) dst(%dma_wait3A_725 : memref<32x128xf32, #tpu.memory_space<vmem>>)
      %broadcast_in_dim3A_729 = arith.constant 3 : i32
      %broadcast_in_dim3A_730 = vector.broadcast %broadcast_in_dim3A_729 : i32 to vector<16xi32>
      %slice3A_731 = vector.extract_strided_slice %and3A_367 {offsets = [3], sizes = [1], strides = [1]} : vector<16xi32> to vector<1xi32>
      %squeeze3A_732 = vector.extract %slice3A_731[0] : i32 from vector<1xi32>
      %broadcast_in_dim3A_733 = vector.broadcast %squeeze3A_732 : i32 to vector<16xi32>
      %slice3A_734 = vector.extract_strided_slice %and3A_370 {offsets = [3], sizes = [1], strides = [1]} : vector<16xi32> to vector<1xi32>
      %squeeze3A_735 = vector.extract %slice3A_734[0] : i32 from vector<1xi32>
      %broadcast_in_dim3A_736 = vector.broadcast %squeeze3A_735 : i32 to vector<16xi32>
      %gather3A_737 = tpu.vector_load_idx %arg9[%broadcast_in_dim3A_730, %iota3A, %broadcast_in_dim3A_733] : memref<8x32x128xf32, #tpu.memory_space<vmem>>[vector<16xi32>, vector<16xi32>, vector<16xi32>], vector<16xf32>,
      %gather3A_738 = tpu.vector_load_idx %arg9[%broadcast_in_dim3A_730, %add3A_5, %broadcast_in_dim3A_733] : memref<8x32x128xf32, #tpu.memory_space<vmem>>[vector<16xi32>, vector<16xi32>, vector<16xi32>], vector<16xf32>,
      %gather3A_739 = tpu.vector_load_idx %arg10[%broadcast_in_dim3A_730, %iota3A, %broadcast_in_dim3A_736] : memref<8x32x128xf32, #tpu.memory_space<vmem>>[vector<16xi32>, vector<16xi32>, vector<16xi32>], vector<16xf32>,
      %gather3A_740 = tpu.vector_load_idx %arg10[%broadcast_in_dim3A_730, %add3A_5, %broadcast_in_dim3A_736] : memref<8x32x128xf32, #tpu.memory_space<vmem>>[vector<16xi32>, vector<16xi32>, vector<16xi32>], vector<16xf32>,
      %mul3A_741 = arith.mulf %gather3A_737, %gather3A_739 : vector<16xf32>
      %mul3A_742 = arith.mulf %gather3A_738, %gather3A_740 : vector<16xf32>
      %add3A_743 = arith.addf %mul3A_741, %mul3A_742 : vector<16xf32>
      %reduce_sum3A_744 = arith.constant true
      %reduce_sum3A_745 = vector.broadcast %reduce_sum3A_744 : i1 to vector<16xi1>
      %reduce_sum3A_746 = tpu.scan <sum>, %add3A_743 masked %reduce_sum3A_745 : vector<16xf32>, vector<16xi1> -> vector<16xf32>
      %reduce_sum3A_747 = vector.extract %reduce_sum3A_746[15] : f32 from vector<16xf32>
      %eq3A_748 = arith.constant 3 : i32
      %eq3A_749 = vector.broadcast %eq3A_748 : i32 to vector<16xi32>
      %eq3A_750 = arith.cmpi eq, %iota3A, %eq3A_749 : vector<16xi32>
      %broadcast_in_dim3A_751 = vector.broadcast %reduce_sum3A_747 : f32 to vector<16xf32>
      %select_n3A_752 = arith.select %eq3A_750, %broadcast_in_dim3A_751, %select_n3A_650 : vector<16xi1>, vector<16xf32>
      %slice3A_753 = vector.extract_strided_slice %shift_right_logical3A_362 {offsets = [11], sizes = [1], strides = [1]} : vector<16xi32> to vector<1xi32>
      %squeeze3A_754 = vector.extract %slice3A_753[0] : i32 from vector<1xi32>
      %slice3A_755 = vector.extract_strided_slice %shift_right_logical3A_365 {offsets = [11], sizes = [1], strides = [1]} : vector<16xi32> to vector<1xi32>
      %squeeze3A_756 = vector.extract %slice3A_755[0] : i32 from vector<1xi32>
      %mul3A_757 = arith.constant 128 : i32
      %mul3A_758 = arith.muli %squeeze3A_754, %mul3A_757 : i32
      %multiple_of3A_759 = tpu.assume_multiple %mul3A_758, 128 : i32
      %mul3A_760 = arith.constant 128 : i32
      %mul3A_761 = arith.muli %squeeze3A_756, %mul3A_760 : i32
      %multiple_of3A_762 = tpu.assume_multiple %mul3A_761, 128 : i32
      %dma_start3A_763 = arith.constant 3 : i32
      %dma_start3A_764 = arith.constant 3 : i32
      %dma_start3A_765 = arith.constant 0 : i32
      %dma_start3A_766 = arith.constant 0 : i32
      %dma_start3A_767 = tpu.memref_slice %arg9[%dma_start3A_763, %dma_start3A_765, %dma_start3A_766] : memref<8x32x128xf32, #tpu.memory_space<vmem>> -> memref<1x32x128xf32, #tpu.memory_space<vmem>>
      %dma_start3A_768 = tpu.memref_squeeze %dma_start3A_767 : memref<1x32x128xf32, #tpu.memory_space<vmem>> -> memref<32x128xf32, #tpu.memory_space<vmem>>
      %dma_start3A_769 = arith.constant 0 : i32
      %dma_start3A_770 = tpu.memref_slice %arg4[%dma_start3A_769, %multiple_of3A_759] : memref<32x1000000xf32, #tpu.memory_space<hbm>> -> memref<32x128xf32, #tpu.memory_space<hbm>>
      %dma_start3A_771 = tpu.memref_slice %arg12[%dma_start3A_764] : memref<8x!tpu.dma_semaphore, #tpu.memory_space<semaphore_mem>> -> memref<1x!tpu.dma_semaphore, #tpu.memory_space<semaphore_mem>>
      %dma_start3A_772 = tpu.memref_squeeze %dma_start3A_771 : memref<1x!tpu.dma_semaphore, #tpu.memory_space<semaphore_mem>> -> memref<!tpu.dma_semaphore, #tpu.memory_space<semaphore_mem>>
      %dma_start3A_773 = arith.constant 0 : i32
      %dma_start3A_774 = arith.constant 0 : i32
      %dma_start3A_775 = tpu.memref_slice %arg9[%dma_start3A_763, %dma_start3A_773, %dma_start3A_774] : memref<8x32x128xf32, #tpu.memory_space<vmem>> -> memref<1x32x128xf32, #tpu.memory_space<vmem>>
      %dma_start3A_776 = tpu.memref_squeeze %dma_start3A_775 : memref<1x32x128xf32, #tpu.memory_space<vmem>> -> memref<32x128xf32, #tpu.memory_space<vmem>>
      %dma_start3A_777 = arith.constant 0 : i32
      %dma_start3A_778 = tpu.memref_slice %arg4[%dma_start3A_777, %multiple_of3A_759] : memref<32x1000000xf32, #tpu.memory_space<hbm>> -> memref<32x128xf32, #tpu.memory_space<hbm>>
      tpu.enqueue_dma source(%dma_start3A_778 : memref<32x128xf32, #tpu.memory_space<hbm>>) target(%dma_start3A_776 : memref<32x128xf32, #tpu.memory_space<vmem>>) target_semaphore(%dma_start3A_772 : memref<!tpu.dma_semaphore, #tpu.memory_space<semaphore_mem>>)
      %dma_start3A_779 = arith.constant 3 : i32
      %dma_start3A_780 = arith.constant 3 : i32
      %dma_start3A_781 = arith.constant 0 : i32
      %dma_start3A_782 = arith.constant 0 : i32
      %dma_start3A_783 = tpu.memref_slice %arg10[%dma_start3A_779, %dma_start3A_781, %dma_start3A_782] : memref<8x32x128xf32, #tpu.memory_space<vmem>> -> memref<1x32x128xf32, #tpu.memory_space<vmem>>
      %dma_start3A_784 = tpu.memref_squeeze %dma_start3A_783 : memref<1x32x128xf32, #tpu.memory_space<vmem>> -> memref<32x128xf32, #tpu.memory_space<vmem>>
      %dma_start3A_785 = arith.constant 0 : i32
      %dma_start3A_786 = tpu.memref_slice %arg5[%dma_start3A_785, %multiple_of3A_762] : memref<32x1000000xf32, #tpu.memory_space<hbm>> -> memref<32x128xf32, #tpu.memory_space<hbm>>
      %dma_start3A_787 = tpu.memref_slice %arg13[%dma_start3A_780] : memref<8x!tpu.dma_semaphore, #tpu.memory_space<semaphore_mem>> -> memref<1x!tpu.dma_semaphore, #tpu.memory_space<semaphore_mem>>
      %dma_start3A_788 = tpu.memref_squeeze %dma_start3A_787 : memref<1x!tpu.dma_semaphore, #tpu.memory_space<semaphore_mem>> -> memref<!tpu.dma_semaphore, #tpu.memory_space<semaphore_mem>>
      %dma_start3A_789 = arith.constant 0 : i32
      %dma_start3A_790 = arith.constant 0 : i32
      %dma_start3A_791 = tpu.memref_slice %arg10[%dma_start3A_779, %dma_start3A_789, %dma_start3A_790] : memref<8x32x128xf32, #tpu.memory_space<vmem>> -> memref<1x32x128xf32, #tpu.memory_space<vmem>>
      %dma_start3A_792 = tpu.memref_squeeze %dma_start3A_791 : memref<1x32x128xf32, #tpu.memory_space<vmem>> -> memref<32x128xf32, #tpu.memory_space<vmem>>
      %dma_start3A_793 = arith.constant 0 : i32
      %dma_start3A_794 = tpu.memref_slice %arg5[%dma_start3A_793, %multiple_of3A_762] : memref<32x1000000xf32, #tpu.memory_space<hbm>> -> memref<32x128xf32, #tpu.memory_space<hbm>>
      tpu.enqueue_dma source(%dma_start3A_794 : memref<32x128xf32, #tpu.memory_space<hbm>>) target(%dma_start3A_792 : memref<32x128xf32, #tpu.memory_space<vmem>>) target_semaphore(%dma_start3A_788 : memref<!tpu.dma_semaphore, #tpu.memory_space<semaphore_mem>>)
      %dma_wait3A_795 = arith.constant 4 : i32
      %dma_wait3A_796 = arith.constant 4 : i32
      %dma_wait3A_797 = arith.constant 0 : i32
      %dma_wait3A_798 = arith.constant 0 : i32
      %dma_wait3A_799 = tpu.memref_slice %arg9[%dma_wait3A_795, %dma_wait3A_797, %dma_wait3A_798] : memref<8x32x128xf32, #tpu.memory_space<vmem>> -> memref<1x32x128xf32, #tpu.memory_space<vmem>>
      %dma_wait3A_800 = tpu.memref_squeeze %dma_wait3A_799 : memref<1x32x128xf32, #tpu.memory_space<vmem>> -> memref<32x128xf32, #tpu.memory_space<vmem>>
      %dma_wait3A_801 = arith.constant 0 : i32
      %dma_wait3A_802 = arith.constant 0 : i32
      %dma_wait3A_803 = tpu.memref_slice %arg4[%dma_wait3A_801, %dma_wait3A_802] : memref<32x1000000xf32, #tpu.memory_space<hbm>> -> memref<32x128xf32, #tpu.memory_space<hbm>>
      %dma_wait3A_804 = tpu.memref_slice %arg12[%dma_wait3A_796] : memref<8x!tpu.dma_semaphore, #tpu.memory_space<semaphore_mem>> -> memref<1x!tpu.dma_semaphore, #tpu.memory_space<semaphore_mem>>
      %dma_wait3A_805 = tpu.memref_squeeze %dma_wait3A_804 : memref<1x!tpu.dma_semaphore, #tpu.memory_space<semaphore_mem>> -> memref<!tpu.dma_semaphore, #tpu.memory_space<semaphore_mem>>
      %dma_wait3A_806 = arith.constant 0 : i32
      %dma_wait3A_807 = arith.constant 0 : i32
      %dma_wait3A_808 = tpu.memref_slice %arg9[%dma_wait3A_795, %dma_wait3A_806, %dma_wait3A_807] : memref<8x32x128xf32, #tpu.memory_space<vmem>> -> memref<1x32x128xf32, #tpu.memory_space<vmem>>
      %dma_wait3A_809 = tpu.memref_squeeze %dma_wait3A_808 : memref<1x32x128xf32, #tpu.memory_space<vmem>> -> memref<32x128xf32, #tpu.memory_space<vmem>>
      %dma_wait3A_810 = arith.constant 0 : i32
      %dma_wait3A_811 = arith.constant 0 : i32
      %dma_wait3A_812 = tpu.memref_slice %arg4[%dma_wait3A_810, %dma_wait3A_811] : memref<32x1000000xf32, #tpu.memory_space<hbm>> -> memref<32x128xf32, #tpu.memory_space<hbm>>
      tpu.wait_dma2 semaphore(%dma_wait3A_805 : memref<!tpu.dma_semaphore, #tpu.memory_space<semaphore_mem>>) src(%dma_wait3A_812 : memref<32x128xf32, #tpu.memory_space<hbm>>) dst(%dma_wait3A_809 : memref<32x128xf32, #tpu.memory_space<vmem>>)
      %dma_wait3A_813 = arith.constant 4 : i32
      %dma_wait3A_814 = arith.constant 4 : i32
      %dma_wait3A_815 = arith.constant 0 : i32
      %dma_wait3A_816 = arith.constant 0 : i32
      %dma_wait3A_817 = tpu.memref_slice %arg10[%dma_wait3A_813, %dma_wait3A_815, %dma_wait3A_816] : memref<8x32x128xf32, #tpu.memory_space<vmem>> -> memref<1x32x128xf32, #tpu.memory_space<vmem>>
      %dma_wait3A_818 = tpu.memref_squeeze %dma_wait3A_817 : memref<1x32x128xf32, #tpu.memory_space<vmem>> -> memref<32x128xf32, #tpu.memory_space<vmem>>
      %dma_wait3A_819 = arith.constant 0 : i32
      %dma_wait3A_820 = arith.constant 0 : i32
      %dma_wait3A_821 = tpu.memref_slice %arg5[%dma_wait3A_819, %dma_wait3A_820] : memref<32x1000000xf32, #tpu.memory_space<hbm>> -> memref<32x128xf32, #tpu.memory_space<hbm>>
      %dma_wait3A_822 = tpu.memref_slice %arg13[%dma_wait3A_814] : memref<8x!tpu.dma_semaphore, #tpu.memory_space<semaphore_mem>> -> memref<1x!tpu.dma_semaphore, #tpu.memory_space<semaphore_mem>>
      %dma_wait3A_823 = tpu.memref_squeeze %dma_wait3A_822 : memref<1x!tpu.dma_semaphore, #tpu.memory_space<semaphore_mem>> -> memref<!tpu.dma_semaphore, #tpu.memory_space<semaphore_mem>>
      %dma_wait3A_824 = arith.constant 0 : i32
      %dma_wait3A_825 = arith.constant 0 : i32
      %dma_wait3A_826 = tpu.memref_slice %arg10[%dma_wait3A_813, %dma_wait3A_824, %dma_wait3A_825] : memref<8x32x128xf32, #tpu.memory_space<vmem>> -> memref<1x32x128xf32, #tpu.memory_space<vmem>>
      %dma_wait3A_827 = tpu.memref_squeeze %dma_wait3A_826 : memref<1x32x128xf32, #tpu.memory_space<vmem>> -> memref<32x128xf32, #tpu.memory_space<vmem>>
      %dma_wait3A_828 = arith.constant 0 : i32
      %dma_wait3A_829 = arith.constant 0 : i32
      %dma_wait3A_830 = tpu.memref_slice %arg5[%dma_wait3A_828, %dma_wait3A_829] : memref<32x1000000xf32, #tpu.memory_space<hbm>> -> memref<32x128xf32, #tpu.memory_space<hbm>>
      tpu.wait_dma2 semaphore(%dma_wait3A_823 : memref<!tpu.dma_semaphore, #tpu.memory_space<semaphore_mem>>) src(%dma_wait3A_830 : memref<32x128xf32, #tpu.memory_space<hbm>>) dst(%dma_wait3A_827 : memref<32x128xf32, #tpu.memory_space<vmem>>)
      %broadcast_in_dim3A_831 = arith.constant 4 : i32
      %broadcast_in_dim3A_832 = vector.broadcast %broadcast_in_dim3A_831 : i32 to vector<16xi32>
      %slice3A_833 = vector.extract_strided_slice %and3A_367 {offsets = [4], sizes = [1], strides = [1]} : vector<16xi32> to vector<1xi32>
      %squeeze3A_834 = vector.extract %slice3A_833[0] : i32 from vector<1xi32>
      %broadcast_in_dim3A_835 = vector.broadcast %squeeze3A_834 : i32 to vector<16xi32>
      %slice3A_836 = vector.extract_strided_slice %and3A_370 {offsets = [4], sizes = [1], strides = [1]} : vector<16xi32> to vector<1xi32>
      %squeeze3A_837 = vector.extract %slice3A_836[0] : i32 from vector<1xi32>
      %broadcast_in_dim3A_838 = vector.broadcast %squeeze3A_837 : i32 to vector<16xi32>
      %gather3A_839 = tpu.vector_load_idx %arg9[%broadcast_in_dim3A_832, %iota3A, %broadcast_in_dim3A_835] : memref<8x32x128xf32, #tpu.memory_space<vmem>>[vector<16xi32>, vector<16xi32>, vector<16xi32>], vector<16xf32>,
      %gather3A_840 = tpu.vector_load_idx %arg9[%broadcast_in_dim3A_832, %add3A_5, %broadcast_in_dim3A_835] : memref<8x32x128xf32, #tpu.memory_space<vmem>>[vector<16xi32>, vector<16xi32>, vector<16xi32>], vector<16xf32>,
      %gather3A_841 = tpu.vector_load_idx %arg10[%broadcast_in_dim3A_832, %iota3A, %broadcast_in_dim3A_838] : memref<8x32x128xf32, #tpu.memory_space<vmem>>[vector<16xi32>, vector<16xi32>, vector<16xi32>], vector<16xf32>,
      %gather3A_842 = tpu.vector_load_idx %arg10[%broadcast_in_dim3A_832, %add3A_5, %broadcast_in_dim3A_838] : memref<8x32x128xf32, #tpu.memory_space<vmem>>[vector<16xi32>, vector<16xi32>, vector<16xi32>], vector<16xf32>,
      %mul3A_843 = arith.mulf %gather3A_839, %gather3A_841 : vector<16xf32>
      %mul3A_844 = arith.mulf %gather3A_840, %gather3A_842 : vector<16xf32>
      %add3A_845 = arith.addf %mul3A_843, %mul3A_844 : vector<16xf32>
      %reduce_sum3A_846 = arith.constant true
      %reduce_sum3A_847 = vector.broadcast %reduce_sum3A_846 : i1 to vector<16xi1>
      %reduce_sum3A_848 = tpu.scan <sum>, %add3A_845 masked %reduce_sum3A_847 : vector<16xf32>, vector<16xi1> -> vector<16xf32>
      %reduce_sum3A_849 = vector.extract %reduce_sum3A_848[15] : f32 from vector<16xf32>
      %eq3A_850 = arith.constant 4 : i32
      %eq3A_851 = vector.broadcast %eq3A_850 : i32 to vector<16xi32>
      %eq3A_852 = arith.cmpi eq, %iota3A, %eq3A_851 : vector<16xi32>
      %broadcast_in_dim3A_853 = vector.broadcast %reduce_sum3A_849 : f32 to vector<16xf32>
      %select_n3A_854 = arith.select %eq3A_852, %broadcast_in_dim3A_853, %select_n3A_752 : vector<16xi1>, vector<16xf32>
      %slice3A_855 = vector.extract_strided_slice %shift_right_logical3A_362 {offsets = [12], sizes = [1], strides = [1]} : vector<16xi32> to vector<1xi32>
      %squeeze3A_856 = vector.extract %slice3A_855[0] : i32 from vector<1xi32>
      %slice3A_857 = vector.extract_strided_slice %shift_right_logical3A_365 {offsets = [12], sizes = [1], strides = [1]} : vector<16xi32> to vector<1xi32>
      %squeeze3A_858 = vector.extract %slice3A_857[0] : i32 from vector<1xi32>
      %mul3A_859 = arith.constant 128 : i32
      %mul3A_860 = arith.muli %squeeze3A_856, %mul3A_859 : i32
      %multiple_of3A_861 = tpu.assume_multiple %mul3A_860, 128 : i32
      %mul3A_862 = arith.constant 128 : i32
      %mul3A_863 = arith.muli %squeeze3A_858, %mul3A_862 : i32
      %multiple_of3A_864 = tpu.assume_multiple %mul3A_863, 128 : i32
      %dma_start3A_865 = arith.constant 4 : i32
      %dma_start3A_866 = arith.constant 4 : i32
      %dma_start3A_867 = arith.constant 0 : i32
      %dma_start3A_868 = arith.constant 0 : i32
      %dma_start3A_869 = tpu.memref_slice %arg9[%dma_start3A_865, %dma_start3A_867, %dma_start3A_868] : memref<8x32x128xf32, #tpu.memory_space<vmem>> -> memref<1x32x128xf32, #tpu.memory_space<vmem>>
      %dma_start3A_870 = tpu.memref_squeeze %dma_start3A_869 : memref<1x32x128xf32, #tpu.memory_space<vmem>> -> memref<32x128xf32, #tpu.memory_space<vmem>>
      %dma_start3A_871 = arith.constant 0 : i32
      %dma_start3A_872 = tpu.memref_slice %arg4[%dma_start3A_871, %multiple_of3A_861] : memref<32x1000000xf32, #tpu.memory_space<hbm>> -> memref<32x128xf32, #tpu.memory_space<hbm>>
      %dma_start3A_873 = tpu.memref_slice %arg12[%dma_start3A_866] : memref<8x!tpu.dma_semaphore, #tpu.memory_space<semaphore_mem>> -> memref<1x!tpu.dma_semaphore, #tpu.memory_space<semaphore_mem>>
      %dma_start3A_874 = tpu.memref_squeeze %dma_start3A_873 : memref<1x!tpu.dma_semaphore, #tpu.memory_space<semaphore_mem>> -> memref<!tpu.dma_semaphore, #tpu.memory_space<semaphore_mem>>
      %dma_start3A_875 = arith.constant 0 : i32
      %dma_start3A_876 = arith.constant 0 : i32
      %dma_start3A_877 = tpu.memref_slice %arg9[%dma_start3A_865, %dma_start3A_875, %dma_start3A_876] : memref<8x32x128xf32, #tpu.memory_space<vmem>> -> memref<1x32x128xf32, #tpu.memory_space<vmem>>
      %dma_start3A_878 = tpu.memref_squeeze %dma_start3A_877 : memref<1x32x128xf32, #tpu.memory_space<vmem>> -> memref<32x128xf32, #tpu.memory_space<vmem>>
      %dma_start3A_879 = arith.constant 0 : i32
      %dma_start3A_880 = tpu.memref_slice %arg4[%dma_start3A_879, %multiple_of3A_861] : memref<32x1000000xf32, #tpu.memory_space<hbm>> -> memref<32x128xf32, #tpu.memory_space<hbm>>
      tpu.enqueue_dma source(%dma_start3A_880 : memref<32x128xf32, #tpu.memory_space<hbm>>) target(%dma_start3A_878 : memref<32x128xf32, #tpu.memory_space<vmem>>) target_semaphore(%dma_start3A_874 : memref<!tpu.dma_semaphore, #tpu.memory_space<semaphore_mem>>)
      %dma_start3A_881 = arith.constant 4 : i32
      %dma_start3A_882 = arith.constant 4 : i32
      %dma_start3A_883 = arith.constant 0 : i32
      %dma_start3A_884 = arith.constant 0 : i32
      %dma_start3A_885 = tpu.memref_slice %arg10[%dma_start3A_881, %dma_start3A_883, %dma_start3A_884] : memref<8x32x128xf32, #tpu.memory_space<vmem>> -> memref<1x32x128xf32, #tpu.memory_space<vmem>>
      %dma_start3A_886 = tpu.memref_squeeze %dma_start3A_885 : memref<1x32x128xf32, #tpu.memory_space<vmem>> -> memref<32x128xf32, #tpu.memory_space<vmem>>
      %dma_start3A_887 = arith.constant 0 : i32
      %dma_start3A_888 = tpu.memref_slice %arg5[%dma_start3A_887, %multiple_of3A_864] : memref<32x1000000xf32, #tpu.memory_space<hbm>> -> memref<32x128xf32, #tpu.memory_space<hbm>>
      %dma_start3A_889 = tpu.memref_slice %arg13[%dma_start3A_882] : memref<8x!tpu.dma_semaphore, #tpu.memory_space<semaphore_mem>> -> memref<1x!tpu.dma_semaphore, #tpu.memory_space<semaphore_mem>>
      %dma_start3A_890 = tpu.memref_squeeze %dma_start3A_889 : memref<1x!tpu.dma_semaphore, #tpu.memory_space<semaphore_mem>> -> memref<!tpu.dma_semaphore, #tpu.memory_space<semaphore_mem>>
      %dma_start3A_891 = arith.constant 0 : i32
      %dma_start3A_892 = arith.constant 0 : i32
      %dma_start3A_893 = tpu.memref_slice %arg10[%dma_start3A_881, %dma_start3A_891, %dma_start3A_892] : memref<8x32x128xf32, #tpu.memory_space<vmem>> -> memref<1x32x128xf32, #tpu.memory_space<vmem>>
      %dma_start3A_894 = tpu.memref_squeeze %dma_start3A_893 : memref<1x32x128xf32, #tpu.memory_space<vmem>> -> memref<32x128xf32, #tpu.memory_space<vmem>>
      %dma_start3A_895 = arith.constant 0 : i32
      %dma_start3A_896 = tpu.memref_slice %arg5[%dma_start3A_895, %multiple_of3A_864] : memref<32x1000000xf32, #tpu.memory_space<hbm>> -> memref<32x128xf32, #tpu.memory_space<hbm>>
      tpu.enqueue_dma source(%dma_start3A_896 : memref<32x128xf32, #tpu.memory_space<hbm>>) target(%dma_start3A_894 : memref<32x128xf32, #tpu.memory_space<vmem>>) target_semaphore(%dma_start3A_890 : memref<!tpu.dma_semaphore, #tpu.memory_space<semaphore_mem>>)
      %dma_wait3A_897 = arith.constant 5 : i32
      %dma_wait3A_898 = arith.constant 5 : i32
      %dma_wait3A_899 = arith.constant 0 : i32
      %dma_wait3A_900 = arith.constant 0 : i32
      %dma_wait3A_901 = tpu.memref_slice %arg9[%dma_wait3A_897, %dma_wait3A_899, %dma_wait3A_900] : memref<8x32x128xf32, #tpu.memory_space<vmem>> -> memref<1x32x128xf32, #tpu.memory_space<vmem>>
      %dma_wait3A_902 = tpu.memref_squeeze %dma_wait3A_901 : memref<1x32x128xf32, #tpu.memory_space<vmem>> -> memref<32x128xf32, #tpu.memory_space<vmem>>
      %dma_wait3A_903 = arith.constant 0 : i32
      %dma_wait3A_904 = arith.constant 0 : i32
      %dma_wait3A_905 = tpu.memref_slice %arg4[%dma_wait3A_903, %dma_wait3A_904] : memref<32x1000000xf32, #tpu.memory_space<hbm>> -> memref<32x128xf32, #tpu.memory_space<hbm>>
      %dma_wait3A_906 = tpu.memref_slice %arg12[%dma_wait3A_898] : memref<8x!tpu.dma_semaphore, #tpu.memory_space<semaphore_mem>> -> memref<1x!tpu.dma_semaphore, #tpu.memory_space<semaphore_mem>>
      %dma_wait3A_907 = tpu.memref_squeeze %dma_wait3A_906 : memref<1x!tpu.dma_semaphore, #tpu.memory_space<semaphore_mem>> -> memref<!tpu.dma_semaphore, #tpu.memory_space<semaphore_mem>>
      %dma_wait3A_908 = arith.constant 0 : i32
      %dma_wait3A_909 = arith.constant 0 : i32
      %dma_wait3A_910 = tpu.memref_slice %arg9[%dma_wait3A_897, %dma_wait3A_908, %dma_wait3A_909] : memref<8x32x128xf32, #tpu.memory_space<vmem>> -> memref<1x32x128xf32, #tpu.memory_space<vmem>>
      %dma_wait3A_911 = tpu.memref_squeeze %dma_wait3A_910 : memref<1x32x128xf32, #tpu.memory_space<vmem>> -> memref<32x128xf32, #tpu.memory_space<vmem>>
      %dma_wait3A_912 = arith.constant 0 : i32
      %dma_wait3A_913 = arith.constant 0 : i32
      %dma_wait3A_914 = tpu.memref_slice %arg4[%dma_wait3A_912, %dma_wait3A_913] : memref<32x1000000xf32, #tpu.memory_space<hbm>> -> memref<32x128xf32, #tpu.memory_space<hbm>>
      tpu.wait_dma2 semaphore(%dma_wait3A_907 : memref<!tpu.dma_semaphore, #tpu.memory_space<semaphore_mem>>) src(%dma_wait3A_914 : memref<32x128xf32, #tpu.memory_space<hbm>>) dst(%dma_wait3A_911 : memref<32x128xf32, #tpu.memory_space<vmem>>)
      %dma_wait3A_915 = arith.constant 5 : i32
      %dma_wait3A_916 = arith.constant 5 : i32
      %dma_wait3A_917 = arith.constant 0 : i32
      %dma_wait3A_918 = arith.constant 0 : i32
      %dma_wait3A_919 = tpu.memref_slice %arg10[%dma_wait3A_915, %dma_wait3A_917, %dma_wait3A_918] : memref<8x32x128xf32, #tpu.memory_space<vmem>> -> memref<1x32x128xf32, #tpu.memory_space<vmem>>
      %dma_wait3A_920 = tpu.memref_squeeze %dma_wait3A_919 : memref<1x32x128xf32, #tpu.memory_space<vmem>> -> memref<32x128xf32, #tpu.memory_space<vmem>>
      %dma_wait3A_921 = arith.constant 0 : i32
      %dma_wait3A_922 = arith.constant 0 : i32
      %dma_wait3A_923 = tpu.memref_slice %arg5[%dma_wait3A_921, %dma_wait3A_922] : memref<32x1000000xf32, #tpu.memory_space<hbm>> -> memref<32x128xf32, #tpu.memory_space<hbm>>
      %dma_wait3A_924 = tpu.memref_slice %arg13[%dma_wait3A_916] : memref<8x!tpu.dma_semaphore, #tpu.memory_space<semaphore_mem>> -> memref<1x!tpu.dma_semaphore, #tpu.memory_space<semaphore_mem>>
      %dma_wait3A_925 = tpu.memref_squeeze %dma_wait3A_924 : memref<1x!tpu.dma_semaphore, #tpu.memory_space<semaphore_mem>> -> memref<!tpu.dma_semaphore, #tpu.memory_space<semaphore_mem>>
      %dma_wait3A_926 = arith.constant 0 : i32
      %dma_wait3A_927 = arith.constant 0 : i32
      %dma_wait3A_928 = tpu.memref_slice %arg10[%dma_wait3A_915, %dma_wait3A_926, %dma_wait3A_927] : memref<8x32x128xf32, #tpu.memory_space<vmem>> -> memref<1x32x128xf32, #tpu.memory_space<vmem>>
      %dma_wait3A_929 = tpu.memref_squeeze %dma_wait3A_928 : memref<1x32x128xf32, #tpu.memory_space<vmem>> -> memref<32x128xf32, #tpu.memory_space<vmem>>
      %dma_wait3A_930 = arith.constant 0 : i32
      %dma_wait3A_931 = arith.constant 0 : i32
      %dma_wait3A_932 = tpu.memref_slice %arg5[%dma_wait3A_930, %dma_wait3A_931] : memref<32x1000000xf32, #tpu.memory_space<hbm>> -> memref<32x128xf32, #tpu.memory_space<hbm>>
      tpu.wait_dma2 semaphore(%dma_wait3A_925 : memref<!tpu.dma_semaphore, #tpu.memory_space<semaphore_mem>>) src(%dma_wait3A_932 : memref<32x128xf32, #tpu.memory_space<hbm>>) dst(%dma_wait3A_929 : memref<32x128xf32, #tpu.memory_space<vmem>>)
      %broadcast_in_dim3A_933 = arith.constant 5 : i32
      %broadcast_in_dim3A_934 = vector.broadcast %broadcast_in_dim3A_933 : i32 to vector<16xi32>
      %slice3A_935 = vector.extract_strided_slice %and3A_367 {offsets = [5], sizes = [1], strides = [1]} : vector<16xi32> to vector<1xi32>
      %squeeze3A_936 = vector.extract %slice3A_935[0] : i32 from vector<1xi32>
      %broadcast_in_dim3A_937 = vector.broadcast %squeeze3A_936 : i32 to vector<16xi32>
      %slice3A_938 = vector.extract_strided_slice %and3A_370 {offsets = [5], sizes = [1], strides = [1]} : vector<16xi32> to vector<1xi32>
      %squeeze3A_939 = vector.extract %slice3A_938[0] : i32 from vector<1xi32>
      %broadcast_in_dim3A_940 = vector.broadcast %squeeze3A_939 : i32 to vector<16xi32>
      %gather3A_941 = tpu.vector_load_idx %arg9[%broadcast_in_dim3A_934, %iota3A, %broadcast_in_dim3A_937] : memref<8x32x128xf32, #tpu.memory_space<vmem>>[vector<16xi32>, vector<16xi32>, vector<16xi32>], vector<16xf32>,
      %gather3A_942 = tpu.vector_load_idx %arg9[%broadcast_in_dim3A_934, %add3A_5, %broadcast_in_dim3A_937] : memref<8x32x128xf32, #tpu.memory_space<vmem>>[vector<16xi32>, vector<16xi32>, vector<16xi32>], vector<16xf32>,
      %gather3A_943 = tpu.vector_load_idx %arg10[%broadcast_in_dim3A_934, %iota3A, %broadcast_in_dim3A_940] : memref<8x32x128xf32, #tpu.memory_space<vmem>>[vector<16xi32>, vector<16xi32>, vector<16xi32>], vector<16xf32>,
      %gather3A_944 = tpu.vector_load_idx %arg10[%broadcast_in_dim3A_934, %add3A_5, %broadcast_in_dim3A_940] : memref<8x32x128xf32, #tpu.memory_space<vmem>>[vector<16xi32>, vector<16xi32>, vector<16xi32>], vector<16xf32>,
      %mul3A_945 = arith.mulf %gather3A_941, %gather3A_943 : vector<16xf32>
      %mul3A_946 = arith.mulf %gather3A_942, %gather3A_944 : vector<16xf32>
      %add3A_947 = arith.addf %mul3A_945, %mul3A_946 : vector<16xf32>
      %reduce_sum3A_948 = arith.constant true
      %reduce_sum3A_949 = vector.broadcast %reduce_sum3A_948 : i1 to vector<16xi1>
      %reduce_sum3A_950 = tpu.scan <sum>, %add3A_947 masked %reduce_sum3A_949 : vector<16xf32>, vector<16xi1> -> vector<16xf32>
      %reduce_sum3A_951 = vector.extract %reduce_sum3A_950[15] : f32 from vector<16xf32>
      %eq3A_952 = arith.constant 5 : i32
      %eq3A_953 = vector.broadcast %eq3A_952 : i32 to vector<16xi32>
      %eq3A_954 = arith.cmpi eq, %iota3A, %eq3A_953 : vector<16xi32>
      %broadcast_in_dim3A_955 = vector.broadcast %reduce_sum3A_951 : f32 to vector<16xf32>
      %select_n3A_956 = arith.select %eq3A_954, %broadcast_in_dim3A_955, %select_n3A_854 : vector<16xi1>, vector<16xf32>
      %slice3A_957 = vector.extract_strided_slice %shift_right_logical3A_362 {offsets = [13], sizes = [1], strides = [1]} : vector<16xi32> to vector<1xi32>
      %squeeze3A_958 = vector.extract %slice3A_957[0] : i32 from vector<1xi32>
      %slice3A_959 = vector.extract_strided_slice %shift_right_logical3A_365 {offsets = [13], sizes = [1], strides = [1]} : vector<16xi32> to vector<1xi32>
      %squeeze3A_960 = vector.extract %slice3A_959[0] : i32 from vector<1xi32>
      %mul3A_961 = arith.constant 128 : i32
      %mul3A_962 = arith.muli %squeeze3A_958, %mul3A_961 : i32
      %multiple_of3A_963 = tpu.assume_multiple %mul3A_962, 128 : i32
      %mul3A_964 = arith.constant 128 : i32
      %mul3A_965 = arith.muli %squeeze3A_960, %mul3A_964 : i32
      %multiple_of3A_966 = tpu.assume_multiple %mul3A_965, 128 : i32
      %dma_start3A_967 = arith.constant 5 : i32
      %dma_start3A_968 = arith.constant 5 : i32
      %dma_start3A_969 = arith.constant 0 : i32
      %dma_start3A_970 = arith.constant 0 : i32
      %dma_start3A_971 = tpu.memref_slice %arg9[%dma_start3A_967, %dma_start3A_969, %dma_start3A_970] : memref<8x32x128xf32, #tpu.memory_space<vmem>> -> memref<1x32x128xf32, #tpu.memory_space<vmem>>
      %dma_start3A_972 = tpu.memref_squeeze %dma_start3A_971 : memref<1x32x128xf32, #tpu.memory_space<vmem>> -> memref<32x128xf32, #tpu.memory_space<vmem>>
      %dma_start3A_973 = arith.constant 0 : i32
      %dma_start3A_974 = tpu.memref_slice %arg4[%dma_start3A_973, %multiple_of3A_963] : memref<32x1000000xf32, #tpu.memory_space<hbm>> -> memref<32x128xf32, #tpu.memory_space<hbm>>
      %dma_start3A_975 = tpu.memref_slice %arg12[%dma_start3A_968] : memref<8x!tpu.dma_semaphore, #tpu.memory_space<semaphore_mem>> -> memref<1x!tpu.dma_semaphore, #tpu.memory_space<semaphore_mem>>
      %dma_start3A_976 = tpu.memref_squeeze %dma_start3A_975 : memref<1x!tpu.dma_semaphore, #tpu.memory_space<semaphore_mem>> -> memref<!tpu.dma_semaphore, #tpu.memory_space<semaphore_mem>>
      %dma_start3A_977 = arith.constant 0 : i32
      %dma_start3A_978 = arith.constant 0 : i32
      %dma_start3A_979 = tpu.memref_slice %arg9[%dma_start3A_967, %dma_start3A_977, %dma_start3A_978] : memref<8x32x128xf32, #tpu.memory_space<vmem>> -> memref<1x32x128xf32, #tpu.memory_space<vmem>>
      %dma_start3A_980 = tpu.memref_squeeze %dma_start3A_979 : memref<1x32x128xf32, #tpu.memory_space<vmem>> -> memref<32x128xf32, #tpu.memory_space<vmem>>
      %dma_start3A_981 = arith.constant 0 : i32
      %dma_start3A_982 = tpu.memref_slice %arg4[%dma_start3A_981, %multiple_of3A_963] : memref<32x1000000xf32, #tpu.memory_space<hbm>> -> memref<32x128xf32, #tpu.memory_space<hbm>>
      tpu.enqueue_dma source(%dma_start3A_982 : memref<32x128xf32, #tpu.memory_space<hbm>>) target(%dma_start3A_980 : memref<32x128xf32, #tpu.memory_space<vmem>>) target_semaphore(%dma_start3A_976 : memref<!tpu.dma_semaphore, #tpu.memory_space<semaphore_mem>>)
      %dma_start3A_983 = arith.constant 5 : i32
      %dma_start3A_984 = arith.constant 5 : i32
      %dma_start3A_985 = arith.constant 0 : i32
      %dma_start3A_986 = arith.constant 0 : i32
      %dma_start3A_987 = tpu.memref_slice %arg10[%dma_start3A_983, %dma_start3A_985, %dma_start3A_986] : memref<8x32x128xf32, #tpu.memory_space<vmem>> -> memref<1x32x128xf32, #tpu.memory_space<vmem>>
      %dma_start3A_988 = tpu.memref_squeeze %dma_start3A_987 : memref<1x32x128xf32, #tpu.memory_space<vmem>> -> memref<32x128xf32, #tpu.memory_space<vmem>>
      %dma_start3A_989 = arith.constant 0 : i32
      %dma_start3A_990 = tpu.memref_slice %arg5[%dma_start3A_989, %multiple_of3A_966] : memref<32x1000000xf32, #tpu.memory_space<hbm>> -> memref<32x128xf32, #tpu.memory_space<hbm>>
      %dma_start3A_991 = tpu.memref_slice %arg13[%dma_start3A_984] : memref<8x!tpu.dma_semaphore, #tpu.memory_space<semaphore_mem>> -> memref<1x!tpu.dma_semaphore, #tpu.memory_space<semaphore_mem>>
      %dma_start3A_992 = tpu.memref_squeeze %dma_start3A_991 : memref<1x!tpu.dma_semaphore, #tpu.memory_space<semaphore_mem>> -> memref<!tpu.dma_semaphore, #tpu.memory_space<semaphore_mem>>
      %dma_start3A_993 = arith.constant 0 : i32
      %dma_start3A_994 = arith.constant 0 : i32
      %dma_start3A_995 = tpu.memref_slice %arg10[%dma_start3A_983, %dma_start3A_993, %dma_start3A_994] : memref<8x32x128xf32, #tpu.memory_space<vmem>> -> memref<1x32x128xf32, #tpu.memory_space<vmem>>
      %dma_start3A_996 = tpu.memref_squeeze %dma_start3A_995 : memref<1x32x128xf32, #tpu.memory_space<vmem>> -> memref<32x128xf32, #tpu.memory_space<vmem>>
      %dma_start3A_997 = arith.constant 0 : i32
      %dma_start3A_998 = tpu.memref_slice %arg5[%dma_start3A_997, %multiple_of3A_966] : memref<32x1000000xf32, #tpu.memory_space<hbm>> -> memref<32x128xf32, #tpu.memory_space<hbm>>
      tpu.enqueue_dma source(%dma_start3A_998 : memref<32x128xf32, #tpu.memory_space<hbm>>) target(%dma_start3A_996 : memref<32x128xf32, #tpu.memory_space<vmem>>) target_semaphore(%dma_start3A_992 : memref<!tpu.dma_semaphore, #tpu.memory_space<semaphore_mem>>)
      %dma_wait3A_999 = arith.constant 6 : i32
      %dma_wait3A_1000 = arith.constant 6 : i32
      %dma_wait3A_1001 = arith.constant 0 : i32
      %dma_wait3A_1002 = arith.constant 0 : i32
      %dma_wait3A_1003 = tpu.memref_slice %arg9[%dma_wait3A_999, %dma_wait3A_1001, %dma_wait3A_1002] : memref<8x32x128xf32, #tpu.memory_space<vmem>> -> memref<1x32x128xf32, #tpu.memory_space<vmem>>
      %dma_wait3A_1004 = tpu.memref_squeeze %dma_wait3A_1003 : memref<1x32x128xf32, #tpu.memory_space<vmem>> -> memref<32x128xf32, #tpu.memory_space<vmem>>
      %dma_wait3A_1005 = arith.constant 0 : i32
      %dma_wait3A_1006 = arith.constant 0 : i32
      %dma_wait3A_1007 = tpu.memref_slice %arg4[%dma_wait3A_1005, %dma_wait3A_1006] : memref<32x1000000xf32, #tpu.memory_space<hbm>> -> memref<32x128xf32, #tpu.memory_space<hbm>>
      %dma_wait3A_1008 = tpu.memref_slice %arg12[%dma_wait3A_1000] : memref<8x!tpu.dma_semaphore, #tpu.memory_space<semaphore_mem>> -> memref<1x!tpu.dma_semaphore, #tpu.memory_space<semaphore_mem>>
      %dma_wait3A_1009 = tpu.memref_squeeze %dma_wait3A_1008 : memref<1x!tpu.dma_semaphore, #tpu.memory_space<semaphore_mem>> -> memref<!tpu.dma_semaphore, #tpu.memory_space<semaphore_mem>>
      %dma_wait3A_1010 = arith.constant 0 : i32
      %dma_wait3A_1011 = arith.constant 0 : i32
      %dma_wait3A_1012 = tpu.memref_slice %arg9[%dma_wait3A_999, %dma_wait3A_1010, %dma_wait3A_1011] : memref<8x32x128xf32, #tpu.memory_space<vmem>> -> memref<1x32x128xf32, #tpu.memory_space<vmem>>
      %dma_wait3A_1013 = tpu.memref_squeeze %dma_wait3A_1012 : memref<1x32x128xf32, #tpu.memory_space<vmem>> -> memref<32x128xf32, #tpu.memory_space<vmem>>
      %dma_wait3A_1014 = arith.constant 0 : i32
      %dma_wait3A_1015 = arith.constant 0 : i32
      %dma_wait3A_1016 = tpu.memref_slice %arg4[%dma_wait3A_1014, %dma_wait3A_1015] : memref<32x1000000xf32, #tpu.memory_space<hbm>> -> memref<32x128xf32, #tpu.memory_space<hbm>>
      tpu.wait_dma2 semaphore(%dma_wait3A_1009 : memref<!tpu.dma_semaphore, #tpu.memory_space<semaphore_mem>>) src(%dma_wait3A_1016 : memref<32x128xf32, #tpu.memory_space<hbm>>) dst(%dma_wait3A_1013 : memref<32x128xf32, #tpu.memory_space<vmem>>)
      %dma_wait3A_1017 = arith.constant 6 : i32
      %dma_wait3A_1018 = arith.constant 6 : i32
      %dma_wait3A_1019 = arith.constant 0 : i32
      %dma_wait3A_1020 = arith.constant 0 : i32
      %dma_wait3A_1021 = tpu.memref_slice %arg10[%dma_wait3A_1017, %dma_wait3A_1019, %dma_wait3A_1020] : memref<8x32x128xf32, #tpu.memory_space<vmem>> -> memref<1x32x128xf32, #tpu.memory_space<vmem>>
      %dma_wait3A_1022 = tpu.memref_squeeze %dma_wait3A_1021 : memref<1x32x128xf32, #tpu.memory_space<vmem>> -> memref<32x128xf32, #tpu.memory_space<vmem>>
      %dma_wait3A_1023 = arith.constant 0 : i32
      %dma_wait3A_1024 = arith.constant 0 : i32
      %dma_wait3A_1025 = tpu.memref_slice %arg5[%dma_wait3A_1023, %dma_wait3A_1024] : memref<32x1000000xf32, #tpu.memory_space<hbm>> -> memref<32x128xf32, #tpu.memory_space<hbm>>
      %dma_wait3A_1026 = tpu.memref_slice %arg13[%dma_wait3A_1018] : memref<8x!tpu.dma_semaphore, #tpu.memory_space<semaphore_mem>> -> memref<1x!tpu.dma_semaphore, #tpu.memory_space<semaphore_mem>>
      %dma_wait3A_1027 = tpu.memref_squeeze %dma_wait3A_1026 : memref<1x!tpu.dma_semaphore, #tpu.memory_space<semaphore_mem>> -> memref<!tpu.dma_semaphore, #tpu.memory_space<semaphore_mem>>
      %dma_wait3A_1028 = arith.constant 0 : i32
      %dma_wait3A_1029 = arith.constant 0 : i32
      %dma_wait3A_1030 = tpu.memref_slice %arg10[%dma_wait3A_1017, %dma_wait3A_1028, %dma_wait3A_1029] : memref<8x32x128xf32, #tpu.memory_space<vmem>> -> memref<1x32x128xf32, #tpu.memory_space<vmem>>
      %dma_wait3A_1031 = tpu.memref_squeeze %dma_wait3A_1030 : memref<1x32x128xf32, #tpu.memory_space<vmem>> -> memref<32x128xf32, #tpu.memory_space<vmem>>
      %dma_wait3A_1032 = arith.constant 0 : i32
      %dma_wait3A_1033 = arith.constant 0 : i32
      %dma_wait3A_1034 = tpu.memref_slice %arg5[%dma_wait3A_1032, %dma_wait3A_1033] : memref<32x1000000xf32, #tpu.memory_space<hbm>> -> memref<32x128xf32, #tpu.memory_space<hbm>>
      tpu.wait_dma2 semaphore(%dma_wait3A_1027 : memref<!tpu.dma_semaphore, #tpu.memory_space<semaphore_mem>>) src(%dma_wait3A_1034 : memref<32x128xf32, #tpu.memory_space<hbm>>) dst(%dma_wait3A_1031 : memref<32x128xf32, #tpu.memory_space<vmem>>)
      %broadcast_in_dim3A_1035 = arith.constant 6 : i32
      %broadcast_in_dim3A_1036 = vector.broadcast %broadcast_in_dim3A_1035 : i32 to vector<16xi32>
      %slice3A_1037 = vector.extract_strided_slice %and3A_367 {offsets = [6], sizes = [1], strides = [1]} : vector<16xi32> to vector<1xi32>
      %squeeze3A_1038 = vector.extract %slice3A_1037[0] : i32 from vector<1xi32>
      %broadcast_in_dim3A_1039 = vector.broadcast %squeeze3A_1038 : i32 to vector<16xi32>
      %slice3A_1040 = vector.extract_strided_slice %and3A_370 {offsets = [6], sizes = [1], strides = [1]} : vector<16xi32> to vector<1xi32>
      %squeeze3A_1041 = vector.extract %slice3A_1040[0] : i32 from vector<1xi32>
      %broadcast_in_dim3A_1042 = vector.broadcast %squeeze3A_1041 : i32 to vector<16xi32>
      %gather3A_1043 = tpu.vector_load_idx %arg9[%broadcast_in_dim3A_1036, %iota3A, %broadcast_in_dim3A_1039] : memref<8x32x128xf32, #tpu.memory_space<vmem>>[vector<16xi32>, vector<16xi32>, vector<16xi32>], vector<16xf32>,
      %gather3A_1044 = tpu.vector_load_idx %arg9[%broadcast_in_dim3A_1036, %add3A_5, %broadcast_in_dim3A_1039] : memref<8x32x128xf32, #tpu.memory_space<vmem>>[vector<16xi32>, vector<16xi32>, vector<16xi32>], vector<16xf32>,
      %gather3A_1045 = tpu.vector_load_idx %arg10[%broadcast_in_dim3A_1036, %iota3A, %broadcast_in_dim3A_1042] : memref<8x32x128xf32, #tpu.memory_space<vmem>>[vector<16xi32>, vector<16xi32>, vector<16xi32>], vector<16xf32>,
      %gather3A_1046 = tpu.vector_load_idx %arg10[%broadcast_in_dim3A_1036, %add3A_5, %broadcast_in_dim3A_1042] : memref<8x32x128xf32, #tpu.memory_space<vmem>>[vector<16xi32>, vector<16xi32>, vector<16xi32>], vector<16xf32>,
      %mul3A_1047 = arith.mulf %gather3A_1043, %gather3A_1045 : vector<16xf32>
      %mul3A_1048 = arith.mulf %gather3A_1044, %gather3A_1046 : vector<16xf32>
      %add3A_1049 = arith.addf %mul3A_1047, %mul3A_1048 : vector<16xf32>
      %reduce_sum3A_1050 = arith.constant true
      %reduce_sum3A_1051 = vector.broadcast %reduce_sum3A_1050 : i1 to vector<16xi1>
      %reduce_sum3A_1052 = tpu.scan <sum>, %add3A_1049 masked %reduce_sum3A_1051 : vector<16xf32>, vector<16xi1> -> vector<16xf32>
      %reduce_sum3A_1053 = vector.extract %reduce_sum3A_1052[15] : f32 from vector<16xf32>
      %eq3A_1054 = arith.constant 6 : i32
      %eq3A_1055 = vector.broadcast %eq3A_1054 : i32 to vector<16xi32>
      %eq3A_1056 = arith.cmpi eq, %iota3A, %eq3A_1055 : vector<16xi32>
      %broadcast_in_dim3A_1057 = vector.broadcast %reduce_sum3A_1053 : f32 to vector<16xf32>
      %select_n3A_1058 = arith.select %eq3A_1056, %broadcast_in_dim3A_1057, %select_n3A_956 : vector<16xi1>, vector<16xf32>
      %slice3A_1059 = vector.extract_strided_slice %shift_right_logical3A_362 {offsets = [14], sizes = [1], strides = [1]} : vector<16xi32> to vector<1xi32>
      %squeeze3A_1060 = vector.extract %slice3A_1059[0] : i32 from vector<1xi32>
      %slice3A_1061 = vector.extract_strided_slice %shift_right_logical3A_365 {offsets = [14], sizes = [1], strides = [1]} : vector<16xi32> to vector<1xi32>
      %squeeze3A_1062 = vector.extract %slice3A_1061[0] : i32 from vector<1xi32>
      %mul3A_1063 = arith.constant 128 : i32
      %mul3A_1064 = arith.muli %squeeze3A_1060, %mul3A_1063 : i32
      %multiple_of3A_1065 = tpu.assume_multiple %mul3A_1064, 128 : i32
      %mul3A_1066 = arith.constant 128 : i32
      %mul3A_1067 = arith.muli %squeeze3A_1062, %mul3A_1066 : i32
      %multiple_of3A_1068 = tpu.assume_multiple %mul3A_1067, 128 : i32
      %dma_start3A_1069 = arith.constant 6 : i32
      %dma_start3A_1070 = arith.constant 6 : i32
      %dma_start3A_1071 = arith.constant 0 : i32
      %dma_start3A_1072 = arith.constant 0 : i32
      %dma_start3A_1073 = tpu.memref_slice %arg9[%dma_start3A_1069, %dma_start3A_1071, %dma_start3A_1072] : memref<8x32x128xf32, #tpu.memory_space<vmem>> -> memref<1x32x128xf32, #tpu.memory_space<vmem>>
      %dma_start3A_1074 = tpu.memref_squeeze %dma_start3A_1073 : memref<1x32x128xf32, #tpu.memory_space<vmem>> -> memref<32x128xf32, #tpu.memory_space<vmem>>
      %dma_start3A_1075 = arith.constant 0 : i32
      %dma_start3A_1076 = tpu.memref_slice %arg4[%dma_start3A_1075, %multiple_of3A_1065] : memref<32x1000000xf32, #tpu.memory_space<hbm>> -> memref<32x128xf32, #tpu.memory_space<hbm>>
      %dma_start3A_1077 = tpu.memref_slice %arg12[%dma_start3A_1070] : memref<8x!tpu.dma_semaphore, #tpu.memory_space<semaphore_mem>> -> memref<1x!tpu.dma_semaphore, #tpu.memory_space<semaphore_mem>>
      %dma_start3A_1078 = tpu.memref_squeeze %dma_start3A_1077 : memref<1x!tpu.dma_semaphore, #tpu.memory_space<semaphore_mem>> -> memref<!tpu.dma_semaphore, #tpu.memory_space<semaphore_mem>>
      %dma_start3A_1079 = arith.constant 0 : i32
      %dma_start3A_1080 = arith.constant 0 : i32
      %dma_start3A_1081 = tpu.memref_slice %arg9[%dma_start3A_1069, %dma_start3A_1079, %dma_start3A_1080] : memref<8x32x128xf32, #tpu.memory_space<vmem>> -> memref<1x32x128xf32, #tpu.memory_space<vmem>>
      %dma_start3A_1082 = tpu.memref_squeeze %dma_start3A_1081 : memref<1x32x128xf32, #tpu.memory_space<vmem>> -> memref<32x128xf32, #tpu.memory_space<vmem>>
      %dma_start3A_1083 = arith.constant 0 : i32
      %dma_start3A_1084 = tpu.memref_slice %arg4[%dma_start3A_1083, %multiple_of3A_1065] : memref<32x1000000xf32, #tpu.memory_space<hbm>> -> memref<32x128xf32, #tpu.memory_space<hbm>>
      tpu.enqueue_dma source(%dma_start3A_1084 : memref<32x128xf32, #tpu.memory_space<hbm>>) target(%dma_start3A_1082 : memref<32x128xf32, #tpu.memory_space<vmem>>) target_semaphore(%dma_start3A_1078 : memref<!tpu.dma_semaphore, #tpu.memory_space<semaphore_mem>>)
      %dma_start3A_1085 = arith.constant 6 : i32
      %dma_start3A_1086 = arith.constant 6 : i32
      %dma_start3A_1087 = arith.constant 0 : i32
      %dma_start3A_1088 = arith.constant 0 : i32
      %dma_start3A_1089 = tpu.memref_slice %arg10[%dma_start3A_1085, %dma_start3A_1087, %dma_start3A_1088] : memref<8x32x128xf32, #tpu.memory_space<vmem>> -> memref<1x32x128xf32, #tpu.memory_space<vmem>>
      %dma_start3A_1090 = tpu.memref_squeeze %dma_start3A_1089 : memref<1x32x128xf32, #tpu.memory_space<vmem>> -> memref<32x128xf32, #tpu.memory_space<vmem>>
      %dma_start3A_1091 = arith.constant 0 : i32
      %dma_start3A_1092 = tpu.memref_slice %arg5[%dma_start3A_1091, %multiple_of3A_1068] : memref<32x1000000xf32, #tpu.memory_space<hbm>> -> memref<32x128xf32, #tpu.memory_space<hbm>>
      %dma_start3A_1093 = tpu.memref_slice %arg13[%dma_start3A_1086] : memref<8x!tpu.dma_semaphore, #tpu.memory_space<semaphore_mem>> -> memref<1x!tpu.dma_semaphore, #tpu.memory_space<semaphore_mem>>
      %dma_start3A_1094 = tpu.memref_squeeze %dma_start3A_1093 : memref<1x!tpu.dma_semaphore, #tpu.memory_space<semaphore_mem>> -> memref<!tpu.dma_semaphore, #tpu.memory_space<semaphore_mem>>
      %dma_start3A_1095 = arith.constant 0 : i32
      %dma_start3A_1096 = arith.constant 0 : i32
      %dma_start3A_1097 = tpu.memref_slice %arg10[%dma_start3A_1085, %dma_start3A_1095, %dma_start3A_1096] : memref<8x32x128xf32, #tpu.memory_space<vmem>> -> memref<1x32x128xf32, #tpu.memory_space<vmem>>
      %dma_start3A_1098 = tpu.memref_squeeze %dma_start3A_1097 : memref<1x32x128xf32, #tpu.memory_space<vmem>> -> memref<32x128xf32, #tpu.memory_space<vmem>>
      %dma_start3A_1099 = arith.constant 0 : i32
      %dma_start3A_1100 = tpu.memref_slice %arg5[%dma_start3A_1099, %multiple_of3A_1068] : memref<32x1000000xf32, #tpu.memory_space<hbm>> -> memref<32x128xf32, #tpu.memory_space<hbm>>
      tpu.enqueue_dma source(%dma_start3A_1100 : memref<32x128xf32, #tpu.memory_space<hbm>>) target(%dma_start3A_1098 : memref<32x128xf32, #tpu.memory_space<vmem>>) target_semaphore(%dma_start3A_1094 : memref<!tpu.dma_semaphore, #tpu.memory_space<semaphore_mem>>)
      %dma_wait3A_1101 = arith.constant 7 : i32
      %dma_wait3A_1102 = arith.constant 7 : i32
      %dma_wait3A_1103 = arith.constant 0 : i32
      %dma_wait3A_1104 = arith.constant 0 : i32
      %dma_wait3A_1105 = tpu.memref_slice %arg9[%dma_wait3A_1101, %dma_wait3A_1103, %dma_wait3A_1104] : memref<8x32x128xf32, #tpu.memory_space<vmem>> -> memref<1x32x128xf32, #tpu.memory_space<vmem>>
      %dma_wait3A_1106 = tpu.memref_squeeze %dma_wait3A_1105 : memref<1x32x128xf32, #tpu.memory_space<vmem>> -> memref<32x128xf32, #tpu.memory_space<vmem>>
      %dma_wait3A_1107 = arith.constant 0 : i32
      %dma_wait3A_1108 = arith.constant 0 : i32
      %dma_wait3A_1109 = tpu.memref_slice %arg4[%dma_wait3A_1107, %dma_wait3A_1108] : memref<32x1000000xf32, #tpu.memory_space<hbm>> -> memref<32x128xf32, #tpu.memory_space<hbm>>
      %dma_wait3A_1110 = tpu.memref_slice %arg12[%dma_wait3A_1102] : memref<8x!tpu.dma_semaphore, #tpu.memory_space<semaphore_mem>> -> memref<1x!tpu.dma_semaphore, #tpu.memory_space<semaphore_mem>>
      %dma_wait3A_1111 = tpu.memref_squeeze %dma_wait3A_1110 : memref<1x!tpu.dma_semaphore, #tpu.memory_space<semaphore_mem>> -> memref<!tpu.dma_semaphore, #tpu.memory_space<semaphore_mem>>
      %dma_wait3A_1112 = arith.constant 0 : i32
      %dma_wait3A_1113 = arith.constant 0 : i32
      %dma_wait3A_1114 = tpu.memref_slice %arg9[%dma_wait3A_1101, %dma_wait3A_1112, %dma_wait3A_1113] : memref<8x32x128xf32, #tpu.memory_space<vmem>> -> memref<1x32x128xf32, #tpu.memory_space<vmem>>
      %dma_wait3A_1115 = tpu.memref_squeeze %dma_wait3A_1114 : memref<1x32x128xf32, #tpu.memory_space<vmem>> -> memref<32x128xf32, #tpu.memory_space<vmem>>
      %dma_wait3A_1116 = arith.constant 0 : i32
      %dma_wait3A_1117 = arith.constant 0 : i32
      %dma_wait3A_1118 = tpu.memref_slice %arg4[%dma_wait3A_1116, %dma_wait3A_1117] : memref<32x1000000xf32, #tpu.memory_space<hbm>> -> memref<32x128xf32, #tpu.memory_space<hbm>>
      tpu.wait_dma2 semaphore(%dma_wait3A_1111 : memref<!tpu.dma_semaphore, #tpu.memory_space<semaphore_mem>>) src(%dma_wait3A_1118 : memref<32x128xf32, #tpu.memory_space<hbm>>) dst(%dma_wait3A_1115 : memref<32x128xf32, #tpu.memory_space<vmem>>)
      %dma_wait3A_1119 = arith.constant 7 : i32
      %dma_wait3A_1120 = arith.constant 7 : i32
      %dma_wait3A_1121 = arith.constant 0 : i32
      %dma_wait3A_1122 = arith.constant 0 : i32
      %dma_wait3A_1123 = tpu.memref_slice %arg10[%dma_wait3A_1119, %dma_wait3A_1121, %dma_wait3A_1122] : memref<8x32x128xf32, #tpu.memory_space<vmem>> -> memref<1x32x128xf32, #tpu.memory_space<vmem>>
      %dma_wait3A_1124 = tpu.memref_squeeze %dma_wait3A_1123 : memref<1x32x128xf32, #tpu.memory_space<vmem>> -> memref<32x128xf32, #tpu.memory_space<vmem>>
      %dma_wait3A_1125 = arith.constant 0 : i32
      %dma_wait3A_1126 = arith.constant 0 : i32
      %dma_wait3A_1127 = tpu.memref_slice %arg5[%dma_wait3A_1125, %dma_wait3A_1126] : memref<32x1000000xf32, #tpu.memory_space<hbm>> -> memref<32x128xf32, #tpu.memory_space<hbm>>
      %dma_wait3A_1128 = tpu.memref_slice %arg13[%dma_wait3A_1120] : memref<8x!tpu.dma_semaphore, #tpu.memory_space<semaphore_mem>> -> memref<1x!tpu.dma_semaphore, #tpu.memory_space<semaphore_mem>>
      %dma_wait3A_1129 = tpu.memref_squeeze %dma_wait3A_1128 : memref<1x!tpu.dma_semaphore, #tpu.memory_space<semaphore_mem>> -> memref<!tpu.dma_semaphore, #tpu.memory_space<semaphore_mem>>
      %dma_wait3A_1130 = arith.constant 0 : i32
      %dma_wait3A_1131 = arith.constant 0 : i32
      %dma_wait3A_1132 = tpu.memref_slice %arg10[%dma_wait3A_1119, %dma_wait3A_1130, %dma_wait3A_1131] : memref<8x32x128xf32, #tpu.memory_space<vmem>> -> memref<1x32x128xf32, #tpu.memory_space<vmem>>
      %dma_wait3A_1133 = tpu.memref_squeeze %dma_wait3A_1132 : memref<1x32x128xf32, #tpu.memory_space<vmem>> -> memref<32x128xf32, #tpu.memory_space<vmem>>
      %dma_wait3A_1134 = arith.constant 0 : i32
      %dma_wait3A_1135 = arith.constant 0 : i32
      %dma_wait3A_1136 = tpu.memref_slice %arg5[%dma_wait3A_1134, %dma_wait3A_1135] : memref<32x1000000xf32, #tpu.memory_space<hbm>> -> memref<32x128xf32, #tpu.memory_space<hbm>>
      tpu.wait_dma2 semaphore(%dma_wait3A_1129 : memref<!tpu.dma_semaphore, #tpu.memory_space<semaphore_mem>>) src(%dma_wait3A_1136 : memref<32x128xf32, #tpu.memory_space<hbm>>) dst(%dma_wait3A_1133 : memref<32x128xf32, #tpu.memory_space<vmem>>)
      %broadcast_in_dim3A_1137 = arith.constant 7 : i32
      %broadcast_in_dim3A_1138 = vector.broadcast %broadcast_in_dim3A_1137 : i32 to vector<16xi32>
      %slice3A_1139 = vector.extract_strided_slice %and3A_367 {offsets = [7], sizes = [1], strides = [1]} : vector<16xi32> to vector<1xi32>
      %squeeze3A_1140 = vector.extract %slice3A_1139[0] : i32 from vector<1xi32>
      %broadcast_in_dim3A_1141 = vector.broadcast %squeeze3A_1140 : i32 to vector<16xi32>
      %slice3A_1142 = vector.extract_strided_slice %and3A_370 {offsets = [7], sizes = [1], strides = [1]} : vector<16xi32> to vector<1xi32>
      %squeeze3A_1143 = vector.extract %slice3A_1142[0] : i32 from vector<1xi32>
      %broadcast_in_dim3A_1144 = vector.broadcast %squeeze3A_1143 : i32 to vector<16xi32>
      %gather3A_1145 = tpu.vector_load_idx %arg9[%broadcast_in_dim3A_1138, %iota3A, %broadcast_in_dim3A_1141] : memref<8x32x128xf32, #tpu.memory_space<vmem>>[vector<16xi32>, vector<16xi32>, vector<16xi32>], vector<16xf32>,
      %gather3A_1146 = tpu.vector_load_idx %arg9[%broadcast_in_dim3A_1138, %add3A_5, %broadcast_in_dim3A_1141] : memref<8x32x128xf32, #tpu.memory_space<vmem>>[vector<16xi32>, vector<16xi32>, vector<16xi32>], vector<16xf32>,
      %gather3A_1147 = tpu.vector_load_idx %arg10[%broadcast_in_dim3A_1138, %iota3A, %broadcast_in_dim3A_1144] : memref<8x32x128xf32, #tpu.memory_space<vmem>>[vector<16xi32>, vector<16xi32>, vector<16xi32>], vector<16xf32>,
      %gather3A_1148 = tpu.vector_load_idx %arg10[%broadcast_in_dim3A_1138, %add3A_5, %broadcast_in_dim3A_1144] : memref<8x32x128xf32, #tpu.memory_space<vmem>>[vector<16xi32>, vector<16xi32>, vector<16xi32>], vector<16xf32>,
      %mul3A_1149 = arith.mulf %gather3A_1145, %gather3A_1147 : vector<16xf32>
      %mul3A_1150 = arith.mulf %gather3A_1146, %gather3A_1148 : vector<16xf32>
      %add3A_1151 = arith.addf %mul3A_1149, %mul3A_1150 : vector<16xf32>
      %reduce_sum3A_1152 = arith.constant true
      %reduce_sum3A_1153 = vector.broadcast %reduce_sum3A_1152 : i1 to vector<16xi1>
      %reduce_sum3A_1154 = tpu.scan <sum>, %add3A_1151 masked %reduce_sum3A_1153 : vector<16xf32>, vector<16xi1> -> vector<16xf32>
      %reduce_sum3A_1155 = vector.extract %reduce_sum3A_1154[15] : f32 from vector<16xf32>
      %eq3A_1156 = arith.constant 7 : i32
      %eq3A_1157 = vector.broadcast %eq3A_1156 : i32 to vector<16xi32>
      %eq3A_1158 = arith.cmpi eq, %iota3A, %eq3A_1157 : vector<16xi32>
      %broadcast_in_dim3A_1159 = vector.broadcast %reduce_sum3A_1155 : f32 to vector<16xf32>
      %select_n3A_1160 = arith.select %eq3A_1158, %broadcast_in_dim3A_1159, %select_n3A_1058 : vector<16xi1>, vector<16xf32>
      %slice3A_1161 = vector.extract_strided_slice %shift_right_logical3A_362 {offsets = [15], sizes = [1], strides = [1]} : vector<16xi32> to vector<1xi32>
      %squeeze3A_1162 = vector.extract %slice3A_1161[0] : i32 from vector<1xi32>
      %slice3A_1163 = vector.extract_strided_slice %shift_right_logical3A_365 {offsets = [15], sizes = [1], strides = [1]} : vector<16xi32> to vector<1xi32>
      %squeeze3A_1164 = vector.extract %slice3A_1163[0] : i32 from vector<1xi32>
      %mul3A_1165 = arith.constant 128 : i32
      %mul3A_1166 = arith.muli %squeeze3A_1162, %mul3A_1165 : i32
      %multiple_of3A_1167 = tpu.assume_multiple %mul3A_1166, 128 : i32
      %mul3A_1168 = arith.constant 128 : i32
      %mul3A_1169 = arith.muli %squeeze3A_1164, %mul3A_1168 : i32
      %multiple_of3A_1170 = tpu.assume_multiple %mul3A_1169, 128 : i32
      %dma_start3A_1171 = arith.constant 7 : i32
      %dma_start3A_1172 = arith.constant 7 : i32
      %dma_start3A_1173 = arith.constant 0 : i32
      %dma_start3A_1174 = arith.constant 0 : i32
      %dma_start3A_1175 = tpu.memref_slice %arg9[%dma_start3A_1171, %dma_start3A_1173, %dma_start3A_1174] : memref<8x32x128xf32, #tpu.memory_space<vmem>> -> memref<1x32x128xf32, #tpu.memory_space<vmem>>
      %dma_start3A_1176 = tpu.memref_squeeze %dma_start3A_1175 : memref<1x32x128xf32, #tpu.memory_space<vmem>> -> memref<32x128xf32, #tpu.memory_space<vmem>>
      %dma_start3A_1177 = arith.constant 0 : i32
      %dma_start3A_1178 = tpu.memref_slice %arg4[%dma_start3A_1177, %multiple_of3A_1167] : memref<32x1000000xf32, #tpu.memory_space<hbm>> -> memref<32x128xf32, #tpu.memory_space<hbm>>
      %dma_start3A_1179 = tpu.memref_slice %arg12[%dma_start3A_1172] : memref<8x!tpu.dma_semaphore, #tpu.memory_space<semaphore_mem>> -> memref<1x!tpu.dma_semaphore, #tpu.memory_space<semaphore_mem>>
      %dma_start3A_1180 = tpu.memref_squeeze %dma_start3A_1179 : memref<1x!tpu.dma_semaphore, #tpu.memory_space<semaphore_mem>> -> memref<!tpu.dma_semaphore, #tpu.memory_space<semaphore_mem>>
      %dma_start3A_1181 = arith.constant 0 : i32
      %dma_start3A_1182 = arith.constant 0 : i32
      %dma_start3A_1183 = tpu.memref_slice %arg9[%dma_start3A_1171, %dma_start3A_1181, %dma_start3A_1182] : memref<8x32x128xf32, #tpu.memory_space<vmem>> -> memref<1x32x128xf32, #tpu.memory_space<vmem>>
      %dma_start3A_1184 = tpu.memref_squeeze %dma_start3A_1183 : memref<1x32x128xf32, #tpu.memory_space<vmem>> -> memref<32x128xf32, #tpu.memory_space<vmem>>
      %dma_start3A_1185 = arith.constant 0 : i32
      %dma_start3A_1186 = tpu.memref_slice %arg4[%dma_start3A_1185, %multiple_of3A_1167] : memref<32x1000000xf32, #tpu.memory_space<hbm>> -> memref<32x128xf32, #tpu.memory_space<hbm>>
      tpu.enqueue_dma source(%dma_start3A_1186 : memref<32x128xf32, #tpu.memory_space<hbm>>) target(%dma_start3A_1184 : memref<32x128xf32, #tpu.memory_space<vmem>>) target_semaphore(%dma_start3A_1180 : memref<!tpu.dma_semaphore, #tpu.memory_space<semaphore_mem>>)
      %dma_start3A_1187 = arith.constant 7 : i32
      %dma_start3A_1188 = arith.constant 7 : i32
      %dma_start3A_1189 = arith.constant 0 : i32
      %dma_start3A_1190 = arith.constant 0 : i32
      %dma_start3A_1191 = tpu.memref_slice %arg10[%dma_start3A_1187, %dma_start3A_1189, %dma_start3A_1190] : memref<8x32x128xf32, #tpu.memory_space<vmem>> -> memref<1x32x128xf32, #tpu.memory_space<vmem>>
      %dma_start3A_1192 = tpu.memref_squeeze %dma_start3A_1191 : memref<1x32x128xf32, #tpu.memory_space<vmem>> -> memref<32x128xf32, #tpu.memory_space<vmem>>
      %dma_start3A_1193 = arith.constant 0 : i32
      %dma_start3A_1194 = tpu.memref_slice %arg5[%dma_start3A_1193, %multiple_of3A_1170] : memref<32x1000000xf32, #tpu.memory_space<hbm>> -> memref<32x128xf32, #tpu.memory_space<hbm>>
      %dma_start3A_1195 = tpu.memref_slice %arg13[%dma_start3A_1188] : memref<8x!tpu.dma_semaphore, #tpu.memory_space<semaphore_mem>> -> memref<1x!tpu.dma_semaphore, #tpu.memory_space<semaphore_mem>>
      %dma_start3A_1196 = tpu.memref_squeeze %dma_start3A_1195 : memref<1x!tpu.dma_semaphore, #tpu.memory_space<semaphore_mem>> -> memref<!tpu.dma_semaphore, #tpu.memory_space<semaphore_mem>>
      %dma_start3A_1197 = arith.constant 0 : i32
      %dma_start3A_1198 = arith.constant 0 : i32
      %dma_start3A_1199 = tpu.memref_slice %arg10[%dma_start3A_1187, %dma_start3A_1197, %dma_start3A_1198] : memref<8x32x128xf32, #tpu.memory_space<vmem>> -> memref<1x32x128xf32, #tpu.memory_space<vmem>>
      %dma_start3A_1200 = tpu.memref_squeeze %dma_start3A_1199 : memref<1x32x128xf32, #tpu.memory_space<vmem>> -> memref<32x128xf32, #tpu.memory_space<vmem>>
      %dma_start3A_1201 = arith.constant 0 : i32
      %dma_start3A_1202 = tpu.memref_slice %arg5[%dma_start3A_1201, %multiple_of3A_1170] : memref<32x1000000xf32, #tpu.memory_space<hbm>> -> memref<32x128xf32, #tpu.memory_space<hbm>>
      tpu.enqueue_dma source(%dma_start3A_1202 : memref<32x128xf32, #tpu.memory_space<hbm>>) target(%dma_start3A_1200 : memref<32x128xf32, #tpu.memory_space<vmem>>) target_semaphore(%dma_start3A_1196 : memref<!tpu.dma_semaphore, #tpu.memory_space<semaphore_mem>>)
      %dma_wait3A_1203 = arith.constant 0 : i32
      %dma_wait3A_1204 = arith.constant 0 : i32
      %dma_wait3A_1205 = arith.constant 0 : i32
      %dma_wait3A_1206 = arith.constant 0 : i32
      %dma_wait3A_1207 = tpu.memref_slice %arg9[%dma_wait3A_1203, %dma_wait3A_1205, %dma_wait3A_1206] : memref<8x32x128xf32, #tpu.memory_space<vmem>> -> memref<1x32x128xf32, #tpu.memory_space<vmem>>
      %dma_wait3A_1208 = tpu.memref_squeeze %dma_wait3A_1207 : memref<1x32x128xf32, #tpu.memory_space<vmem>> -> memref<32x128xf32, #tpu.memory_space<vmem>>
      %dma_wait3A_1209 = arith.constant 0 : i32
      %dma_wait3A_1210 = arith.constant 0 : i32
      %dma_wait3A_1211 = tpu.memref_slice %arg4[%dma_wait3A_1209, %dma_wait3A_1210] : memref<32x1000000xf32, #tpu.memory_space<hbm>> -> memref<32x128xf32, #tpu.memory_space<hbm>>
      %dma_wait3A_1212 = tpu.memref_slice %arg12[%dma_wait3A_1204] : memref<8x!tpu.dma_semaphore, #tpu.memory_space<semaphore_mem>> -> memref<1x!tpu.dma_semaphore, #tpu.memory_space<semaphore_mem>>
      %dma_wait3A_1213 = tpu.memref_squeeze %dma_wait3A_1212 : memref<1x!tpu.dma_semaphore, #tpu.memory_space<semaphore_mem>> -> memref<!tpu.dma_semaphore, #tpu.memory_space<semaphore_mem>>
      %dma_wait3A_1214 = arith.constant 0 : i32
      %dma_wait3A_1215 = arith.constant 0 : i32
      %dma_wait3A_1216 = tpu.memref_slice %arg9[%dma_wait3A_1203, %dma_wait3A_1214, %dma_wait3A_1215] : memref<8x32x128xf32, #tpu.memory_space<vmem>> -> memref<1x32x128xf32, #tpu.memory_space<vmem>>
      %dma_wait3A_1217 = tpu.memref_squeeze %dma_wait3A_1216 : memref<1x32x128xf32, #tpu.memory_space<vmem>> -> memref<32x128xf32, #tpu.memory_space<vmem>>
      %dma_wait3A_1218 = arith.constant 0 : i32
      %dma_wait3A_1219 = arith.constant 0 : i32
      %dma_wait3A_1220 = tpu.memref_slice %arg4[%dma_wait3A_1218, %dma_wait3A_1219] : memref<32x1000000xf32, #tpu.memory_space<hbm>> -> memref<32x128xf32, #tpu.memory_space<hbm>>
      tpu.wait_dma2 semaphore(%dma_wait3A_1213 : memref<!tpu.dma_semaphore, #tpu.memory_space<semaphore_mem>>) src(%dma_wait3A_1220 : memref<32x128xf32, #tpu.memory_space<hbm>>) dst(%dma_wait3A_1217 : memref<32x128xf32, #tpu.memory_space<vmem>>)
      %dma_wait3A_1221 = arith.constant 0 : i32
      %dma_wait3A_1222 = arith.constant 0 : i32
      %dma_wait3A_1223 = arith.constant 0 : i32
      %dma_wait3A_1224 = arith.constant 0 : i32
      %dma_wait3A_1225 = tpu.memref_slice %arg10[%dma_wait3A_1221, %dma_wait3A_1223, %dma_wait3A_1224] : memref<8x32x128xf32, #tpu.memory_space<vmem>> -> memref<1x32x128xf32, #tpu.memory_space<vmem>>
      %dma_wait3A_1226 = tpu.memref_squeeze %dma_wait3A_1225 : memref<1x32x128xf32, #tpu.memory_space<vmem>> -> memref<32x128xf32, #tpu.memory_space<vmem>>
      %dma_wait3A_1227 = arith.constant 0 : i32
      %dma_wait3A_1228 = arith.constant 0 : i32
      %dma_wait3A_1229 = tpu.memref_slice %arg5[%dma_wait3A_1227, %dma_wait3A_1228] : memref<32x1000000xf32, #tpu.memory_space<hbm>> -> memref<32x128xf32, #tpu.memory_space<hbm>>
      %dma_wait3A_1230 = tpu.memref_slice %arg13[%dma_wait3A_1222] : memref<8x!tpu.dma_semaphore, #tpu.memory_space<semaphore_mem>> -> memref<1x!tpu.dma_semaphore, #tpu.memory_space<semaphore_mem>>
      %dma_wait3A_1231 = tpu.memref_squeeze %dma_wait3A_1230 : memref<1x!tpu.dma_semaphore, #tpu.memory_space<semaphore_mem>> -> memref<!tpu.dma_semaphore, #tpu.memory_space<semaphore_mem>>
      %dma_wait3A_1232 = arith.constant 0 : i32
      %dma_wait3A_1233 = arith.constant 0 : i32
      %dma_wait3A_1234 = tpu.memref_slice %arg10[%dma_wait3A_1221, %dma_wait3A_1232, %dma_wait3A_1233] : memref<8x32x128xf32, #tpu.memory_space<vmem>> -> memref<1x32x128xf32, #tpu.memory_space<vmem>>
      %dma_wait3A_1235 = tpu.memref_squeeze %dma_wait3A_1234 : memref<1x32x128xf32, #tpu.memory_space<vmem>> -> memref<32x128xf32, #tpu.memory_space<vmem>>
      %dma_wait3A_1236 = arith.constant 0 : i32
      %dma_wait3A_1237 = arith.constant 0 : i32
      %dma_wait3A_1238 = tpu.memref_slice %arg5[%dma_wait3A_1236, %dma_wait3A_1237] : memref<32x1000000xf32, #tpu.memory_space<hbm>> -> memref<32x128xf32, #tpu.memory_space<hbm>>
      tpu.wait_dma2 semaphore(%dma_wait3A_1231 : memref<!tpu.dma_semaphore, #tpu.memory_space<semaphore_mem>>) src(%dma_wait3A_1238 : memref<32x128xf32, #tpu.memory_space<hbm>>) dst(%dma_wait3A_1235 : memref<32x128xf32, #tpu.memory_space<vmem>>)
      %broadcast_in_dim3A_1239 = arith.constant 0 : i32
      %broadcast_in_dim3A_1240 = vector.broadcast %broadcast_in_dim3A_1239 : i32 to vector<16xi32>
      %slice3A_1241 = vector.extract_strided_slice %and3A_367 {offsets = [8], sizes = [1], strides = [1]} : vector<16xi32> to vector<1xi32>
      %squeeze3A_1242 = vector.extract %slice3A_1241[0] : i32 from vector<1xi32>
      %broadcast_in_dim3A_1243 = vector.broadcast %squeeze3A_1242 : i32 to vector<16xi32>
      %slice3A_1244 = vector.extract_strided_slice %and3A_370 {offsets = [8], sizes = [1], strides = [1]} : vector<16xi32> to vector<1xi32>
      %squeeze3A_1245 = vector.extract %slice3A_1244[0] : i32 from vector<1xi32>
      %broadcast_in_dim3A_1246 = vector.broadcast %squeeze3A_1245 : i32 to vector<16xi32>
      %gather3A_1247 = tpu.vector_load_idx %arg9[%broadcast_in_dim3A_1240, %iota3A, %broadcast_in_dim3A_1243] : memref<8x32x128xf32, #tpu.memory_space<vmem>>[vector<16xi32>, vector<16xi32>, vector<16xi32>], vector<16xf32>,
      %gather3A_1248 = tpu.vector_load_idx %arg9[%broadcast_in_dim3A_1240, %add3A_5, %broadcast_in_dim3A_1243] : memref<8x32x128xf32, #tpu.memory_space<vmem>>[vector<16xi32>, vector<16xi32>, vector<16xi32>], vector<16xf32>,
      %gather3A_1249 = tpu.vector_load_idx %arg10[%broadcast_in_dim3A_1240, %iota3A, %broadcast_in_dim3A_1246] : memref<8x32x128xf32, #tpu.memory_space<vmem>>[vector<16xi32>, vector<16xi32>, vector<16xi32>], vector<16xf32>,
      %gather3A_1250 = tpu.vector_load_idx %arg10[%broadcast_in_dim3A_1240, %add3A_5, %broadcast_in_dim3A_1246] : memref<8x32x128xf32, #tpu.memory_space<vmem>>[vector<16xi32>, vector<16xi32>, vector<16xi32>], vector<16xf32>,
      %mul3A_1251 = arith.mulf %gather3A_1247, %gather3A_1249 : vector<16xf32>
      %mul3A_1252 = arith.mulf %gather3A_1248, %gather3A_1250 : vector<16xf32>
      %add3A_1253 = arith.addf %mul3A_1251, %mul3A_1252 : vector<16xf32>
      %reduce_sum3A_1254 = arith.constant true
      %reduce_sum3A_1255 = vector.broadcast %reduce_sum3A_1254 : i1 to vector<16xi1>
      %reduce_sum3A_1256 = tpu.scan <sum>, %add3A_1253 masked %reduce_sum3A_1255 : vector<16xf32>, vector<16xi1> -> vector<16xf32>
      %reduce_sum3A_1257 = vector.extract %reduce_sum3A_1256[15] : f32 from vector<16xf32>
      %eq3A_1258 = arith.constant 8 : i32
      %eq3A_1259 = vector.broadcast %eq3A_1258 : i32 to vector<16xi32>
      %eq3A_1260 = arith.cmpi eq, %iota3A, %eq3A_1259 : vector<16xi32>
      %broadcast_in_dim3A_1261 = vector.broadcast %reduce_sum3A_1257 : f32 to vector<16xf32>
      %select_n3A_1262 = arith.select %eq3A_1260, %broadcast_in_dim3A_1261, %select_n3A_1160 : vector<16xi1>, vector<16xf32>
      %add3A_1263 = arith.constant 1 : i32
      %add3A_1264 = arith.addi %scan3A_351, %add3A_1263 : i32
      %lt3A_1265 = arith.constant 32 : i32
      %lt3A_1266 = arith.cmpi slt, %add3A_1264, %lt3A_1265 : i32
      %convert_element_type3A = arith.extui %lt3A_1266 : i1 to i32
      %cond3A = arith.constant 0 : i32
      %cond3A_1267 = arith.cmpi ne, %convert_element_type3A, %cond3A : i32
      scf.if %cond3A_1267 {
        %slice3A_1744 = vector.extract_strided_slice %shift_right_logical3A_386 {offsets = [0], sizes = [1], strides = [1]} : vector<16xi32> to vector<1xi32>
        %squeeze3A_1745 = vector.extract %slice3A_1744[0] : i32 from vector<1xi32>
        %slice3A_1746 = vector.extract_strided_slice %shift_right_logical3A_389 {offsets = [0], sizes = [1], strides = [1]} : vector<16xi32> to vector<1xi32>
        %squeeze3A_1747 = vector.extract %slice3A_1746[0] : i32 from vector<1xi32>
        %mul3A_1748 = arith.constant 128 : i32
        %mul3A_1749 = arith.muli %squeeze3A_1745, %mul3A_1748 : i32
        %multiple_of3A_1750 = tpu.assume_multiple %mul3A_1749, 128 : i32
        %mul3A_1751 = arith.constant 128 : i32
        %mul3A_1752 = arith.muli %squeeze3A_1747, %mul3A_1751 : i32
        %multiple_of3A_1753 = tpu.assume_multiple %mul3A_1752, 128 : i32
        %dma_start3A_1754 = arith.constant 0 : i32
        %dma_start3A_1755 = arith.constant 0 : i32
        %dma_start3A_1756 = arith.constant 0 : i32
        %dma_start3A_1757 = arith.constant 0 : i32
        %dma_start3A_1758 = tpu.memref_slice %arg9[%dma_start3A_1754, %dma_start3A_1756, %dma_start3A_1757] : memref<8x32x128xf32, #tpu.memory_space<vmem>> -> memref<1x32x128xf32, #tpu.memory_space<vmem>>
        %dma_start3A_1759 = tpu.memref_squeeze %dma_start3A_1758 : memref<1x32x128xf32, #tpu.memory_space<vmem>> -> memref<32x128xf32, #tpu.memory_space<vmem>>
        %dma_start3A_1760 = arith.constant 0 : i32
        %dma_start3A_1761 = tpu.memref_slice %arg4[%dma_start3A_1760, %multiple_of3A_1750] : memref<32x1000000xf32, #tpu.memory_space<hbm>> -> memref<32x128xf32, #tpu.memory_space<hbm>>
        %dma_start3A_1762 = tpu.memref_slice %arg12[%dma_start3A_1755] : memref<8x!tpu.dma_semaphore, #tpu.memory_space<semaphore_mem>> -> memref<1x!tpu.dma_semaphore, #tpu.memory_space<semaphore_mem>>
        %dma_start3A_1763 = tpu.memref_squeeze %dma_start3A_1762 : memref<1x!tpu.dma_semaphore, #tpu.memory_space<semaphore_mem>> -> memref<!tpu.dma_semaphore, #tpu.memory_space<semaphore_mem>>
        %dma_start3A_1764 = arith.constant 0 : i32
        %dma_start3A_1765 = arith.constant 0 : i32
        %dma_start3A_1766 = tpu.memref_slice %arg9[%dma_start3A_1754, %dma_start3A_1764, %dma_start3A_1765] : memref<8x32x128xf32, #tpu.memory_space<vmem>> -> memref<1x32x128xf32, #tpu.memory_space<vmem>>
        %dma_start3A_1767 = tpu.memref_squeeze %dma_start3A_1766 : memref<1x32x128xf32, #tpu.memory_space<vmem>> -> memref<32x128xf32, #tpu.memory_space<vmem>>
        %dma_start3A_1768 = arith.constant 0 : i32
        %dma_start3A_1769 = tpu.memref_slice %arg4[%dma_start3A_1768, %multiple_of3A_1750] : memref<32x1000000xf32, #tpu.memory_space<hbm>> -> memref<32x128xf32, #tpu.memory_space<hbm>>
        tpu.enqueue_dma source(%dma_start3A_1769 : memref<32x128xf32, #tpu.memory_space<hbm>>) target(%dma_start3A_1767 : memref<32x128xf32, #tpu.memory_space<vmem>>) target_semaphore(%dma_start3A_1763 : memref<!tpu.dma_semaphore, #tpu.memory_space<semaphore_mem>>)
        %dma_start3A_1770 = arith.constant 0 : i32
        %dma_start3A_1771 = arith.constant 0 : i32
        %dma_start3A_1772 = arith.constant 0 : i32
        %dma_start3A_1773 = arith.constant 0 : i32
        %dma_start3A_1774 = tpu.memref_slice %arg10[%dma_start3A_1770, %dma_start3A_1772, %dma_start3A_1773] : memref<8x32x128xf32, #tpu.memory_space<vmem>> -> memref<1x32x128xf32, #tpu.memory_space<vmem>>
        %dma_start3A_1775 = tpu.memref_squeeze %dma_start3A_1774 : memref<1x32x128xf32, #tpu.memory_space<vmem>> -> memref<32x128xf32, #tpu.memory_space<vmem>>
        %dma_start3A_1776 = arith.constant 0 : i32
        %dma_start3A_1777 = tpu.memref_slice %arg5[%dma_start3A_1776, %multiple_of3A_1753] : memref<32x1000000xf32, #tpu.memory_space<hbm>> -> memref<32x128xf32, #tpu.memory_space<hbm>>
        %dma_start3A_1778 = tpu.memref_slice %arg13[%dma_start3A_1771] : memref<8x!tpu.dma_semaphore, #tpu.memory_space<semaphore_mem>> -> memref<1x!tpu.dma_semaphore, #tpu.memory_space<semaphore_mem>>
        %dma_start3A_1779 = tpu.memref_squeeze %dma_start3A_1778 : memref<1x!tpu.dma_semaphore, #tpu.memory_space<semaphore_mem>> -> memref<!tpu.dma_semaphore, #tpu.memory_space<semaphore_mem>>
        %dma_start3A_1780 = arith.constant 0 : i32
        %dma_start3A_1781 = arith.constant 0 : i32
        %dma_start3A_1782 = tpu.memref_slice %arg10[%dma_start3A_1770, %dma_start3A_1780, %dma_start3A_1781] : memref<8x32x128xf32, #tpu.memory_space<vmem>> -> memref<1x32x128xf32, #tpu.memory_space<vmem>>
        %dma_start3A_1783 = tpu.memref_squeeze %dma_start3A_1782 : memref<1x32x128xf32, #tpu.memory_space<vmem>> -> memref<32x128xf32, #tpu.memory_space<vmem>>
        %dma_start3A_1784 = arith.constant 0 : i32
        %dma_start3A_1785 = tpu.memref_slice %arg5[%dma_start3A_1784, %multiple_of3A_1753] : memref<32x1000000xf32, #tpu.memory_space<hbm>> -> memref<32x128xf32, #tpu.memory_space<hbm>>
        tpu.enqueue_dma source(%dma_start3A_1785 : memref<32x128xf32, #tpu.memory_space<hbm>>) target(%dma_start3A_1783 : memref<32x128xf32, #tpu.memory_space<vmem>>) target_semaphore(%dma_start3A_1779 : memref<!tpu.dma_semaphore, #tpu.memory_space<semaphore_mem>>)
      } else {
      }
      %dma_wait3A_1268 = arith.constant 1 : i32
      %dma_wait3A_1269 = arith.constant 1 : i32
      %dma_wait3A_1270 = arith.constant 0 : i32
      %dma_wait3A_1271 = arith.constant 0 : i32
      %dma_wait3A_1272 = tpu.memref_slice %arg9[%dma_wait3A_1268, %dma_wait3A_1270, %dma_wait3A_1271] : memref<8x32x128xf32, #tpu.memory_space<vmem>> -> memref<1x32x128xf32, #tpu.memory_space<vmem>>
      %dma_wait3A_1273 = tpu.memref_squeeze %dma_wait3A_1272 : memref<1x32x128xf32, #tpu.memory_space<vmem>> -> memref<32x128xf32, #tpu.memory_space<vmem>>
      %dma_wait3A_1274 = arith.constant 0 : i32
      %dma_wait3A_1275 = arith.constant 0 : i32
      %dma_wait3A_1276 = tpu.memref_slice %arg4[%dma_wait3A_1274, %dma_wait3A_1275] : memref<32x1000000xf32, #tpu.memory_space<hbm>> -> memref<32x128xf32, #tpu.memory_space<hbm>>
      %dma_wait3A_1277 = tpu.memref_slice %arg12[%dma_wait3A_1269] : memref<8x!tpu.dma_semaphore, #tpu.memory_space<semaphore_mem>> -> memref<1x!tpu.dma_semaphore, #tpu.memory_space<semaphore_mem>>
      %dma_wait3A_1278 = tpu.memref_squeeze %dma_wait3A_1277 : memref<1x!tpu.dma_semaphore, #tpu.memory_space<semaphore_mem>> -> memref<!tpu.dma_semaphore, #tpu.memory_space<semaphore_mem>>
      %dma_wait3A_1279 = arith.constant 0 : i32
      %dma_wait3A_1280 = arith.constant 0 : i32
      %dma_wait3A_1281 = tpu.memref_slice %arg9[%dma_wait3A_1268, %dma_wait3A_1279, %dma_wait3A_1280] : memref<8x32x128xf32, #tpu.memory_space<vmem>> -> memref<1x32x128xf32, #tpu.memory_space<vmem>>
      %dma_wait3A_1282 = tpu.memref_squeeze %dma_wait3A_1281 : memref<1x32x128xf32, #tpu.memory_space<vmem>> -> memref<32x128xf32, #tpu.memory_space<vmem>>
      %dma_wait3A_1283 = arith.constant 0 : i32
      %dma_wait3A_1284 = arith.constant 0 : i32
      %dma_wait3A_1285 = tpu.memref_slice %arg4[%dma_wait3A_1283, %dma_wait3A_1284] : memref<32x1000000xf32, #tpu.memory_space<hbm>> -> memref<32x128xf32, #tpu.memory_space<hbm>>
      tpu.wait_dma2 semaphore(%dma_wait3A_1278 : memref<!tpu.dma_semaphore, #tpu.memory_space<semaphore_mem>>) src(%dma_wait3A_1285 : memref<32x128xf32, #tpu.memory_space<hbm>>) dst(%dma_wait3A_1282 : memref<32x128xf32, #tpu.memory_space<vmem>>)
      %dma_wait3A_1286 = arith.constant 1 : i32
      %dma_wait3A_1287 = arith.constant 1 : i32
      %dma_wait3A_1288 = arith.constant 0 : i32
      %dma_wait3A_1289 = arith.constant 0 : i32
      %dma_wait3A_1290 = tpu.memref_slice %arg10[%dma_wait3A_1286, %dma_wait3A_1288, %dma_wait3A_1289] : memref<8x32x128xf32, #tpu.memory_space<vmem>> -> memref<1x32x128xf32, #tpu.memory_space<vmem>>
      %dma_wait3A_1291 = tpu.memref_squeeze %dma_wait3A_1290 : memref<1x32x128xf32, #tpu.memory_space<vmem>> -> memref<32x128xf32, #tpu.memory_space<vmem>>
      %dma_wait3A_1292 = arith.constant 0 : i32
      %dma_wait3A_1293 = arith.constant 0 : i32
      %dma_wait3A_1294 = tpu.memref_slice %arg5[%dma_wait3A_1292, %dma_wait3A_1293] : memref<32x1000000xf32, #tpu.memory_space<hbm>> -> memref<32x128xf32, #tpu.memory_space<hbm>>
      %dma_wait3A_1295 = tpu.memref_slice %arg13[%dma_wait3A_1287] : memref<8x!tpu.dma_semaphore, #tpu.memory_space<semaphore_mem>> -> memref<1x!tpu.dma_semaphore, #tpu.memory_space<semaphore_mem>>
      %dma_wait3A_1296 = tpu.memref_squeeze %dma_wait3A_1295 : memref<1x!tpu.dma_semaphore, #tpu.memory_space<semaphore_mem>> -> memref<!tpu.dma_semaphore, #tpu.memory_space<semaphore_mem>>
      %dma_wait3A_1297 = arith.constant 0 : i32
      %dma_wait3A_1298 = arith.constant 0 : i32
      %dma_wait3A_1299 = tpu.memref_slice %arg10[%dma_wait3A_1286, %dma_wait3A_1297, %dma_wait3A_1298] : memref<8x32x128xf32, #tpu.memory_space<vmem>> -> memref<1x32x128xf32, #tpu.memory_space<vmem>>
      %dma_wait3A_1300 = tpu.memref_squeeze %dma_wait3A_1299 : memref<1x32x128xf32, #tpu.memory_space<vmem>> -> memref<32x128xf32, #tpu.memory_space<vmem>>
      %dma_wait3A_1301 = arith.constant 0 : i32
      %dma_wait3A_1302 = arith.constant 0 : i32
      %dma_wait3A_1303 = tpu.memref_slice %arg5[%dma_wait3A_1301, %dma_wait3A_1302] : memref<32x1000000xf32, #tpu.memory_space<hbm>> -> memref<32x128xf32, #tpu.memory_space<hbm>>
      tpu.wait_dma2 semaphore(%dma_wait3A_1296 : memref<!tpu.dma_semaphore, #tpu.memory_space<semaphore_mem>>) src(%dma_wait3A_1303 : memref<32x128xf32, #tpu.memory_space<hbm>>) dst(%dma_wait3A_1300 : memref<32x128xf32, #tpu.memory_space<vmem>>)
      %broadcast_in_dim3A_1304 = arith.constant 1 : i32
      %broadcast_in_dim3A_1305 = vector.broadcast %broadcast_in_dim3A_1304 : i32 to vector<16xi32>
      %slice3A_1306 = vector.extract_strided_slice %and3A_367 {offsets = [9], sizes = [1], strides = [1]} : vector<16xi32> to vector<1xi32>
      %squeeze3A_1307 = vector.extract %slice3A_1306[0] : i32 from vector<1xi32>
      %broadcast_in_dim3A_1308 = vector.broadcast %squeeze3A_1307 : i32 to vector<16xi32>
      %slice3A_1309 = vector.extract_strided_slice %and3A_370 {offsets = [9], sizes = [1], strides = [1]} : vector<16xi32> to vector<1xi32>
      %squeeze3A_1310 = vector.extract %slice3A_1309[0] : i32 from vector<1xi32>
      %broadcast_in_dim3A_1311 = vector.broadcast %squeeze3A_1310 : i32 to vector<16xi32>
      %gather3A_1312 = tpu.vector_load_idx %arg9[%broadcast_in_dim3A_1305, %iota3A, %broadcast_in_dim3A_1308] : memref<8x32x128xf32, #tpu.memory_space<vmem>>[vector<16xi32>, vector<16xi32>, vector<16xi32>], vector<16xf32>,
      %gather3A_1313 = tpu.vector_load_idx %arg9[%broadcast_in_dim3A_1305, %add3A_5, %broadcast_in_dim3A_1308] : memref<8x32x128xf32, #tpu.memory_space<vmem>>[vector<16xi32>, vector<16xi32>, vector<16xi32>], vector<16xf32>,
      %gather3A_1314 = tpu.vector_load_idx %arg10[%broadcast_in_dim3A_1305, %iota3A, %broadcast_in_dim3A_1311] : memref<8x32x128xf32, #tpu.memory_space<vmem>>[vector<16xi32>, vector<16xi32>, vector<16xi32>], vector<16xf32>,
      %gather3A_1315 = tpu.vector_load_idx %arg10[%broadcast_in_dim3A_1305, %add3A_5, %broadcast_in_dim3A_1311] : memref<8x32x128xf32, #tpu.memory_space<vmem>>[vector<16xi32>, vector<16xi32>, vector<16xi32>], vector<16xf32>,
      %mul3A_1316 = arith.mulf %gather3A_1312, %gather3A_1314 : vector<16xf32>
      %mul3A_1317 = arith.mulf %gather3A_1313, %gather3A_1315 : vector<16xf32>
      %add3A_1318 = arith.addf %mul3A_1316, %mul3A_1317 : vector<16xf32>
      %reduce_sum3A_1319 = arith.constant true
      %reduce_sum3A_1320 = vector.broadcast %reduce_sum3A_1319 : i1 to vector<16xi1>
      %reduce_sum3A_1321 = tpu.scan <sum>, %add3A_1318 masked %reduce_sum3A_1320 : vector<16xf32>, vector<16xi1> -> vector<16xf32>
      %reduce_sum3A_1322 = vector.extract %reduce_sum3A_1321[15] : f32 from vector<16xf32>
      %eq3A_1323 = arith.constant 9 : i32
      %eq3A_1324 = vector.broadcast %eq3A_1323 : i32 to vector<16xi32>
      %eq3A_1325 = arith.cmpi eq, %iota3A, %eq3A_1324 : vector<16xi32>
      %broadcast_in_dim3A_1326 = vector.broadcast %reduce_sum3A_1322 : f32 to vector<16xf32>
      %select_n3A_1327 = arith.select %eq3A_1325, %broadcast_in_dim3A_1326, %select_n3A_1262 : vector<16xi1>, vector<16xf32>
      %add3A_1328 = arith.constant 1 : i32
      %add3A_1329 = arith.addi %scan3A_351, %add3A_1328 : i32
      %lt3A_1330 = arith.constant 32 : i32
      %lt3A_1331 = arith.cmpi slt, %add3A_1329, %lt3A_1330 : i32
      %convert_element_type3A_1332 = arith.extui %lt3A_1331 : i1 to i32
      %cond3A_1333 = arith.constant 0 : i32
      %cond3A_1334 = arith.cmpi ne, %convert_element_type3A_1332, %cond3A_1333 : i32
      scf.if %cond3A_1334 {
        %slice3A_1744 = vector.extract_strided_slice %shift_right_logical3A_386 {offsets = [1], sizes = [1], strides = [1]} : vector<16xi32> to vector<1xi32>
        %squeeze3A_1745 = vector.extract %slice3A_1744[0] : i32 from vector<1xi32>
        %slice3A_1746 = vector.extract_strided_slice %shift_right_logical3A_389 {offsets = [1], sizes = [1], strides = [1]} : vector<16xi32> to vector<1xi32>
        %squeeze3A_1747 = vector.extract %slice3A_1746[0] : i32 from vector<1xi32>
        %mul3A_1748 = arith.constant 128 : i32
        %mul3A_1749 = arith.muli %squeeze3A_1745, %mul3A_1748 : i32
        %multiple_of3A_1750 = tpu.assume_multiple %mul3A_1749, 128 : i32
        %mul3A_1751 = arith.constant 128 : i32
        %mul3A_1752 = arith.muli %squeeze3A_1747, %mul3A_1751 : i32
        %multiple_of3A_1753 = tpu.assume_multiple %mul3A_1752, 128 : i32
        %dma_start3A_1754 = arith.constant 1 : i32
        %dma_start3A_1755 = arith.constant 1 : i32
        %dma_start3A_1756 = arith.constant 0 : i32
        %dma_start3A_1757 = arith.constant 0 : i32
        %dma_start3A_1758 = tpu.memref_slice %arg9[%dma_start3A_1754, %dma_start3A_1756, %dma_start3A_1757] : memref<8x32x128xf32, #tpu.memory_space<vmem>> -> memref<1x32x128xf32, #tpu.memory_space<vmem>>
        %dma_start3A_1759 = tpu.memref_squeeze %dma_start3A_1758 : memref<1x32x128xf32, #tpu.memory_space<vmem>> -> memref<32x128xf32, #tpu.memory_space<vmem>>
        %dma_start3A_1760 = arith.constant 0 : i32
        %dma_start3A_1761 = tpu.memref_slice %arg4[%dma_start3A_1760, %multiple_of3A_1750] : memref<32x1000000xf32, #tpu.memory_space<hbm>> -> memref<32x128xf32, #tpu.memory_space<hbm>>
        %dma_start3A_1762 = tpu.memref_slice %arg12[%dma_start3A_1755] : memref<8x!tpu.dma_semaphore, #tpu.memory_space<semaphore_mem>> -> memref<1x!tpu.dma_semaphore, #tpu.memory_space<semaphore_mem>>
        %dma_start3A_1763 = tpu.memref_squeeze %dma_start3A_1762 : memref<1x!tpu.dma_semaphore, #tpu.memory_space<semaphore_mem>> -> memref<!tpu.dma_semaphore, #tpu.memory_space<semaphore_mem>>
        %dma_start3A_1764 = arith.constant 0 : i32
        %dma_start3A_1765 = arith.constant 0 : i32
        %dma_start3A_1766 = tpu.memref_slice %arg9[%dma_start3A_1754, %dma_start3A_1764, %dma_start3A_1765] : memref<8x32x128xf32, #tpu.memory_space<vmem>> -> memref<1x32x128xf32, #tpu.memory_space<vmem>>
        %dma_start3A_1767 = tpu.memref_squeeze %dma_start3A_1766 : memref<1x32x128xf32, #tpu.memory_space<vmem>> -> memref<32x128xf32, #tpu.memory_space<vmem>>
        %dma_start3A_1768 = arith.constant 0 : i32
        %dma_start3A_1769 = tpu.memref_slice %arg4[%dma_start3A_1768, %multiple_of3A_1750] : memref<32x1000000xf32, #tpu.memory_space<hbm>> -> memref<32x128xf32, #tpu.memory_space<hbm>>
        tpu.enqueue_dma source(%dma_start3A_1769 : memref<32x128xf32, #tpu.memory_space<hbm>>) target(%dma_start3A_1767 : memref<32x128xf32, #tpu.memory_space<vmem>>) target_semaphore(%dma_start3A_1763 : memref<!tpu.dma_semaphore, #tpu.memory_space<semaphore_mem>>)
        %dma_start3A_1770 = arith.constant 1 : i32
        %dma_start3A_1771 = arith.constant 1 : i32
        %dma_start3A_1772 = arith.constant 0 : i32
        %dma_start3A_1773 = arith.constant 0 : i32
        %dma_start3A_1774 = tpu.memref_slice %arg10[%dma_start3A_1770, %dma_start3A_1772, %dma_start3A_1773] : memref<8x32x128xf32, #tpu.memory_space<vmem>> -> memref<1x32x128xf32, #tpu.memory_space<vmem>>
        %dma_start3A_1775 = tpu.memref_squeeze %dma_start3A_1774 : memref<1x32x128xf32, #tpu.memory_space<vmem>> -> memref<32x128xf32, #tpu.memory_space<vmem>>
        %dma_start3A_1776 = arith.constant 0 : i32
        %dma_start3A_1777 = tpu.memref_slice %arg5[%dma_start3A_1776, %multiple_of3A_1753] : memref<32x1000000xf32, #tpu.memory_space<hbm>> -> memref<32x128xf32, #tpu.memory_space<hbm>>
        %dma_start3A_1778 = tpu.memref_slice %arg13[%dma_start3A_1771] : memref<8x!tpu.dma_semaphore, #tpu.memory_space<semaphore_mem>> -> memref<1x!tpu.dma_semaphore, #tpu.memory_space<semaphore_mem>>
        %dma_start3A_1779 = tpu.memref_squeeze %dma_start3A_1778 : memref<1x!tpu.dma_semaphore, #tpu.memory_space<semaphore_mem>> -> memref<!tpu.dma_semaphore, #tpu.memory_space<semaphore_mem>>
        %dma_start3A_1780 = arith.constant 0 : i32
        %dma_start3A_1781 = arith.constant 0 : i32
        %dma_start3A_1782 = tpu.memref_slice %arg10[%dma_start3A_1770, %dma_start3A_1780, %dma_start3A_1781] : memref<8x32x128xf32, #tpu.memory_space<vmem>> -> memref<1x32x128xf32, #tpu.memory_space<vmem>>
        %dma_start3A_1783 = tpu.memref_squeeze %dma_start3A_1782 : memref<1x32x128xf32, #tpu.memory_space<vmem>> -> memref<32x128xf32, #tpu.memory_space<vmem>>
        %dma_start3A_1784 = arith.constant 0 : i32
        %dma_start3A_1785 = tpu.memref_slice %arg5[%dma_start3A_1784, %multiple_of3A_1753] : memref<32x1000000xf32, #tpu.memory_space<hbm>> -> memref<32x128xf32, #tpu.memory_space<hbm>>
        tpu.enqueue_dma source(%dma_start3A_1785 : memref<32x128xf32, #tpu.memory_space<hbm>>) target(%dma_start3A_1783 : memref<32x128xf32, #tpu.memory_space<vmem>>) target_semaphore(%dma_start3A_1779 : memref<!tpu.dma_semaphore, #tpu.memory_space<semaphore_mem>>)
      } else {
      }
      %dma_wait3A_1335 = arith.constant 2 : i32
      %dma_wait3A_1336 = arith.constant 2 : i32
      %dma_wait3A_1337 = arith.constant 0 : i32
      %dma_wait3A_1338 = arith.constant 0 : i32
      %dma_wait3A_1339 = tpu.memref_slice %arg9[%dma_wait3A_1335, %dma_wait3A_1337, %dma_wait3A_1338] : memref<8x32x128xf32, #tpu.memory_space<vmem>> -> memref<1x32x128xf32, #tpu.memory_space<vmem>>
      %dma_wait3A_1340 = tpu.memref_squeeze %dma_wait3A_1339 : memref<1x32x128xf32, #tpu.memory_space<vmem>> -> memref<32x128xf32, #tpu.memory_space<vmem>>
      %dma_wait3A_1341 = arith.constant 0 : i32
      %dma_wait3A_1342 = arith.constant 0 : i32
      %dma_wait3A_1343 = tpu.memref_slice %arg4[%dma_wait3A_1341, %dma_wait3A_1342] : memref<32x1000000xf32, #tpu.memory_space<hbm>> -> memref<32x128xf32, #tpu.memory_space<hbm>>
      %dma_wait3A_1344 = tpu.memref_slice %arg12[%dma_wait3A_1336] : memref<8x!tpu.dma_semaphore, #tpu.memory_space<semaphore_mem>> -> memref<1x!tpu.dma_semaphore, #tpu.memory_space<semaphore_mem>>
      %dma_wait3A_1345 = tpu.memref_squeeze %dma_wait3A_1344 : memref<1x!tpu.dma_semaphore, #tpu.memory_space<semaphore_mem>> -> memref<!tpu.dma_semaphore, #tpu.memory_space<semaphore_mem>>
      %dma_wait3A_1346 = arith.constant 0 : i32
      %dma_wait3A_1347 = arith.constant 0 : i32
      %dma_wait3A_1348 = tpu.memref_slice %arg9[%dma_wait3A_1335, %dma_wait3A_1346, %dma_wait3A_1347] : memref<8x32x128xf32, #tpu.memory_space<vmem>> -> memref<1x32x128xf32, #tpu.memory_space<vmem>>
      %dma_wait3A_1349 = tpu.memref_squeeze %dma_wait3A_1348 : memref<1x32x128xf32, #tpu.memory_space<vmem>> -> memref<32x128xf32, #tpu.memory_space<vmem>>
      %dma_wait3A_1350 = arith.constant 0 : i32
      %dma_wait3A_1351 = arith.constant 0 : i32
      %dma_wait3A_1352 = tpu.memref_slice %arg4[%dma_wait3A_1350, %dma_wait3A_1351] : memref<32x1000000xf32, #tpu.memory_space<hbm>> -> memref<32x128xf32, #tpu.memory_space<hbm>>
      tpu.wait_dma2 semaphore(%dma_wait3A_1345 : memref<!tpu.dma_semaphore, #tpu.memory_space<semaphore_mem>>) src(%dma_wait3A_1352 : memref<32x128xf32, #tpu.memory_space<hbm>>) dst(%dma_wait3A_1349 : memref<32x128xf32, #tpu.memory_space<vmem>>)
      %dma_wait3A_1353 = arith.constant 2 : i32
      %dma_wait3A_1354 = arith.constant 2 : i32
      %dma_wait3A_1355 = arith.constant 0 : i32
      %dma_wait3A_1356 = arith.constant 0 : i32
      %dma_wait3A_1357 = tpu.memref_slice %arg10[%dma_wait3A_1353, %dma_wait3A_1355, %dma_wait3A_1356] : memref<8x32x128xf32, #tpu.memory_space<vmem>> -> memref<1x32x128xf32, #tpu.memory_space<vmem>>
      %dma_wait3A_1358 = tpu.memref_squeeze %dma_wait3A_1357 : memref<1x32x128xf32, #tpu.memory_space<vmem>> -> memref<32x128xf32, #tpu.memory_space<vmem>>
      %dma_wait3A_1359 = arith.constant 0 : i32
      %dma_wait3A_1360 = arith.constant 0 : i32
      %dma_wait3A_1361 = tpu.memref_slice %arg5[%dma_wait3A_1359, %dma_wait3A_1360] : memref<32x1000000xf32, #tpu.memory_space<hbm>> -> memref<32x128xf32, #tpu.memory_space<hbm>>
      %dma_wait3A_1362 = tpu.memref_slice %arg13[%dma_wait3A_1354] : memref<8x!tpu.dma_semaphore, #tpu.memory_space<semaphore_mem>> -> memref<1x!tpu.dma_semaphore, #tpu.memory_space<semaphore_mem>>
      %dma_wait3A_1363 = tpu.memref_squeeze %dma_wait3A_1362 : memref<1x!tpu.dma_semaphore, #tpu.memory_space<semaphore_mem>> -> memref<!tpu.dma_semaphore, #tpu.memory_space<semaphore_mem>>
      %dma_wait3A_1364 = arith.constant 0 : i32
      %dma_wait3A_1365 = arith.constant 0 : i32
      %dma_wait3A_1366 = tpu.memref_slice %arg10[%dma_wait3A_1353, %dma_wait3A_1364, %dma_wait3A_1365] : memref<8x32x128xf32, #tpu.memory_space<vmem>> -> memref<1x32x128xf32, #tpu.memory_space<vmem>>
      %dma_wait3A_1367 = tpu.memref_squeeze %dma_wait3A_1366 : memref<1x32x128xf32, #tpu.memory_space<vmem>> -> memref<32x128xf32, #tpu.memory_space<vmem>>
      %dma_wait3A_1368 = arith.constant 0 : i32
      %dma_wait3A_1369 = arith.constant 0 : i32
      %dma_wait3A_1370 = tpu.memref_slice %arg5[%dma_wait3A_1368, %dma_wait3A_1369] : memref<32x1000000xf32, #tpu.memory_space<hbm>> -> memref<32x128xf32, #tpu.memory_space<hbm>>
      tpu.wait_dma2 semaphore(%dma_wait3A_1363 : memref<!tpu.dma_semaphore, #tpu.memory_space<semaphore_mem>>) src(%dma_wait3A_1370 : memref<32x128xf32, #tpu.memory_space<hbm>>) dst(%dma_wait3A_1367 : memref<32x128xf32, #tpu.memory_space<vmem>>)
      %broadcast_in_dim3A_1371 = arith.constant 2 : i32
      %broadcast_in_dim3A_1372 = vector.broadcast %broadcast_in_dim3A_1371 : i32 to vector<16xi32>
      %slice3A_1373 = vector.extract_strided_slice %and3A_367 {offsets = [10], sizes = [1], strides = [1]} : vector<16xi32> to vector<1xi32>
      %squeeze3A_1374 = vector.extract %slice3A_1373[0] : i32 from vector<1xi32>
      %broadcast_in_dim3A_1375 = vector.broadcast %squeeze3A_1374 : i32 to vector<16xi32>
      %slice3A_1376 = vector.extract_strided_slice %and3A_370 {offsets = [10], sizes = [1], strides = [1]} : vector<16xi32> to vector<1xi32>
      %squeeze3A_1377 = vector.extract %slice3A_1376[0] : i32 from vector<1xi32>
      %broadcast_in_dim3A_1378 = vector.broadcast %squeeze3A_1377 : i32 to vector<16xi32>
      %gather3A_1379 = tpu.vector_load_idx %arg9[%broadcast_in_dim3A_1372, %iota3A, %broadcast_in_dim3A_1375] : memref<8x32x128xf32, #tpu.memory_space<vmem>>[vector<16xi32>, vector<16xi32>, vector<16xi32>], vector<16xf32>,
      %gather3A_1380 = tpu.vector_load_idx %arg9[%broadcast_in_dim3A_1372, %add3A_5, %broadcast_in_dim3A_1375] : memref<8x32x128xf32, #tpu.memory_space<vmem>>[vector<16xi32>, vector<16xi32>, vector<16xi32>], vector<16xf32>,
      %gather3A_1381 = tpu.vector_load_idx %arg10[%broadcast_in_dim3A_1372, %iota3A, %broadcast_in_dim3A_1378] : memref<8x32x128xf32, #tpu.memory_space<vmem>>[vector<16xi32>, vector<16xi32>, vector<16xi32>], vector<16xf32>,
      %gather3A_1382 = tpu.vector_load_idx %arg10[%broadcast_in_dim3A_1372, %add3A_5, %broadcast_in_dim3A_1378] : memref<8x32x128xf32, #tpu.memory_space<vmem>>[vector<16xi32>, vector<16xi32>, vector<16xi32>], vector<16xf32>,
      %mul3A_1383 = arith.mulf %gather3A_1379, %gather3A_1381 : vector<16xf32>
      %mul3A_1384 = arith.mulf %gather3A_1380, %gather3A_1382 : vector<16xf32>
      %add3A_1385 = arith.addf %mul3A_1383, %mul3A_1384 : vector<16xf32>
      %reduce_sum3A_1386 = arith.constant true
      %reduce_sum3A_1387 = vector.broadcast %reduce_sum3A_1386 : i1 to vector<16xi1>
      %reduce_sum3A_1388 = tpu.scan <sum>, %add3A_1385 masked %reduce_sum3A_1387 : vector<16xf32>, vector<16xi1> -> vector<16xf32>
      %reduce_sum3A_1389 = vector.extract %reduce_sum3A_1388[15] : f32 from vector<16xf32>
      %eq3A_1390 = arith.constant 10 : i32
      %eq3A_1391 = vector.broadcast %eq3A_1390 : i32 to vector<16xi32>
      %eq3A_1392 = arith.cmpi eq, %iota3A, %eq3A_1391 : vector<16xi32>
      %broadcast_in_dim3A_1393 = vector.broadcast %reduce_sum3A_1389 : f32 to vector<16xf32>
      %select_n3A_1394 = arith.select %eq3A_1392, %broadcast_in_dim3A_1393, %select_n3A_1327 : vector<16xi1>, vector<16xf32>
      %add3A_1395 = arith.constant 1 : i32
      %add3A_1396 = arith.addi %scan3A_351, %add3A_1395 : i32
      %lt3A_1397 = arith.constant 32 : i32
      %lt3A_1398 = arith.cmpi slt, %add3A_1396, %lt3A_1397 : i32
      %convert_element_type3A_1399 = arith.extui %lt3A_1398 : i1 to i32
      %cond3A_1400 = arith.constant 0 : i32
      %cond3A_1401 = arith.cmpi ne, %convert_element_type3A_1399, %cond3A_1400 : i32
      scf.if %cond3A_1401 {
        %slice3A_1744 = vector.extract_strided_slice %shift_right_logical3A_386 {offsets = [2], sizes = [1], strides = [1]} : vector<16xi32> to vector<1xi32>
        %squeeze3A_1745 = vector.extract %slice3A_1744[0] : i32 from vector<1xi32>
        %slice3A_1746 = vector.extract_strided_slice %shift_right_logical3A_389 {offsets = [2], sizes = [1], strides = [1]} : vector<16xi32> to vector<1xi32>
        %squeeze3A_1747 = vector.extract %slice3A_1746[0] : i32 from vector<1xi32>
        %mul3A_1748 = arith.constant 128 : i32
        %mul3A_1749 = arith.muli %squeeze3A_1745, %mul3A_1748 : i32
        %multiple_of3A_1750 = tpu.assume_multiple %mul3A_1749, 128 : i32
        %mul3A_1751 = arith.constant 128 : i32
        %mul3A_1752 = arith.muli %squeeze3A_1747, %mul3A_1751 : i32
        %multiple_of3A_1753 = tpu.assume_multiple %mul3A_1752, 128 : i32
        %dma_start3A_1754 = arith.constant 2 : i32
        %dma_start3A_1755 = arith.constant 2 : i32
        %dma_start3A_1756 = arith.constant 0 : i32
        %dma_start3A_1757 = arith.constant 0 : i32
        %dma_start3A_1758 = tpu.memref_slice %arg9[%dma_start3A_1754, %dma_start3A_1756, %dma_start3A_1757] : memref<8x32x128xf32, #tpu.memory_space<vmem>> -> memref<1x32x128xf32, #tpu.memory_space<vmem>>
        %dma_start3A_1759 = tpu.memref_squeeze %dma_start3A_1758 : memref<1x32x128xf32, #tpu.memory_space<vmem>> -> memref<32x128xf32, #tpu.memory_space<vmem>>
        %dma_start3A_1760 = arith.constant 0 : i32
        %dma_start3A_1761 = tpu.memref_slice %arg4[%dma_start3A_1760, %multiple_of3A_1750] : memref<32x1000000xf32, #tpu.memory_space<hbm>> -> memref<32x128xf32, #tpu.memory_space<hbm>>
        %dma_start3A_1762 = tpu.memref_slice %arg12[%dma_start3A_1755] : memref<8x!tpu.dma_semaphore, #tpu.memory_space<semaphore_mem>> -> memref<1x!tpu.dma_semaphore, #tpu.memory_space<semaphore_mem>>
        %dma_start3A_1763 = tpu.memref_squeeze %dma_start3A_1762 : memref<1x!tpu.dma_semaphore, #tpu.memory_space<semaphore_mem>> -> memref<!tpu.dma_semaphore, #tpu.memory_space<semaphore_mem>>
        %dma_start3A_1764 = arith.constant 0 : i32
        %dma_start3A_1765 = arith.constant 0 : i32
        %dma_start3A_1766 = tpu.memref_slice %arg9[%dma_start3A_1754, %dma_start3A_1764, %dma_start3A_1765] : memref<8x32x128xf32, #tpu.memory_space<vmem>> -> memref<1x32x128xf32, #tpu.memory_space<vmem>>
        %dma_start3A_1767 = tpu.memref_squeeze %dma_start3A_1766 : memref<1x32x128xf32, #tpu.memory_space<vmem>> -> memref<32x128xf32, #tpu.memory_space<vmem>>
        %dma_start3A_1768 = arith.constant 0 : i32
        %dma_start3A_1769 = tpu.memref_slice %arg4[%dma_start3A_1768, %multiple_of3A_1750] : memref<32x1000000xf32, #tpu.memory_space<hbm>> -> memref<32x128xf32, #tpu.memory_space<hbm>>
        tpu.enqueue_dma source(%dma_start3A_1769 : memref<32x128xf32, #tpu.memory_space<hbm>>) target(%dma_start3A_1767 : memref<32x128xf32, #tpu.memory_space<vmem>>) target_semaphore(%dma_start3A_1763 : memref<!tpu.dma_semaphore, #tpu.memory_space<semaphore_mem>>)
        %dma_start3A_1770 = arith.constant 2 : i32
        %dma_start3A_1771 = arith.constant 2 : i32
        %dma_start3A_1772 = arith.constant 0 : i32
        %dma_start3A_1773 = arith.constant 0 : i32
        %dma_start3A_1774 = tpu.memref_slice %arg10[%dma_start3A_1770, %dma_start3A_1772, %dma_start3A_1773] : memref<8x32x128xf32, #tpu.memory_space<vmem>> -> memref<1x32x128xf32, #tpu.memory_space<vmem>>
        %dma_start3A_1775 = tpu.memref_squeeze %dma_start3A_1774 : memref<1x32x128xf32, #tpu.memory_space<vmem>> -> memref<32x128xf32, #tpu.memory_space<vmem>>
        %dma_start3A_1776 = arith.constant 0 : i32
        %dma_start3A_1777 = tpu.memref_slice %arg5[%dma_start3A_1776, %multiple_of3A_1753] : memref<32x1000000xf32, #tpu.memory_space<hbm>> -> memref<32x128xf32, #tpu.memory_space<hbm>>
        %dma_start3A_1778 = tpu.memref_slice %arg13[%dma_start3A_1771] : memref<8x!tpu.dma_semaphore, #tpu.memory_space<semaphore_mem>> -> memref<1x!tpu.dma_semaphore, #tpu.memory_space<semaphore_mem>>
        %dma_start3A_1779 = tpu.memref_squeeze %dma_start3A_1778 : memref<1x!tpu.dma_semaphore, #tpu.memory_space<semaphore_mem>> -> memref<!tpu.dma_semaphore, #tpu.memory_space<semaphore_mem>>
        %dma_start3A_1780 = arith.constant 0 : i32
        %dma_start3A_1781 = arith.constant 0 : i32
        %dma_start3A_1782 = tpu.memref_slice %arg10[%dma_start3A_1770, %dma_start3A_1780, %dma_start3A_1781] : memref<8x32x128xf32, #tpu.memory_space<vmem>> -> memref<1x32x128xf32, #tpu.memory_space<vmem>>
        %dma_start3A_1783 = tpu.memref_squeeze %dma_start3A_1782 : memref<1x32x128xf32, #tpu.memory_space<vmem>> -> memref<32x128xf32, #tpu.memory_space<vmem>>
        %dma_start3A_1784 = arith.constant 0 : i32
        %dma_start3A_1785 = tpu.memref_slice %arg5[%dma_start3A_1784, %multiple_of3A_1753] : memref<32x1000000xf32, #tpu.memory_space<hbm>> -> memref<32x128xf32, #tpu.memory_space<hbm>>
        tpu.enqueue_dma source(%dma_start3A_1785 : memref<32x128xf32, #tpu.memory_space<hbm>>) target(%dma_start3A_1783 : memref<32x128xf32, #tpu.memory_space<vmem>>) target_semaphore(%dma_start3A_1779 : memref<!tpu.dma_semaphore, #tpu.memory_space<semaphore_mem>>)
      } else {
      }
      %dma_wait3A_1402 = arith.constant 3 : i32
      %dma_wait3A_1403 = arith.constant 3 : i32
      %dma_wait3A_1404 = arith.constant 0 : i32
      %dma_wait3A_1405 = arith.constant 0 : i32
      %dma_wait3A_1406 = tpu.memref_slice %arg9[%dma_wait3A_1402, %dma_wait3A_1404, %dma_wait3A_1405] : memref<8x32x128xf32, #tpu.memory_space<vmem>> -> memref<1x32x128xf32, #tpu.memory_space<vmem>>
      %dma_wait3A_1407 = tpu.memref_squeeze %dma_wait3A_1406 : memref<1x32x128xf32, #tpu.memory_space<vmem>> -> memref<32x128xf32, #tpu.memory_space<vmem>>
      %dma_wait3A_1408 = arith.constant 0 : i32
      %dma_wait3A_1409 = arith.constant 0 : i32
      %dma_wait3A_1410 = tpu.memref_slice %arg4[%dma_wait3A_1408, %dma_wait3A_1409] : memref<32x1000000xf32, #tpu.memory_space<hbm>> -> memref<32x128xf32, #tpu.memory_space<hbm>>
      %dma_wait3A_1411 = tpu.memref_slice %arg12[%dma_wait3A_1403] : memref<8x!tpu.dma_semaphore, #tpu.memory_space<semaphore_mem>> -> memref<1x!tpu.dma_semaphore, #tpu.memory_space<semaphore_mem>>
      %dma_wait3A_1412 = tpu.memref_squeeze %dma_wait3A_1411 : memref<1x!tpu.dma_semaphore, #tpu.memory_space<semaphore_mem>> -> memref<!tpu.dma_semaphore, #tpu.memory_space<semaphore_mem>>
      %dma_wait3A_1413 = arith.constant 0 : i32
      %dma_wait3A_1414 = arith.constant 0 : i32
      %dma_wait3A_1415 = tpu.memref_slice %arg9[%dma_wait3A_1402, %dma_wait3A_1413, %dma_wait3A_1414] : memref<8x32x128xf32, #tpu.memory_space<vmem>> -> memref<1x32x128xf32, #tpu.memory_space<vmem>>
      %dma_wait3A_1416 = tpu.memref_squeeze %dma_wait3A_1415 : memref<1x32x128xf32, #tpu.memory_space<vmem>> -> memref<32x128xf32, #tpu.memory_space<vmem>>
      %dma_wait3A_1417 = arith.constant 0 : i32
      %dma_wait3A_1418 = arith.constant 0 : i32
      %dma_wait3A_1419 = tpu.memref_slice %arg4[%dma_wait3A_1417, %dma_wait3A_1418] : memref<32x1000000xf32, #tpu.memory_space<hbm>> -> memref<32x128xf32, #tpu.memory_space<hbm>>
      tpu.wait_dma2 semaphore(%dma_wait3A_1412 : memref<!tpu.dma_semaphore, #tpu.memory_space<semaphore_mem>>) src(%dma_wait3A_1419 : memref<32x128xf32, #tpu.memory_space<hbm>>) dst(%dma_wait3A_1416 : memref<32x128xf32, #tpu.memory_space<vmem>>)
      %dma_wait3A_1420 = arith.constant 3 : i32
      %dma_wait3A_1421 = arith.constant 3 : i32
      %dma_wait3A_1422 = arith.constant 0 : i32
      %dma_wait3A_1423 = arith.constant 0 : i32
      %dma_wait3A_1424 = tpu.memref_slice %arg10[%dma_wait3A_1420, %dma_wait3A_1422, %dma_wait3A_1423] : memref<8x32x128xf32, #tpu.memory_space<vmem>> -> memref<1x32x128xf32, #tpu.memory_space<vmem>>
      %dma_wait3A_1425 = tpu.memref_squeeze %dma_wait3A_1424 : memref<1x32x128xf32, #tpu.memory_space<vmem>> -> memref<32x128xf32, #tpu.memory_space<vmem>>
      %dma_wait3A_1426 = arith.constant 0 : i32
      %dma_wait3A_1427 = arith.constant 0 : i32
      %dma_wait3A_1428 = tpu.memref_slice %arg5[%dma_wait3A_1426, %dma_wait3A_1427] : memref<32x1000000xf32, #tpu.memory_space<hbm>> -> memref<32x128xf32, #tpu.memory_space<hbm>>
      %dma_wait3A_1429 = tpu.memref_slice %arg13[%dma_wait3A_1421] : memref<8x!tpu.dma_semaphore, #tpu.memory_space<semaphore_mem>> -> memref<1x!tpu.dma_semaphore, #tpu.memory_space<semaphore_mem>>
      %dma_wait3A_1430 = tpu.memref_squeeze %dma_wait3A_1429 : memref<1x!tpu.dma_semaphore, #tpu.memory_space<semaphore_mem>> -> memref<!tpu.dma_semaphore, #tpu.memory_space<semaphore_mem>>
      %dma_wait3A_1431 = arith.constant 0 : i32
      %dma_wait3A_1432 = arith.constant 0 : i32
      %dma_wait3A_1433 = tpu.memref_slice %arg10[%dma_wait3A_1420, %dma_wait3A_1431, %dma_wait3A_1432] : memref<8x32x128xf32, #tpu.memory_space<vmem>> -> memref<1x32x128xf32, #tpu.memory_space<vmem>>
      %dma_wait3A_1434 = tpu.memref_squeeze %dma_wait3A_1433 : memref<1x32x128xf32, #tpu.memory_space<vmem>> -> memref<32x128xf32, #tpu.memory_space<vmem>>
      %dma_wait3A_1435 = arith.constant 0 : i32
      %dma_wait3A_1436 = arith.constant 0 : i32
      %dma_wait3A_1437 = tpu.memref_slice %arg5[%dma_wait3A_1435, %dma_wait3A_1436] : memref<32x1000000xf32, #tpu.memory_space<hbm>> -> memref<32x128xf32, #tpu.memory_space<hbm>>
      tpu.wait_dma2 semaphore(%dma_wait3A_1430 : memref<!tpu.dma_semaphore, #tpu.memory_space<semaphore_mem>>) src(%dma_wait3A_1437 : memref<32x128xf32, #tpu.memory_space<hbm>>) dst(%dma_wait3A_1434 : memref<32x128xf32, #tpu.memory_space<vmem>>)
      %broadcast_in_dim3A_1438 = arith.constant 3 : i32
      %broadcast_in_dim3A_1439 = vector.broadcast %broadcast_in_dim3A_1438 : i32 to vector<16xi32>
      %slice3A_1440 = vector.extract_strided_slice %and3A_367 {offsets = [11], sizes = [1], strides = [1]} : vector<16xi32> to vector<1xi32>
      %squeeze3A_1441 = vector.extract %slice3A_1440[0] : i32 from vector<1xi32>
      %broadcast_in_dim3A_1442 = vector.broadcast %squeeze3A_1441 : i32 to vector<16xi32>
      %slice3A_1443 = vector.extract_strided_slice %and3A_370 {offsets = [11], sizes = [1], strides = [1]} : vector<16xi32> to vector<1xi32>
      %squeeze3A_1444 = vector.extract %slice3A_1443[0] : i32 from vector<1xi32>
      %broadcast_in_dim3A_1445 = vector.broadcast %squeeze3A_1444 : i32 to vector<16xi32>
      %gather3A_1446 = tpu.vector_load_idx %arg9[%broadcast_in_dim3A_1439, %iota3A, %broadcast_in_dim3A_1442] : memref<8x32x128xf32, #tpu.memory_space<vmem>>[vector<16xi32>, vector<16xi32>, vector<16xi32>], vector<16xf32>,
      %gather3A_1447 = tpu.vector_load_idx %arg9[%broadcast_in_dim3A_1439, %add3A_5, %broadcast_in_dim3A_1442] : memref<8x32x128xf32, #tpu.memory_space<vmem>>[vector<16xi32>, vector<16xi32>, vector<16xi32>], vector<16xf32>,
      %gather3A_1448 = tpu.vector_load_idx %arg10[%broadcast_in_dim3A_1439, %iota3A, %broadcast_in_dim3A_1445] : memref<8x32x128xf32, #tpu.memory_space<vmem>>[vector<16xi32>, vector<16xi32>, vector<16xi32>], vector<16xf32>,
      %gather3A_1449 = tpu.vector_load_idx %arg10[%broadcast_in_dim3A_1439, %add3A_5, %broadcast_in_dim3A_1445] : memref<8x32x128xf32, #tpu.memory_space<vmem>>[vector<16xi32>, vector<16xi32>, vector<16xi32>], vector<16xf32>,
      %mul3A_1450 = arith.mulf %gather3A_1446, %gather3A_1448 : vector<16xf32>
      %mul3A_1451 = arith.mulf %gather3A_1447, %gather3A_1449 : vector<16xf32>
      %add3A_1452 = arith.addf %mul3A_1450, %mul3A_1451 : vector<16xf32>
      %reduce_sum3A_1453 = arith.constant true
      %reduce_sum3A_1454 = vector.broadcast %reduce_sum3A_1453 : i1 to vector<16xi1>
      %reduce_sum3A_1455 = tpu.scan <sum>, %add3A_1452 masked %reduce_sum3A_1454 : vector<16xf32>, vector<16xi1> -> vector<16xf32>
      %reduce_sum3A_1456 = vector.extract %reduce_sum3A_1455[15] : f32 from vector<16xf32>
      %eq3A_1457 = arith.constant 11 : i32
      %eq3A_1458 = vector.broadcast %eq3A_1457 : i32 to vector<16xi32>
      %eq3A_1459 = arith.cmpi eq, %iota3A, %eq3A_1458 : vector<16xi32>
      %broadcast_in_dim3A_1460 = vector.broadcast %reduce_sum3A_1456 : f32 to vector<16xf32>
      %select_n3A_1461 = arith.select %eq3A_1459, %broadcast_in_dim3A_1460, %select_n3A_1394 : vector<16xi1>, vector<16xf32>
      %add3A_1462 = arith.constant 1 : i32
      %add3A_1463 = arith.addi %scan3A_351, %add3A_1462 : i32
      %lt3A_1464 = arith.constant 32 : i32
      %lt3A_1465 = arith.cmpi slt, %add3A_1463, %lt3A_1464 : i32
      %convert_element_type3A_1466 = arith.extui %lt3A_1465 : i1 to i32
      %cond3A_1467 = arith.constant 0 : i32
      %cond3A_1468 = arith.cmpi ne, %convert_element_type3A_1466, %cond3A_1467 : i32
      scf.if %cond3A_1468 {
        %slice3A_1744 = vector.extract_strided_slice %shift_right_logical3A_386 {offsets = [3], sizes = [1], strides = [1]} : vector<16xi32> to vector<1xi32>
        %squeeze3A_1745 = vector.extract %slice3A_1744[0] : i32 from vector<1xi32>
        %slice3A_1746 = vector.extract_strided_slice %shift_right_logical3A_389 {offsets = [3], sizes = [1], strides = [1]} : vector<16xi32> to vector<1xi32>
        %squeeze3A_1747 = vector.extract %slice3A_1746[0] : i32 from vector<1xi32>
        %mul3A_1748 = arith.constant 128 : i32
        %mul3A_1749 = arith.muli %squeeze3A_1745, %mul3A_1748 : i32
        %multiple_of3A_1750 = tpu.assume_multiple %mul3A_1749, 128 : i32
        %mul3A_1751 = arith.constant 128 : i32
        %mul3A_1752 = arith.muli %squeeze3A_1747, %mul3A_1751 : i32
        %multiple_of3A_1753 = tpu.assume_multiple %mul3A_1752, 128 : i32
        %dma_start3A_1754 = arith.constant 3 : i32
        %dma_start3A_1755 = arith.constant 3 : i32
        %dma_start3A_1756 = arith.constant 0 : i32
        %dma_start3A_1757 = arith.constant 0 : i32
        %dma_start3A_1758 = tpu.memref_slice %arg9[%dma_start3A_1754, %dma_start3A_1756, %dma_start3A_1757] : memref<8x32x128xf32, #tpu.memory_space<vmem>> -> memref<1x32x128xf32, #tpu.memory_space<vmem>>
        %dma_start3A_1759 = tpu.memref_squeeze %dma_start3A_1758 : memref<1x32x128xf32, #tpu.memory_space<vmem>> -> memref<32x128xf32, #tpu.memory_space<vmem>>
        %dma_start3A_1760 = arith.constant 0 : i32
        %dma_start3A_1761 = tpu.memref_slice %arg4[%dma_start3A_1760, %multiple_of3A_1750] : memref<32x1000000xf32, #tpu.memory_space<hbm>> -> memref<32x128xf32, #tpu.memory_space<hbm>>
        %dma_start3A_1762 = tpu.memref_slice %arg12[%dma_start3A_1755] : memref<8x!tpu.dma_semaphore, #tpu.memory_space<semaphore_mem>> -> memref<1x!tpu.dma_semaphore, #tpu.memory_space<semaphore_mem>>
        %dma_start3A_1763 = tpu.memref_squeeze %dma_start3A_1762 : memref<1x!tpu.dma_semaphore, #tpu.memory_space<semaphore_mem>> -> memref<!tpu.dma_semaphore, #tpu.memory_space<semaphore_mem>>
        %dma_start3A_1764 = arith.constant 0 : i32
        %dma_start3A_1765 = arith.constant 0 : i32
        %dma_start3A_1766 = tpu.memref_slice %arg9[%dma_start3A_1754, %dma_start3A_1764, %dma_start3A_1765] : memref<8x32x128xf32, #tpu.memory_space<vmem>> -> memref<1x32x128xf32, #tpu.memory_space<vmem>>
        %dma_start3A_1767 = tpu.memref_squeeze %dma_start3A_1766 : memref<1x32x128xf32, #tpu.memory_space<vmem>> -> memref<32x128xf32, #tpu.memory_space<vmem>>
        %dma_start3A_1768 = arith.constant 0 : i32
        %dma_start3A_1769 = tpu.memref_slice %arg4[%dma_start3A_1768, %multiple_of3A_1750] : memref<32x1000000xf32, #tpu.memory_space<hbm>> -> memref<32x128xf32, #tpu.memory_space<hbm>>
        tpu.enqueue_dma source(%dma_start3A_1769 : memref<32x128xf32, #tpu.memory_space<hbm>>) target(%dma_start3A_1767 : memref<32x128xf32, #tpu.memory_space<vmem>>) target_semaphore(%dma_start3A_1763 : memref<!tpu.dma_semaphore, #tpu.memory_space<semaphore_mem>>)
        %dma_start3A_1770 = arith.constant 3 : i32
        %dma_start3A_1771 = arith.constant 3 : i32
        %dma_start3A_1772 = arith.constant 0 : i32
        %dma_start3A_1773 = arith.constant 0 : i32
        %dma_start3A_1774 = tpu.memref_slice %arg10[%dma_start3A_1770, %dma_start3A_1772, %dma_start3A_1773] : memref<8x32x128xf32, #tpu.memory_space<vmem>> -> memref<1x32x128xf32, #tpu.memory_space<vmem>>
        %dma_start3A_1775 = tpu.memref_squeeze %dma_start3A_1774 : memref<1x32x128xf32, #tpu.memory_space<vmem>> -> memref<32x128xf32, #tpu.memory_space<vmem>>
        %dma_start3A_1776 = arith.constant 0 : i32
        %dma_start3A_1777 = tpu.memref_slice %arg5[%dma_start3A_1776, %multiple_of3A_1753] : memref<32x1000000xf32, #tpu.memory_space<hbm>> -> memref<32x128xf32, #tpu.memory_space<hbm>>
        %dma_start3A_1778 = tpu.memref_slice %arg13[%dma_start3A_1771] : memref<8x!tpu.dma_semaphore, #tpu.memory_space<semaphore_mem>> -> memref<1x!tpu.dma_semaphore, #tpu.memory_space<semaphore_mem>>
        %dma_start3A_1779 = tpu.memref_squeeze %dma_start3A_1778 : memref<1x!tpu.dma_semaphore, #tpu.memory_space<semaphore_mem>> -> memref<!tpu.dma_semaphore, #tpu.memory_space<semaphore_mem>>
        %dma_start3A_1780 = arith.constant 0 : i32
        %dma_start3A_1781 = arith.constant 0 : i32
        %dma_start3A_1782 = tpu.memref_slice %arg10[%dma_start3A_1770, %dma_start3A_1780, %dma_start3A_1781] : memref<8x32x128xf32, #tpu.memory_space<vmem>> -> memref<1x32x128xf32, #tpu.memory_space<vmem>>
        %dma_start3A_1783 = tpu.memref_squeeze %dma_start3A_1782 : memref<1x32x128xf32, #tpu.memory_space<vmem>> -> memref<32x128xf32, #tpu.memory_space<vmem>>
        %dma_start3A_1784 = arith.constant 0 : i32
        %dma_start3A_1785 = tpu.memref_slice %arg5[%dma_start3A_1784, %multiple_of3A_1753] : memref<32x1000000xf32, #tpu.memory_space<hbm>> -> memref<32x128xf32, #tpu.memory_space<hbm>>
        tpu.enqueue_dma source(%dma_start3A_1785 : memref<32x128xf32, #tpu.memory_space<hbm>>) target(%dma_start3A_1783 : memref<32x128xf32, #tpu.memory_space<vmem>>) target_semaphore(%dma_start3A_1779 : memref<!tpu.dma_semaphore, #tpu.memory_space<semaphore_mem>>)
      } else {
      }
      %dma_wait3A_1469 = arith.constant 4 : i32
      %dma_wait3A_1470 = arith.constant 4 : i32
      %dma_wait3A_1471 = arith.constant 0 : i32
      %dma_wait3A_1472 = arith.constant 0 : i32
      %dma_wait3A_1473 = tpu.memref_slice %arg9[%dma_wait3A_1469, %dma_wait3A_1471, %dma_wait3A_1472] : memref<8x32x128xf32, #tpu.memory_space<vmem>> -> memref<1x32x128xf32, #tpu.memory_space<vmem>>
      %dma_wait3A_1474 = tpu.memref_squeeze %dma_wait3A_1473 : memref<1x32x128xf32, #tpu.memory_space<vmem>> -> memref<32x128xf32, #tpu.memory_space<vmem>>
      %dma_wait3A_1475 = arith.constant 0 : i32
      %dma_wait3A_1476 = arith.constant 0 : i32
      %dma_wait3A_1477 = tpu.memref_slice %arg4[%dma_wait3A_1475, %dma_wait3A_1476] : memref<32x1000000xf32, #tpu.memory_space<hbm>> -> memref<32x128xf32, #tpu.memory_space<hbm>>
      %dma_wait3A_1478 = tpu.memref_slice %arg12[%dma_wait3A_1470] : memref<8x!tpu.dma_semaphore, #tpu.memory_space<semaphore_mem>> -> memref<1x!tpu.dma_semaphore, #tpu.memory_space<semaphore_mem>>
      %dma_wait3A_1479 = tpu.memref_squeeze %dma_wait3A_1478 : memref<1x!tpu.dma_semaphore, #tpu.memory_space<semaphore_mem>> -> memref<!tpu.dma_semaphore, #tpu.memory_space<semaphore_mem>>
      %dma_wait3A_1480 = arith.constant 0 : i32
      %dma_wait3A_1481 = arith.constant 0 : i32
      %dma_wait3A_1482 = tpu.memref_slice %arg9[%dma_wait3A_1469, %dma_wait3A_1480, %dma_wait3A_1481] : memref<8x32x128xf32, #tpu.memory_space<vmem>> -> memref<1x32x128xf32, #tpu.memory_space<vmem>>
      %dma_wait3A_1483 = tpu.memref_squeeze %dma_wait3A_1482 : memref<1x32x128xf32, #tpu.memory_space<vmem>> -> memref<32x128xf32, #tpu.memory_space<vmem>>
      %dma_wait3A_1484 = arith.constant 0 : i32
      %dma_wait3A_1485 = arith.constant 0 : i32
      %dma_wait3A_1486 = tpu.memref_slice %arg4[%dma_wait3A_1484, %dma_wait3A_1485] : memref<32x1000000xf32, #tpu.memory_space<hbm>> -> memref<32x128xf32, #tpu.memory_space<hbm>>
      tpu.wait_dma2 semaphore(%dma_wait3A_1479 : memref<!tpu.dma_semaphore, #tpu.memory_space<semaphore_mem>>) src(%dma_wait3A_1486 : memref<32x128xf32, #tpu.memory_space<hbm>>) dst(%dma_wait3A_1483 : memref<32x128xf32, #tpu.memory_space<vmem>>)
      %dma_wait3A_1487 = arith.constant 4 : i32
      %dma_wait3A_1488 = arith.constant 4 : i32
      %dma_wait3A_1489 = arith.constant 0 : i32
      %dma_wait3A_1490 = arith.constant 0 : i32
      %dma_wait3A_1491 = tpu.memref_slice %arg10[%dma_wait3A_1487, %dma_wait3A_1489, %dma_wait3A_1490] : memref<8x32x128xf32, #tpu.memory_space<vmem>> -> memref<1x32x128xf32, #tpu.memory_space<vmem>>
      %dma_wait3A_1492 = tpu.memref_squeeze %dma_wait3A_1491 : memref<1x32x128xf32, #tpu.memory_space<vmem>> -> memref<32x128xf32, #tpu.memory_space<vmem>>
      %dma_wait3A_1493 = arith.constant 0 : i32
      %dma_wait3A_1494 = arith.constant 0 : i32
      %dma_wait3A_1495 = tpu.memref_slice %arg5[%dma_wait3A_1493, %dma_wait3A_1494] : memref<32x1000000xf32, #tpu.memory_space<hbm>> -> memref<32x128xf32, #tpu.memory_space<hbm>>
      %dma_wait3A_1496 = tpu.memref_slice %arg13[%dma_wait3A_1488] : memref<8x!tpu.dma_semaphore, #tpu.memory_space<semaphore_mem>> -> memref<1x!tpu.dma_semaphore, #tpu.memory_space<semaphore_mem>>
      %dma_wait3A_1497 = tpu.memref_squeeze %dma_wait3A_1496 : memref<1x!tpu.dma_semaphore, #tpu.memory_space<semaphore_mem>> -> memref<!tpu.dma_semaphore, #tpu.memory_space<semaphore_mem>>
      %dma_wait3A_1498 = arith.constant 0 : i32
      %dma_wait3A_1499 = arith.constant 0 : i32
      %dma_wait3A_1500 = tpu.memref_slice %arg10[%dma_wait3A_1487, %dma_wait3A_1498, %dma_wait3A_1499] : memref<8x32x128xf32, #tpu.memory_space<vmem>> -> memref<1x32x128xf32, #tpu.memory_space<vmem>>
      %dma_wait3A_1501 = tpu.memref_squeeze %dma_wait3A_1500 : memref<1x32x128xf32, #tpu.memory_space<vmem>> -> memref<32x128xf32, #tpu.memory_space<vmem>>
      %dma_wait3A_1502 = arith.constant 0 : i32
      %dma_wait3A_1503 = arith.constant 0 : i32
      %dma_wait3A_1504 = tpu.memref_slice %arg5[%dma_wait3A_1502, %dma_wait3A_1503] : memref<32x1000000xf32, #tpu.memory_space<hbm>> -> memref<32x128xf32, #tpu.memory_space<hbm>>
      tpu.wait_dma2 semaphore(%dma_wait3A_1497 : memref<!tpu.dma_semaphore, #tpu.memory_space<semaphore_mem>>) src(%dma_wait3A_1504 : memref<32x128xf32, #tpu.memory_space<hbm>>) dst(%dma_wait3A_1501 : memref<32x128xf32, #tpu.memory_space<vmem>>)
      %broadcast_in_dim3A_1505 = arith.constant 4 : i32
      %broadcast_in_dim3A_1506 = vector.broadcast %broadcast_in_dim3A_1505 : i32 to vector<16xi32>
      %slice3A_1507 = vector.extract_strided_slice %and3A_367 {offsets = [12], sizes = [1], strides = [1]} : vector<16xi32> to vector<1xi32>
      %squeeze3A_1508 = vector.extract %slice3A_1507[0] : i32 from vector<1xi32>
      %broadcast_in_dim3A_1509 = vector.broadcast %squeeze3A_1508 : i32 to vector<16xi32>
      %slice3A_1510 = vector.extract_strided_slice %and3A_370 {offsets = [12], sizes = [1], strides = [1]} : vector<16xi32> to vector<1xi32>
      %squeeze3A_1511 = vector.extract %slice3A_1510[0] : i32 from vector<1xi32>
      %broadcast_in_dim3A_1512 = vector.broadcast %squeeze3A_1511 : i32 to vector<16xi32>
      %gather3A_1513 = tpu.vector_load_idx %arg9[%broadcast_in_dim3A_1506, %iota3A, %broadcast_in_dim3A_1509] : memref<8x32x128xf32, #tpu.memory_space<vmem>>[vector<16xi32>, vector<16xi32>, vector<16xi32>], vector<16xf32>,
      %gather3A_1514 = tpu.vector_load_idx %arg9[%broadcast_in_dim3A_1506, %add3A_5, %broadcast_in_dim3A_1509] : memref<8x32x128xf32, #tpu.memory_space<vmem>>[vector<16xi32>, vector<16xi32>, vector<16xi32>], vector<16xf32>,
      %gather3A_1515 = tpu.vector_load_idx %arg10[%broadcast_in_dim3A_1506, %iota3A, %broadcast_in_dim3A_1512] : memref<8x32x128xf32, #tpu.memory_space<vmem>>[vector<16xi32>, vector<16xi32>, vector<16xi32>], vector<16xf32>,
      %gather3A_1516 = tpu.vector_load_idx %arg10[%broadcast_in_dim3A_1506, %add3A_5, %broadcast_in_dim3A_1512] : memref<8x32x128xf32, #tpu.memory_space<vmem>>[vector<16xi32>, vector<16xi32>, vector<16xi32>], vector<16xf32>,
      %mul3A_1517 = arith.mulf %gather3A_1513, %gather3A_1515 : vector<16xf32>
      %mul3A_1518 = arith.mulf %gather3A_1514, %gather3A_1516 : vector<16xf32>
      %add3A_1519 = arith.addf %mul3A_1517, %mul3A_1518 : vector<16xf32>
      %reduce_sum3A_1520 = arith.constant true
      %reduce_sum3A_1521 = vector.broadcast %reduce_sum3A_1520 : i1 to vector<16xi1>
      %reduce_sum3A_1522 = tpu.scan <sum>, %add3A_1519 masked %reduce_sum3A_1521 : vector<16xf32>, vector<16xi1> -> vector<16xf32>
      %reduce_sum3A_1523 = vector.extract %reduce_sum3A_1522[15] : f32 from vector<16xf32>
      %eq3A_1524 = arith.constant 12 : i32
      %eq3A_1525 = vector.broadcast %eq3A_1524 : i32 to vector<16xi32>
      %eq3A_1526 = arith.cmpi eq, %iota3A, %eq3A_1525 : vector<16xi32>
      %broadcast_in_dim3A_1527 = vector.broadcast %reduce_sum3A_1523 : f32 to vector<16xf32>
      %select_n3A_1528 = arith.select %eq3A_1526, %broadcast_in_dim3A_1527, %select_n3A_1461 : vector<16xi1>, vector<16xf32>
      %add3A_1529 = arith.constant 1 : i32
      %add3A_1530 = arith.addi %scan3A_351, %add3A_1529 : i32
      %lt3A_1531 = arith.constant 32 : i32
      %lt3A_1532 = arith.cmpi slt, %add3A_1530, %lt3A_1531 : i32
      %convert_element_type3A_1533 = arith.extui %lt3A_1532 : i1 to i32
      %cond3A_1534 = arith.constant 0 : i32
      %cond3A_1535 = arith.cmpi ne, %convert_element_type3A_1533, %cond3A_1534 : i32
      scf.if %cond3A_1535 {
        %slice3A_1744 = vector.extract_strided_slice %shift_right_logical3A_386 {offsets = [4], sizes = [1], strides = [1]} : vector<16xi32> to vector<1xi32>
        %squeeze3A_1745 = vector.extract %slice3A_1744[0] : i32 from vector<1xi32>
        %slice3A_1746 = vector.extract_strided_slice %shift_right_logical3A_389 {offsets = [4], sizes = [1], strides = [1]} : vector<16xi32> to vector<1xi32>
        %squeeze3A_1747 = vector.extract %slice3A_1746[0] : i32 from vector<1xi32>
        %mul3A_1748 = arith.constant 128 : i32
        %mul3A_1749 = arith.muli %squeeze3A_1745, %mul3A_1748 : i32
        %multiple_of3A_1750 = tpu.assume_multiple %mul3A_1749, 128 : i32
        %mul3A_1751 = arith.constant 128 : i32
        %mul3A_1752 = arith.muli %squeeze3A_1747, %mul3A_1751 : i32
        %multiple_of3A_1753 = tpu.assume_multiple %mul3A_1752, 128 : i32
        %dma_start3A_1754 = arith.constant 4 : i32
        %dma_start3A_1755 = arith.constant 4 : i32
        %dma_start3A_1756 = arith.constant 0 : i32
        %dma_start3A_1757 = arith.constant 0 : i32
        %dma_start3A_1758 = tpu.memref_slice %arg9[%dma_start3A_1754, %dma_start3A_1756, %dma_start3A_1757] : memref<8x32x128xf32, #tpu.memory_space<vmem>> -> memref<1x32x128xf32, #tpu.memory_space<vmem>>
        %dma_start3A_1759 = tpu.memref_squeeze %dma_start3A_1758 : memref<1x32x128xf32, #tpu.memory_space<vmem>> -> memref<32x128xf32, #tpu.memory_space<vmem>>
        %dma_start3A_1760 = arith.constant 0 : i32
        %dma_start3A_1761 = tpu.memref_slice %arg4[%dma_start3A_1760, %multiple_of3A_1750] : memref<32x1000000xf32, #tpu.memory_space<hbm>> -> memref<32x128xf32, #tpu.memory_space<hbm>>
        %dma_start3A_1762 = tpu.memref_slice %arg12[%dma_start3A_1755] : memref<8x!tpu.dma_semaphore, #tpu.memory_space<semaphore_mem>> -> memref<1x!tpu.dma_semaphore, #tpu.memory_space<semaphore_mem>>
        %dma_start3A_1763 = tpu.memref_squeeze %dma_start3A_1762 : memref<1x!tpu.dma_semaphore, #tpu.memory_space<semaphore_mem>> -> memref<!tpu.dma_semaphore, #tpu.memory_space<semaphore_mem>>
        %dma_start3A_1764 = arith.constant 0 : i32
        %dma_start3A_1765 = arith.constant 0 : i32
        %dma_start3A_1766 = tpu.memref_slice %arg9[%dma_start3A_1754, %dma_start3A_1764, %dma_start3A_1765] : memref<8x32x128xf32, #tpu.memory_space<vmem>> -> memref<1x32x128xf32, #tpu.memory_space<vmem>>
        %dma_start3A_1767 = tpu.memref_squeeze %dma_start3A_1766 : memref<1x32x128xf32, #tpu.memory_space<vmem>> -> memref<32x128xf32, #tpu.memory_space<vmem>>
        %dma_start3A_1768 = arith.constant 0 : i32
        %dma_start3A_1769 = tpu.memref_slice %arg4[%dma_start3A_1768, %multiple_of3A_1750] : memref<32x1000000xf32, #tpu.memory_space<hbm>> -> memref<32x128xf32, #tpu.memory_space<hbm>>
        tpu.enqueue_dma source(%dma_start3A_1769 : memref<32x128xf32, #tpu.memory_space<hbm>>) target(%dma_start3A_1767 : memref<32x128xf32, #tpu.memory_space<vmem>>) target_semaphore(%dma_start3A_1763 : memref<!tpu.dma_semaphore, #tpu.memory_space<semaphore_mem>>)
        %dma_start3A_1770 = arith.constant 4 : i32
        %dma_start3A_1771 = arith.constant 4 : i32
        %dma_start3A_1772 = arith.constant 0 : i32
        %dma_start3A_1773 = arith.constant 0 : i32
        %dma_start3A_1774 = tpu.memref_slice %arg10[%dma_start3A_1770, %dma_start3A_1772, %dma_start3A_1773] : memref<8x32x128xf32, #tpu.memory_space<vmem>> -> memref<1x32x128xf32, #tpu.memory_space<vmem>>
        %dma_start3A_1775 = tpu.memref_squeeze %dma_start3A_1774 : memref<1x32x128xf32, #tpu.memory_space<vmem>> -> memref<32x128xf32, #tpu.memory_space<vmem>>
        %dma_start3A_1776 = arith.constant 0 : i32
        %dma_start3A_1777 = tpu.memref_slice %arg5[%dma_start3A_1776, %multiple_of3A_1753] : memref<32x1000000xf32, #tpu.memory_space<hbm>> -> memref<32x128xf32, #tpu.memory_space<hbm>>
        %dma_start3A_1778 = tpu.memref_slice %arg13[%dma_start3A_1771] : memref<8x!tpu.dma_semaphore, #tpu.memory_space<semaphore_mem>> -> memref<1x!tpu.dma_semaphore, #tpu.memory_space<semaphore_mem>>
        %dma_start3A_1779 = tpu.memref_squeeze %dma_start3A_1778 : memref<1x!tpu.dma_semaphore, #tpu.memory_space<semaphore_mem>> -> memref<!tpu.dma_semaphore, #tpu.memory_space<semaphore_mem>>
        %dma_start3A_1780 = arith.constant 0 : i32
        %dma_start3A_1781 = arith.constant 0 : i32
        %dma_start3A_1782 = tpu.memref_slice %arg10[%dma_start3A_1770, %dma_start3A_1780, %dma_start3A_1781] : memref<8x32x128xf32, #tpu.memory_space<vmem>> -> memref<1x32x128xf32, #tpu.memory_space<vmem>>
        %dma_start3A_1783 = tpu.memref_squeeze %dma_start3A_1782 : memref<1x32x128xf32, #tpu.memory_space<vmem>> -> memref<32x128xf32, #tpu.memory_space<vmem>>
        %dma_start3A_1784 = arith.constant 0 : i32
        %dma_start3A_1785 = tpu.memref_slice %arg5[%dma_start3A_1784, %multiple_of3A_1753] : memref<32x1000000xf32, #tpu.memory_space<hbm>> -> memref<32x128xf32, #tpu.memory_space<hbm>>
        tpu.enqueue_dma source(%dma_start3A_1785 : memref<32x128xf32, #tpu.memory_space<hbm>>) target(%dma_start3A_1783 : memref<32x128xf32, #tpu.memory_space<vmem>>) target_semaphore(%dma_start3A_1779 : memref<!tpu.dma_semaphore, #tpu.memory_space<semaphore_mem>>)
      } else {
      }
      %dma_wait3A_1536 = arith.constant 5 : i32
      %dma_wait3A_1537 = arith.constant 5 : i32
      %dma_wait3A_1538 = arith.constant 0 : i32
      %dma_wait3A_1539 = arith.constant 0 : i32
      %dma_wait3A_1540 = tpu.memref_slice %arg9[%dma_wait3A_1536, %dma_wait3A_1538, %dma_wait3A_1539] : memref<8x32x128xf32, #tpu.memory_space<vmem>> -> memref<1x32x128xf32, #tpu.memory_space<vmem>>
      %dma_wait3A_1541 = tpu.memref_squeeze %dma_wait3A_1540 : memref<1x32x128xf32, #tpu.memory_space<vmem>> -> memref<32x128xf32, #tpu.memory_space<vmem>>
      %dma_wait3A_1542 = arith.constant 0 : i32
      %dma_wait3A_1543 = arith.constant 0 : i32
      %dma_wait3A_1544 = tpu.memref_slice %arg4[%dma_wait3A_1542, %dma_wait3A_1543] : memref<32x1000000xf32, #tpu.memory_space<hbm>> -> memref<32x128xf32, #tpu.memory_space<hbm>>
      %dma_wait3A_1545 = tpu.memref_slice %arg12[%dma_wait3A_1537] : memref<8x!tpu.dma_semaphore, #tpu.memory_space<semaphore_mem>> -> memref<1x!tpu.dma_semaphore, #tpu.memory_space<semaphore_mem>>
      %dma_wait3A_1546 = tpu.memref_squeeze %dma_wait3A_1545 : memref<1x!tpu.dma_semaphore, #tpu.memory_space<semaphore_mem>> -> memref<!tpu.dma_semaphore, #tpu.memory_space<semaphore_mem>>
      %dma_wait3A_1547 = arith.constant 0 : i32
      %dma_wait3A_1548 = arith.constant 0 : i32
      %dma_wait3A_1549 = tpu.memref_slice %arg9[%dma_wait3A_1536, %dma_wait3A_1547, %dma_wait3A_1548] : memref<8x32x128xf32, #tpu.memory_space<vmem>> -> memref<1x32x128xf32, #tpu.memory_space<vmem>>
      %dma_wait3A_1550 = tpu.memref_squeeze %dma_wait3A_1549 : memref<1x32x128xf32, #tpu.memory_space<vmem>> -> memref<32x128xf32, #tpu.memory_space<vmem>>
      %dma_wait3A_1551 = arith.constant 0 : i32
      %dma_wait3A_1552 = arith.constant 0 : i32
      %dma_wait3A_1553 = tpu.memref_slice %arg4[%dma_wait3A_1551, %dma_wait3A_1552] : memref<32x1000000xf32, #tpu.memory_space<hbm>> -> memref<32x128xf32, #tpu.memory_space<hbm>>
      tpu.wait_dma2 semaphore(%dma_wait3A_1546 : memref<!tpu.dma_semaphore, #tpu.memory_space<semaphore_mem>>) src(%dma_wait3A_1553 : memref<32x128xf32, #tpu.memory_space<hbm>>) dst(%dma_wait3A_1550 : memref<32x128xf32, #tpu.memory_space<vmem>>)
      %dma_wait3A_1554 = arith.constant 5 : i32
      %dma_wait3A_1555 = arith.constant 5 : i32
      %dma_wait3A_1556 = arith.constant 0 : i32
      %dma_wait3A_1557 = arith.constant 0 : i32
      %dma_wait3A_1558 = tpu.memref_slice %arg10[%dma_wait3A_1554, %dma_wait3A_1556, %dma_wait3A_1557] : memref<8x32x128xf32, #tpu.memory_space<vmem>> -> memref<1x32x128xf32, #tpu.memory_space<vmem>>
      %dma_wait3A_1559 = tpu.memref_squeeze %dma_wait3A_1558 : memref<1x32x128xf32, #tpu.memory_space<vmem>> -> memref<32x128xf32, #tpu.memory_space<vmem>>
      %dma_wait3A_1560 = arith.constant 0 : i32
      %dma_wait3A_1561 = arith.constant 0 : i32
      %dma_wait3A_1562 = tpu.memref_slice %arg5[%dma_wait3A_1560, %dma_wait3A_1561] : memref<32x1000000xf32, #tpu.memory_space<hbm>> -> memref<32x128xf32, #tpu.memory_space<hbm>>
      %dma_wait3A_1563 = tpu.memref_slice %arg13[%dma_wait3A_1555] : memref<8x!tpu.dma_semaphore, #tpu.memory_space<semaphore_mem>> -> memref<1x!tpu.dma_semaphore, #tpu.memory_space<semaphore_mem>>
      %dma_wait3A_1564 = tpu.memref_squeeze %dma_wait3A_1563 : memref<1x!tpu.dma_semaphore, #tpu.memory_space<semaphore_mem>> -> memref<!tpu.dma_semaphore, #tpu.memory_space<semaphore_mem>>
      %dma_wait3A_1565 = arith.constant 0 : i32
      %dma_wait3A_1566 = arith.constant 0 : i32
      %dma_wait3A_1567 = tpu.memref_slice %arg10[%dma_wait3A_1554, %dma_wait3A_1565, %dma_wait3A_1566] : memref<8x32x128xf32, #tpu.memory_space<vmem>> -> memref<1x32x128xf32, #tpu.memory_space<vmem>>
      %dma_wait3A_1568 = tpu.memref_squeeze %dma_wait3A_1567 : memref<1x32x128xf32, #tpu.memory_space<vmem>> -> memref<32x128xf32, #tpu.memory_space<vmem>>
      %dma_wait3A_1569 = arith.constant 0 : i32
      %dma_wait3A_1570 = arith.constant 0 : i32
      %dma_wait3A_1571 = tpu.memref_slice %arg5[%dma_wait3A_1569, %dma_wait3A_1570] : memref<32x1000000xf32, #tpu.memory_space<hbm>> -> memref<32x128xf32, #tpu.memory_space<hbm>>
      tpu.wait_dma2 semaphore(%dma_wait3A_1564 : memref<!tpu.dma_semaphore, #tpu.memory_space<semaphore_mem>>) src(%dma_wait3A_1571 : memref<32x128xf32, #tpu.memory_space<hbm>>) dst(%dma_wait3A_1568 : memref<32x128xf32, #tpu.memory_space<vmem>>)
      %broadcast_in_dim3A_1572 = arith.constant 5 : i32
      %broadcast_in_dim3A_1573 = vector.broadcast %broadcast_in_dim3A_1572 : i32 to vector<16xi32>
      %slice3A_1574 = vector.extract_strided_slice %and3A_367 {offsets = [13], sizes = [1], strides = [1]} : vector<16xi32> to vector<1xi32>
      %squeeze3A_1575 = vector.extract %slice3A_1574[0] : i32 from vector<1xi32>
      %broadcast_in_dim3A_1576 = vector.broadcast %squeeze3A_1575 : i32 to vector<16xi32>
      %slice3A_1577 = vector.extract_strided_slice %and3A_370 {offsets = [13], sizes = [1], strides = [1]} : vector<16xi32> to vector<1xi32>
      %squeeze3A_1578 = vector.extract %slice3A_1577[0] : i32 from vector<1xi32>
      %broadcast_in_dim3A_1579 = vector.broadcast %squeeze3A_1578 : i32 to vector<16xi32>
      %gather3A_1580 = tpu.vector_load_idx %arg9[%broadcast_in_dim3A_1573, %iota3A, %broadcast_in_dim3A_1576] : memref<8x32x128xf32, #tpu.memory_space<vmem>>[vector<16xi32>, vector<16xi32>, vector<16xi32>], vector<16xf32>,
      %gather3A_1581 = tpu.vector_load_idx %arg9[%broadcast_in_dim3A_1573, %add3A_5, %broadcast_in_dim3A_1576] : memref<8x32x128xf32, #tpu.memory_space<vmem>>[vector<16xi32>, vector<16xi32>, vector<16xi32>], vector<16xf32>,
      %gather3A_1582 = tpu.vector_load_idx %arg10[%broadcast_in_dim3A_1573, %iota3A, %broadcast_in_dim3A_1579] : memref<8x32x128xf32, #tpu.memory_space<vmem>>[vector<16xi32>, vector<16xi32>, vector<16xi32>], vector<16xf32>,
      %gather3A_1583 = tpu.vector_load_idx %arg10[%broadcast_in_dim3A_1573, %add3A_5, %broadcast_in_dim3A_1579] : memref<8x32x128xf32, #tpu.memory_space<vmem>>[vector<16xi32>, vector<16xi32>, vector<16xi32>], vector<16xf32>,
      %mul3A_1584 = arith.mulf %gather3A_1580, %gather3A_1582 : vector<16xf32>
      %mul3A_1585 = arith.mulf %gather3A_1581, %gather3A_1583 : vector<16xf32>
      %add3A_1586 = arith.addf %mul3A_1584, %mul3A_1585 : vector<16xf32>
      %reduce_sum3A_1587 = arith.constant true
      %reduce_sum3A_1588 = vector.broadcast %reduce_sum3A_1587 : i1 to vector<16xi1>
      %reduce_sum3A_1589 = tpu.scan <sum>, %add3A_1586 masked %reduce_sum3A_1588 : vector<16xf32>, vector<16xi1> -> vector<16xf32>
      %reduce_sum3A_1590 = vector.extract %reduce_sum3A_1589[15] : f32 from vector<16xf32>
      %eq3A_1591 = arith.constant 13 : i32
      %eq3A_1592 = vector.broadcast %eq3A_1591 : i32 to vector<16xi32>
      %eq3A_1593 = arith.cmpi eq, %iota3A, %eq3A_1592 : vector<16xi32>
      %broadcast_in_dim3A_1594 = vector.broadcast %reduce_sum3A_1590 : f32 to vector<16xf32>
      %select_n3A_1595 = arith.select %eq3A_1593, %broadcast_in_dim3A_1594, %select_n3A_1528 : vector<16xi1>, vector<16xf32>
      %add3A_1596 = arith.constant 1 : i32
      %add3A_1597 = arith.addi %scan3A_351, %add3A_1596 : i32
      %lt3A_1598 = arith.constant 32 : i32
      %lt3A_1599 = arith.cmpi slt, %add3A_1597, %lt3A_1598 : i32
      %convert_element_type3A_1600 = arith.extui %lt3A_1599 : i1 to i32
      %cond3A_1601 = arith.constant 0 : i32
      %cond3A_1602 = arith.cmpi ne, %convert_element_type3A_1600, %cond3A_1601 : i32
      scf.if %cond3A_1602 {
        %slice3A_1744 = vector.extract_strided_slice %shift_right_logical3A_386 {offsets = [5], sizes = [1], strides = [1]} : vector<16xi32> to vector<1xi32>
        %squeeze3A_1745 = vector.extract %slice3A_1744[0] : i32 from vector<1xi32>
        %slice3A_1746 = vector.extract_strided_slice %shift_right_logical3A_389 {offsets = [5], sizes = [1], strides = [1]} : vector<16xi32> to vector<1xi32>
        %squeeze3A_1747 = vector.extract %slice3A_1746[0] : i32 from vector<1xi32>
        %mul3A_1748 = arith.constant 128 : i32
        %mul3A_1749 = arith.muli %squeeze3A_1745, %mul3A_1748 : i32
        %multiple_of3A_1750 = tpu.assume_multiple %mul3A_1749, 128 : i32
        %mul3A_1751 = arith.constant 128 : i32
        %mul3A_1752 = arith.muli %squeeze3A_1747, %mul3A_1751 : i32
        %multiple_of3A_1753 = tpu.assume_multiple %mul3A_1752, 128 : i32
        %dma_start3A_1754 = arith.constant 5 : i32
        %dma_start3A_1755 = arith.constant 5 : i32
        %dma_start3A_1756 = arith.constant 0 : i32
        %dma_start3A_1757 = arith.constant 0 : i32
        %dma_start3A_1758 = tpu.memref_slice %arg9[%dma_start3A_1754, %dma_start3A_1756, %dma_start3A_1757] : memref<8x32x128xf32, #tpu.memory_space<vmem>> -> memref<1x32x128xf32, #tpu.memory_space<vmem>>
        %dma_start3A_1759 = tpu.memref_squeeze %dma_start3A_1758 : memref<1x32x128xf32, #tpu.memory_space<vmem>> -> memref<32x128xf32, #tpu.memory_space<vmem>>
        %dma_start3A_1760 = arith.constant 0 : i32
        %dma_start3A_1761 = tpu.memref_slice %arg4[%dma_start3A_1760, %multiple_of3A_1750] : memref<32x1000000xf32, #tpu.memory_space<hbm>> -> memref<32x128xf32, #tpu.memory_space<hbm>>
        %dma_start3A_1762 = tpu.memref_slice %arg12[%dma_start3A_1755] : memref<8x!tpu.dma_semaphore, #tpu.memory_space<semaphore_mem>> -> memref<1x!tpu.dma_semaphore, #tpu.memory_space<semaphore_mem>>
        %dma_start3A_1763 = tpu.memref_squeeze %dma_start3A_1762 : memref<1x!tpu.dma_semaphore, #tpu.memory_space<semaphore_mem>> -> memref<!tpu.dma_semaphore, #tpu.memory_space<semaphore_mem>>
        %dma_start3A_1764 = arith.constant 0 : i32
        %dma_start3A_1765 = arith.constant 0 : i32
        %dma_start3A_1766 = tpu.memref_slice %arg9[%dma_start3A_1754, %dma_start3A_1764, %dma_start3A_1765] : memref<8x32x128xf32, #tpu.memory_space<vmem>> -> memref<1x32x128xf32, #tpu.memory_space<vmem>>
        %dma_start3A_1767 = tpu.memref_squeeze %dma_start3A_1766 : memref<1x32x128xf32, #tpu.memory_space<vmem>> -> memref<32x128xf32, #tpu.memory_space<vmem>>
        %dma_start3A_1768 = arith.constant 0 : i32
        %dma_start3A_1769 = tpu.memref_slice %arg4[%dma_start3A_1768, %multiple_of3A_1750] : memref<32x1000000xf32, #tpu.memory_space<hbm>> -> memref<32x128xf32, #tpu.memory_space<hbm>>
        tpu.enqueue_dma source(%dma_start3A_1769 : memref<32x128xf32, #tpu.memory_space<hbm>>) target(%dma_start3A_1767 : memref<32x128xf32, #tpu.memory_space<vmem>>) target_semaphore(%dma_start3A_1763 : memref<!tpu.dma_semaphore, #tpu.memory_space<semaphore_mem>>)
        %dma_start3A_1770 = arith.constant 5 : i32
        %dma_start3A_1771 = arith.constant 5 : i32
        %dma_start3A_1772 = arith.constant 0 : i32
        %dma_start3A_1773 = arith.constant 0 : i32
        %dma_start3A_1774 = tpu.memref_slice %arg10[%dma_start3A_1770, %dma_start3A_1772, %dma_start3A_1773] : memref<8x32x128xf32, #tpu.memory_space<vmem>> -> memref<1x32x128xf32, #tpu.memory_space<vmem>>
        %dma_start3A_1775 = tpu.memref_squeeze %dma_start3A_1774 : memref<1x32x128xf32, #tpu.memory_space<vmem>> -> memref<32x128xf32, #tpu.memory_space<vmem>>
        %dma_start3A_1776 = arith.constant 0 : i32
        %dma_start3A_1777 = tpu.memref_slice %arg5[%dma_start3A_1776, %multiple_of3A_1753] : memref<32x1000000xf32, #tpu.memory_space<hbm>> -> memref<32x128xf32, #tpu.memory_space<hbm>>
        %dma_start3A_1778 = tpu.memref_slice %arg13[%dma_start3A_1771] : memref<8x!tpu.dma_semaphore, #tpu.memory_space<semaphore_mem>> -> memref<1x!tpu.dma_semaphore, #tpu.memory_space<semaphore_mem>>
        %dma_start3A_1779 = tpu.memref_squeeze %dma_start3A_1778 : memref<1x!tpu.dma_semaphore, #tpu.memory_space<semaphore_mem>> -> memref<!tpu.dma_semaphore, #tpu.memory_space<semaphore_mem>>
        %dma_start3A_1780 = arith.constant 0 : i32
        %dma_start3A_1781 = arith.constant 0 : i32
        %dma_start3A_1782 = tpu.memref_slice %arg10[%dma_start3A_1770, %dma_start3A_1780, %dma_start3A_1781] : memref<8x32x128xf32, #tpu.memory_space<vmem>> -> memref<1x32x128xf32, #tpu.memory_space<vmem>>
        %dma_start3A_1783 = tpu.memref_squeeze %dma_start3A_1782 : memref<1x32x128xf32, #tpu.memory_space<vmem>> -> memref<32x128xf32, #tpu.memory_space<vmem>>
        %dma_start3A_1784 = arith.constant 0 : i32
        %dma_start3A_1785 = tpu.memref_slice %arg5[%dma_start3A_1784, %multiple_of3A_1753] : memref<32x1000000xf32, #tpu.memory_space<hbm>> -> memref<32x128xf32, #tpu.memory_space<hbm>>
        tpu.enqueue_dma source(%dma_start3A_1785 : memref<32x128xf32, #tpu.memory_space<hbm>>) target(%dma_start3A_1783 : memref<32x128xf32, #tpu.memory_space<vmem>>) target_semaphore(%dma_start3A_1779 : memref<!tpu.dma_semaphore, #tpu.memory_space<semaphore_mem>>)
      } else {
      }
      %dma_wait3A_1603 = arith.constant 6 : i32
      %dma_wait3A_1604 = arith.constant 6 : i32
      %dma_wait3A_1605 = arith.constant 0 : i32
      %dma_wait3A_1606 = arith.constant 0 : i32
      %dma_wait3A_1607 = tpu.memref_slice %arg9[%dma_wait3A_1603, %dma_wait3A_1605, %dma_wait3A_1606] : memref<8x32x128xf32, #tpu.memory_space<vmem>> -> memref<1x32x128xf32, #tpu.memory_space<vmem>>
      %dma_wait3A_1608 = tpu.memref_squeeze %dma_wait3A_1607 : memref<1x32x128xf32, #tpu.memory_space<vmem>> -> memref<32x128xf32, #tpu.memory_space<vmem>>
      %dma_wait3A_1609 = arith.constant 0 : i32
      %dma_wait3A_1610 = arith.constant 0 : i32
      %dma_wait3A_1611 = tpu.memref_slice %arg4[%dma_wait3A_1609, %dma_wait3A_1610] : memref<32x1000000xf32, #tpu.memory_space<hbm>> -> memref<32x128xf32, #tpu.memory_space<hbm>>
      %dma_wait3A_1612 = tpu.memref_slice %arg12[%dma_wait3A_1604] : memref<8x!tpu.dma_semaphore, #tpu.memory_space<semaphore_mem>> -> memref<1x!tpu.dma_semaphore, #tpu.memory_space<semaphore_mem>>
      %dma_wait3A_1613 = tpu.memref_squeeze %dma_wait3A_1612 : memref<1x!tpu.dma_semaphore, #tpu.memory_space<semaphore_mem>> -> memref<!tpu.dma_semaphore, #tpu.memory_space<semaphore_mem>>
      %dma_wait3A_1614 = arith.constant 0 : i32
      %dma_wait3A_1615 = arith.constant 0 : i32
      %dma_wait3A_1616 = tpu.memref_slice %arg9[%dma_wait3A_1603, %dma_wait3A_1614, %dma_wait3A_1615] : memref<8x32x128xf32, #tpu.memory_space<vmem>> -> memref<1x32x128xf32, #tpu.memory_space<vmem>>
      %dma_wait3A_1617 = tpu.memref_squeeze %dma_wait3A_1616 : memref<1x32x128xf32, #tpu.memory_space<vmem>> -> memref<32x128xf32, #tpu.memory_space<vmem>>
      %dma_wait3A_1618 = arith.constant 0 : i32
      %dma_wait3A_1619 = arith.constant 0 : i32
      %dma_wait3A_1620 = tpu.memref_slice %arg4[%dma_wait3A_1618, %dma_wait3A_1619] : memref<32x1000000xf32, #tpu.memory_space<hbm>> -> memref<32x128xf32, #tpu.memory_space<hbm>>
      tpu.wait_dma2 semaphore(%dma_wait3A_1613 : memref<!tpu.dma_semaphore, #tpu.memory_space<semaphore_mem>>) src(%dma_wait3A_1620 : memref<32x128xf32, #tpu.memory_space<hbm>>) dst(%dma_wait3A_1617 : memref<32x128xf32, #tpu.memory_space<vmem>>)
      %dma_wait3A_1621 = arith.constant 6 : i32
      %dma_wait3A_1622 = arith.constant 6 : i32
      %dma_wait3A_1623 = arith.constant 0 : i32
      %dma_wait3A_1624 = arith.constant 0 : i32
      %dma_wait3A_1625 = tpu.memref_slice %arg10[%dma_wait3A_1621, %dma_wait3A_1623, %dma_wait3A_1624] : memref<8x32x128xf32, #tpu.memory_space<vmem>> -> memref<1x32x128xf32, #tpu.memory_space<vmem>>
      %dma_wait3A_1626 = tpu.memref_squeeze %dma_wait3A_1625 : memref<1x32x128xf32, #tpu.memory_space<vmem>> -> memref<32x128xf32, #tpu.memory_space<vmem>>
      %dma_wait3A_1627 = arith.constant 0 : i32
      %dma_wait3A_1628 = arith.constant 0 : i32
      %dma_wait3A_1629 = tpu.memref_slice %arg5[%dma_wait3A_1627, %dma_wait3A_1628] : memref<32x1000000xf32, #tpu.memory_space<hbm>> -> memref<32x128xf32, #tpu.memory_space<hbm>>
      %dma_wait3A_1630 = tpu.memref_slice %arg13[%dma_wait3A_1622] : memref<8x!tpu.dma_semaphore, #tpu.memory_space<semaphore_mem>> -> memref<1x!tpu.dma_semaphore, #tpu.memory_space<semaphore_mem>>
      %dma_wait3A_1631 = tpu.memref_squeeze %dma_wait3A_1630 : memref<1x!tpu.dma_semaphore, #tpu.memory_space<semaphore_mem>> -> memref<!tpu.dma_semaphore, #tpu.memory_space<semaphore_mem>>
      %dma_wait3A_1632 = arith.constant 0 : i32
      %dma_wait3A_1633 = arith.constant 0 : i32
      %dma_wait3A_1634 = tpu.memref_slice %arg10[%dma_wait3A_1621, %dma_wait3A_1632, %dma_wait3A_1633] : memref<8x32x128xf32, #tpu.memory_space<vmem>> -> memref<1x32x128xf32, #tpu.memory_space<vmem>>
      %dma_wait3A_1635 = tpu.memref_squeeze %dma_wait3A_1634 : memref<1x32x128xf32, #tpu.memory_space<vmem>> -> memref<32x128xf32, #tpu.memory_space<vmem>>
      %dma_wait3A_1636 = arith.constant 0 : i32
      %dma_wait3A_1637 = arith.constant 0 : i32
      %dma_wait3A_1638 = tpu.memref_slice %arg5[%dma_wait3A_1636, %dma_wait3A_1637] : memref<32x1000000xf32, #tpu.memory_space<hbm>> -> memref<32x128xf32, #tpu.memory_space<hbm>>
      tpu.wait_dma2 semaphore(%dma_wait3A_1631 : memref<!tpu.dma_semaphore, #tpu.memory_space<semaphore_mem>>) src(%dma_wait3A_1638 : memref<32x128xf32, #tpu.memory_space<hbm>>) dst(%dma_wait3A_1635 : memref<32x128xf32, #tpu.memory_space<vmem>>)
      %broadcast_in_dim3A_1639 = arith.constant 6 : i32
      %broadcast_in_dim3A_1640 = vector.broadcast %broadcast_in_dim3A_1639 : i32 to vector<16xi32>
      %slice3A_1641 = vector.extract_strided_slice %and3A_367 {offsets = [14], sizes = [1], strides = [1]} : vector<16xi32> to vector<1xi32>
      %squeeze3A_1642 = vector.extract %slice3A_1641[0] : i32 from vector<1xi32>
      %broadcast_in_dim3A_1643 = vector.broadcast %squeeze3A_1642 : i32 to vector<16xi32>
      %slice3A_1644 = vector.extract_strided_slice %and3A_370 {offsets = [14], sizes = [1], strides = [1]} : vector<16xi32> to vector<1xi32>
      %squeeze3A_1645 = vector.extract %slice3A_1644[0] : i32 from vector<1xi32>
      %broadcast_in_dim3A_1646 = vector.broadcast %squeeze3A_1645 : i32 to vector<16xi32>
      %gather3A_1647 = tpu.vector_load_idx %arg9[%broadcast_in_dim3A_1640, %iota3A, %broadcast_in_dim3A_1643] : memref<8x32x128xf32, #tpu.memory_space<vmem>>[vector<16xi32>, vector<16xi32>, vector<16xi32>], vector<16xf32>,
      %gather3A_1648 = tpu.vector_load_idx %arg9[%broadcast_in_dim3A_1640, %add3A_5, %broadcast_in_dim3A_1643] : memref<8x32x128xf32, #tpu.memory_space<vmem>>[vector<16xi32>, vector<16xi32>, vector<16xi32>], vector<16xf32>,
      %gather3A_1649 = tpu.vector_load_idx %arg10[%broadcast_in_dim3A_1640, %iota3A, %broadcast_in_dim3A_1646] : memref<8x32x128xf32, #tpu.memory_space<vmem>>[vector<16xi32>, vector<16xi32>, vector<16xi32>], vector<16xf32>,
      %gather3A_1650 = tpu.vector_load_idx %arg10[%broadcast_in_dim3A_1640, %add3A_5, %broadcast_in_dim3A_1646] : memref<8x32x128xf32, #tpu.memory_space<vmem>>[vector<16xi32>, vector<16xi32>, vector<16xi32>], vector<16xf32>,
      %mul3A_1651 = arith.mulf %gather3A_1647, %gather3A_1649 : vector<16xf32>
      %mul3A_1652 = arith.mulf %gather3A_1648, %gather3A_1650 : vector<16xf32>
      %add3A_1653 = arith.addf %mul3A_1651, %mul3A_1652 : vector<16xf32>
      %reduce_sum3A_1654 = arith.constant true
      %reduce_sum3A_1655 = vector.broadcast %reduce_sum3A_1654 : i1 to vector<16xi1>
      %reduce_sum3A_1656 = tpu.scan <sum>, %add3A_1653 masked %reduce_sum3A_1655 : vector<16xf32>, vector<16xi1> -> vector<16xf32>
      %reduce_sum3A_1657 = vector.extract %reduce_sum3A_1656[15] : f32 from vector<16xf32>
      %eq3A_1658 = arith.constant 14 : i32
      %eq3A_1659 = vector.broadcast %eq3A_1658 : i32 to vector<16xi32>
      %eq3A_1660 = arith.cmpi eq, %iota3A, %eq3A_1659 : vector<16xi32>
      %broadcast_in_dim3A_1661 = vector.broadcast %reduce_sum3A_1657 : f32 to vector<16xf32>
      %select_n3A_1662 = arith.select %eq3A_1660, %broadcast_in_dim3A_1661, %select_n3A_1595 : vector<16xi1>, vector<16xf32>
      %add3A_1663 = arith.constant 1 : i32
      %add3A_1664 = arith.addi %scan3A_351, %add3A_1663 : i32
      %lt3A_1665 = arith.constant 32 : i32
      %lt3A_1666 = arith.cmpi slt, %add3A_1664, %lt3A_1665 : i32
      %convert_element_type3A_1667 = arith.extui %lt3A_1666 : i1 to i32
      %cond3A_1668 = arith.constant 0 : i32
      %cond3A_1669 = arith.cmpi ne, %convert_element_type3A_1667, %cond3A_1668 : i32
      scf.if %cond3A_1669 {
        %slice3A_1744 = vector.extract_strided_slice %shift_right_logical3A_386 {offsets = [6], sizes = [1], strides = [1]} : vector<16xi32> to vector<1xi32>
        %squeeze3A_1745 = vector.extract %slice3A_1744[0] : i32 from vector<1xi32>
        %slice3A_1746 = vector.extract_strided_slice %shift_right_logical3A_389 {offsets = [6], sizes = [1], strides = [1]} : vector<16xi32> to vector<1xi32>
        %squeeze3A_1747 = vector.extract %slice3A_1746[0] : i32 from vector<1xi32>
        %mul3A_1748 = arith.constant 128 : i32
        %mul3A_1749 = arith.muli %squeeze3A_1745, %mul3A_1748 : i32
        %multiple_of3A_1750 = tpu.assume_multiple %mul3A_1749, 128 : i32
        %mul3A_1751 = arith.constant 128 : i32
        %mul3A_1752 = arith.muli %squeeze3A_1747, %mul3A_1751 : i32
        %multiple_of3A_1753 = tpu.assume_multiple %mul3A_1752, 128 : i32
        %dma_start3A_1754 = arith.constant 6 : i32
        %dma_start3A_1755 = arith.constant 6 : i32
        %dma_start3A_1756 = arith.constant 0 : i32
        %dma_start3A_1757 = arith.constant 0 : i32
        %dma_start3A_1758 = tpu.memref_slice %arg9[%dma_start3A_1754, %dma_start3A_1756, %dma_start3A_1757] : memref<8x32x128xf32, #tpu.memory_space<vmem>> -> memref<1x32x128xf32, #tpu.memory_space<vmem>>
        %dma_start3A_1759 = tpu.memref_squeeze %dma_start3A_1758 : memref<1x32x128xf32, #tpu.memory_space<vmem>> -> memref<32x128xf32, #tpu.memory_space<vmem>>
        %dma_start3A_1760 = arith.constant 0 : i32
        %dma_start3A_1761 = tpu.memref_slice %arg4[%dma_start3A_1760, %multiple_of3A_1750] : memref<32x1000000xf32, #tpu.memory_space<hbm>> -> memref<32x128xf32, #tpu.memory_space<hbm>>
        %dma_start3A_1762 = tpu.memref_slice %arg12[%dma_start3A_1755] : memref<8x!tpu.dma_semaphore, #tpu.memory_space<semaphore_mem>> -> memref<1x!tpu.dma_semaphore, #tpu.memory_space<semaphore_mem>>
        %dma_start3A_1763 = tpu.memref_squeeze %dma_start3A_1762 : memref<1x!tpu.dma_semaphore, #tpu.memory_space<semaphore_mem>> -> memref<!tpu.dma_semaphore, #tpu.memory_space<semaphore_mem>>
        %dma_start3A_1764 = arith.constant 0 : i32
        %dma_start3A_1765 = arith.constant 0 : i32
        %dma_start3A_1766 = tpu.memref_slice %arg9[%dma_start3A_1754, %dma_start3A_1764, %dma_start3A_1765] : memref<8x32x128xf32, #tpu.memory_space<vmem>> -> memref<1x32x128xf32, #tpu.memory_space<vmem>>
        %dma_start3A_1767 = tpu.memref_squeeze %dma_start3A_1766 : memref<1x32x128xf32, #tpu.memory_space<vmem>> -> memref<32x128xf32, #tpu.memory_space<vmem>>
        %dma_start3A_1768 = arith.constant 0 : i32
        %dma_start3A_1769 = tpu.memref_slice %arg4[%dma_start3A_1768, %multiple_of3A_1750] : memref<32x1000000xf32, #tpu.memory_space<hbm>> -> memref<32x128xf32, #tpu.memory_space<hbm>>
        tpu.enqueue_dma source(%dma_start3A_1769 : memref<32x128xf32, #tpu.memory_space<hbm>>) target(%dma_start3A_1767 : memref<32x128xf32, #tpu.memory_space<vmem>>) target_semaphore(%dma_start3A_1763 : memref<!tpu.dma_semaphore, #tpu.memory_space<semaphore_mem>>)
        %dma_start3A_1770 = arith.constant 6 : i32
        %dma_start3A_1771 = arith.constant 6 : i32
        %dma_start3A_1772 = arith.constant 0 : i32
        %dma_start3A_1773 = arith.constant 0 : i32
        %dma_start3A_1774 = tpu.memref_slice %arg10[%dma_start3A_1770, %dma_start3A_1772, %dma_start3A_1773] : memref<8x32x128xf32, #tpu.memory_space<vmem>> -> memref<1x32x128xf32, #tpu.memory_space<vmem>>
        %dma_start3A_1775 = tpu.memref_squeeze %dma_start3A_1774 : memref<1x32x128xf32, #tpu.memory_space<vmem>> -> memref<32x128xf32, #tpu.memory_space<vmem>>
        %dma_start3A_1776 = arith.constant 0 : i32
        %dma_start3A_1777 = tpu.memref_slice %arg5[%dma_start3A_1776, %multiple_of3A_1753] : memref<32x1000000xf32, #tpu.memory_space<hbm>> -> memref<32x128xf32, #tpu.memory_space<hbm>>
        %dma_start3A_1778 = tpu.memref_slice %arg13[%dma_start3A_1771] : memref<8x!tpu.dma_semaphore, #tpu.memory_space<semaphore_mem>> -> memref<1x!tpu.dma_semaphore, #tpu.memory_space<semaphore_mem>>
        %dma_start3A_1779 = tpu.memref_squeeze %dma_start3A_1778 : memref<1x!tpu.dma_semaphore, #tpu.memory_space<semaphore_mem>> -> memref<!tpu.dma_semaphore, #tpu.memory_space<semaphore_mem>>
        %dma_start3A_1780 = arith.constant 0 : i32
        %dma_start3A_1781 = arith.constant 0 : i32
        %dma_start3A_1782 = tpu.memref_slice %arg10[%dma_start3A_1770, %dma_start3A_1780, %dma_start3A_1781] : memref<8x32x128xf32, #tpu.memory_space<vmem>> -> memref<1x32x128xf32, #tpu.memory_space<vmem>>
        %dma_start3A_1783 = tpu.memref_squeeze %dma_start3A_1782 : memref<1x32x128xf32, #tpu.memory_space<vmem>> -> memref<32x128xf32, #tpu.memory_space<vmem>>
        %dma_start3A_1784 = arith.constant 0 : i32
        %dma_start3A_1785 = tpu.memref_slice %arg5[%dma_start3A_1784, %multiple_of3A_1753] : memref<32x1000000xf32, #tpu.memory_space<hbm>> -> memref<32x128xf32, #tpu.memory_space<hbm>>
        tpu.enqueue_dma source(%dma_start3A_1785 : memref<32x128xf32, #tpu.memory_space<hbm>>) target(%dma_start3A_1783 : memref<32x128xf32, #tpu.memory_space<vmem>>) target_semaphore(%dma_start3A_1779 : memref<!tpu.dma_semaphore, #tpu.memory_space<semaphore_mem>>)
      } else {
      }
      %dma_wait3A_1670 = arith.constant 7 : i32
      %dma_wait3A_1671 = arith.constant 7 : i32
      %dma_wait3A_1672 = arith.constant 0 : i32
      %dma_wait3A_1673 = arith.constant 0 : i32
      %dma_wait3A_1674 = tpu.memref_slice %arg9[%dma_wait3A_1670, %dma_wait3A_1672, %dma_wait3A_1673] : memref<8x32x128xf32, #tpu.memory_space<vmem>> -> memref<1x32x128xf32, #tpu.memory_space<vmem>>
      %dma_wait3A_1675 = tpu.memref_squeeze %dma_wait3A_1674 : memref<1x32x128xf32, #tpu.memory_space<vmem>> -> memref<32x128xf32, #tpu.memory_space<vmem>>
      %dma_wait3A_1676 = arith.constant 0 : i32
      %dma_wait3A_1677 = arith.constant 0 : i32
      %dma_wait3A_1678 = tpu.memref_slice %arg4[%dma_wait3A_1676, %dma_wait3A_1677] : memref<32x1000000xf32, #tpu.memory_space<hbm>> -> memref<32x128xf32, #tpu.memory_space<hbm>>
      %dma_wait3A_1679 = tpu.memref_slice %arg12[%dma_wait3A_1671] : memref<8x!tpu.dma_semaphore, #tpu.memory_space<semaphore_mem>> -> memref<1x!tpu.dma_semaphore, #tpu.memory_space<semaphore_mem>>
      %dma_wait3A_1680 = tpu.memref_squeeze %dma_wait3A_1679 : memref<1x!tpu.dma_semaphore, #tpu.memory_space<semaphore_mem>> -> memref<!tpu.dma_semaphore, #tpu.memory_space<semaphore_mem>>
      %dma_wait3A_1681 = arith.constant 0 : i32
      %dma_wait3A_1682 = arith.constant 0 : i32
      %dma_wait3A_1683 = tpu.memref_slice %arg9[%dma_wait3A_1670, %dma_wait3A_1681, %dma_wait3A_1682] : memref<8x32x128xf32, #tpu.memory_space<vmem>> -> memref<1x32x128xf32, #tpu.memory_space<vmem>>
      %dma_wait3A_1684 = tpu.memref_squeeze %dma_wait3A_1683 : memref<1x32x128xf32, #tpu.memory_space<vmem>> -> memref<32x128xf32, #tpu.memory_space<vmem>>
      %dma_wait3A_1685 = arith.constant 0 : i32
      %dma_wait3A_1686 = arith.constant 0 : i32
      %dma_wait3A_1687 = tpu.memref_slice %arg4[%dma_wait3A_1685, %dma_wait3A_1686] : memref<32x1000000xf32, #tpu.memory_space<hbm>> -> memref<32x128xf32, #tpu.memory_space<hbm>>
      tpu.wait_dma2 semaphore(%dma_wait3A_1680 : memref<!tpu.dma_semaphore, #tpu.memory_space<semaphore_mem>>) src(%dma_wait3A_1687 : memref<32x128xf32, #tpu.memory_space<hbm>>) dst(%dma_wait3A_1684 : memref<32x128xf32, #tpu.memory_space<vmem>>)
      %dma_wait3A_1688 = arith.constant 7 : i32
      %dma_wait3A_1689 = arith.constant 7 : i32
      %dma_wait3A_1690 = arith.constant 0 : i32
      %dma_wait3A_1691 = arith.constant 0 : i32
      %dma_wait3A_1692 = tpu.memref_slice %arg10[%dma_wait3A_1688, %dma_wait3A_1690, %dma_wait3A_1691] : memref<8x32x128xf32, #tpu.memory_space<vmem>> -> memref<1x32x128xf32, #tpu.memory_space<vmem>>
      %dma_wait3A_1693 = tpu.memref_squeeze %dma_wait3A_1692 : memref<1x32x128xf32, #tpu.memory_space<vmem>> -> memref<32x128xf32, #tpu.memory_space<vmem>>
      %dma_wait3A_1694 = arith.constant 0 : i32
      %dma_wait3A_1695 = arith.constant 0 : i32
      %dma_wait3A_1696 = tpu.memref_slice %arg5[%dma_wait3A_1694, %dma_wait3A_1695] : memref<32x1000000xf32, #tpu.memory_space<hbm>> -> memref<32x128xf32, #tpu.memory_space<hbm>>
      %dma_wait3A_1697 = tpu.memref_slice %arg13[%dma_wait3A_1689] : memref<8x!tpu.dma_semaphore, #tpu.memory_space<semaphore_mem>> -> memref<1x!tpu.dma_semaphore, #tpu.memory_space<semaphore_mem>>
      %dma_wait3A_1698 = tpu.memref_squeeze %dma_wait3A_1697 : memref<1x!tpu.dma_semaphore, #tpu.memory_space<semaphore_mem>> -> memref<!tpu.dma_semaphore, #tpu.memory_space<semaphore_mem>>
      %dma_wait3A_1699 = arith.constant 0 : i32
      %dma_wait3A_1700 = arith.constant 0 : i32
      %dma_wait3A_1701 = tpu.memref_slice %arg10[%dma_wait3A_1688, %dma_wait3A_1699, %dma_wait3A_1700] : memref<8x32x128xf32, #tpu.memory_space<vmem>> -> memref<1x32x128xf32, #tpu.memory_space<vmem>>
      %dma_wait3A_1702 = tpu.memref_squeeze %dma_wait3A_1701 : memref<1x32x128xf32, #tpu.memory_space<vmem>> -> memref<32x128xf32, #tpu.memory_space<vmem>>
      %dma_wait3A_1703 = arith.constant 0 : i32
      %dma_wait3A_1704 = arith.constant 0 : i32
      %dma_wait3A_1705 = tpu.memref_slice %arg5[%dma_wait3A_1703, %dma_wait3A_1704] : memref<32x1000000xf32, #tpu.memory_space<hbm>> -> memref<32x128xf32, #tpu.memory_space<hbm>>
      tpu.wait_dma2 semaphore(%dma_wait3A_1698 : memref<!tpu.dma_semaphore, #tpu.memory_space<semaphore_mem>>) src(%dma_wait3A_1705 : memref<32x128xf32, #tpu.memory_space<hbm>>) dst(%dma_wait3A_1702 : memref<32x128xf32, #tpu.memory_space<vmem>>)
      %broadcast_in_dim3A_1706 = arith.constant 7 : i32
      %broadcast_in_dim3A_1707 = vector.broadcast %broadcast_in_dim3A_1706 : i32 to vector<16xi32>
      %slice3A_1708 = vector.extract_strided_slice %and3A_367 {offsets = [15], sizes = [1], strides = [1]} : vector<16xi32> to vector<1xi32>
      %squeeze3A_1709 = vector.extract %slice3A_1708[0] : i32 from vector<1xi32>
      %broadcast_in_dim3A_1710 = vector.broadcast %squeeze3A_1709 : i32 to vector<16xi32>
      %slice3A_1711 = vector.extract_strided_slice %and3A_370 {offsets = [15], sizes = [1], strides = [1]} : vector<16xi32> to vector<1xi32>
      %squeeze3A_1712 = vector.extract %slice3A_1711[0] : i32 from vector<1xi32>
      %broadcast_in_dim3A_1713 = vector.broadcast %squeeze3A_1712 : i32 to vector<16xi32>
      %gather3A_1714 = tpu.vector_load_idx %arg9[%broadcast_in_dim3A_1707, %iota3A, %broadcast_in_dim3A_1710] : memref<8x32x128xf32, #tpu.memory_space<vmem>>[vector<16xi32>, vector<16xi32>, vector<16xi32>], vector<16xf32>,
      %gather3A_1715 = tpu.vector_load_idx %arg9[%broadcast_in_dim3A_1707, %add3A_5, %broadcast_in_dim3A_1710] : memref<8x32x128xf32, #tpu.memory_space<vmem>>[vector<16xi32>, vector<16xi32>, vector<16xi32>], vector<16xf32>,
      %gather3A_1716 = tpu.vector_load_idx %arg10[%broadcast_in_dim3A_1707, %iota3A, %broadcast_in_dim3A_1713] : memref<8x32x128xf32, #tpu.memory_space<vmem>>[vector<16xi32>, vector<16xi32>, vector<16xi32>], vector<16xf32>,
      %gather3A_1717 = tpu.vector_load_idx %arg10[%broadcast_in_dim3A_1707, %add3A_5, %broadcast_in_dim3A_1713] : memref<8x32x128xf32, #tpu.memory_space<vmem>>[vector<16xi32>, vector<16xi32>, vector<16xi32>], vector<16xf32>,
      %mul3A_1718 = arith.mulf %gather3A_1714, %gather3A_1716 : vector<16xf32>
      %mul3A_1719 = arith.mulf %gather3A_1715, %gather3A_1717 : vector<16xf32>
      %add3A_1720 = arith.addf %mul3A_1718, %mul3A_1719 : vector<16xf32>
      %reduce_sum3A_1721 = arith.constant true
      %reduce_sum3A_1722 = vector.broadcast %reduce_sum3A_1721 : i1 to vector<16xi1>
      %reduce_sum3A_1723 = tpu.scan <sum>, %add3A_1720 masked %reduce_sum3A_1722 : vector<16xf32>, vector<16xi1> -> vector<16xf32>
      %reduce_sum3A_1724 = vector.extract %reduce_sum3A_1723[15] : f32 from vector<16xf32>
      %eq3A_1725 = arith.constant 15 : i32
      %eq3A_1726 = vector.broadcast %eq3A_1725 : i32 to vector<16xi32>
      %eq3A_1727 = arith.cmpi eq, %iota3A, %eq3A_1726 : vector<16xi32>
      %broadcast_in_dim3A_1728 = vector.broadcast %reduce_sum3A_1724 : f32 to vector<16xf32>
      %select_n3A_1729 = arith.select %eq3A_1727, %broadcast_in_dim3A_1728, %select_n3A_1662 : vector<16xi1>, vector<16xf32>
      %add3A_1730 = arith.constant 1 : i32
      %add3A_1731 = arith.addi %scan3A_351, %add3A_1730 : i32
      %lt3A_1732 = arith.constant 32 : i32
      %lt3A_1733 = arith.cmpi slt, %add3A_1731, %lt3A_1732 : i32
      %convert_element_type3A_1734 = arith.extui %lt3A_1733 : i1 to i32
      %cond3A_1735 = arith.constant 0 : i32
      %cond3A_1736 = arith.cmpi ne, %convert_element_type3A_1734, %cond3A_1735 : i32
      scf.if %cond3A_1736 {
        %slice3A_1744 = vector.extract_strided_slice %shift_right_logical3A_386 {offsets = [7], sizes = [1], strides = [1]} : vector<16xi32> to vector<1xi32>
        %squeeze3A_1745 = vector.extract %slice3A_1744[0] : i32 from vector<1xi32>
        %slice3A_1746 = vector.extract_strided_slice %shift_right_logical3A_389 {offsets = [7], sizes = [1], strides = [1]} : vector<16xi32> to vector<1xi32>
        %squeeze3A_1747 = vector.extract %slice3A_1746[0] : i32 from vector<1xi32>
        %mul3A_1748 = arith.constant 128 : i32
        %mul3A_1749 = arith.muli %squeeze3A_1745, %mul3A_1748 : i32
        %multiple_of3A_1750 = tpu.assume_multiple %mul3A_1749, 128 : i32
        %mul3A_1751 = arith.constant 128 : i32
        %mul3A_1752 = arith.muli %squeeze3A_1747, %mul3A_1751 : i32
        %multiple_of3A_1753 = tpu.assume_multiple %mul3A_1752, 128 : i32
        %dma_start3A_1754 = arith.constant 7 : i32
        %dma_start3A_1755 = arith.constant 7 : i32
        %dma_start3A_1756 = arith.constant 0 : i32
        %dma_start3A_1757 = arith.constant 0 : i32
        %dma_start3A_1758 = tpu.memref_slice %arg9[%dma_start3A_1754, %dma_start3A_1756, %dma_start3A_1757] : memref<8x32x128xf32, #tpu.memory_space<vmem>> -> memref<1x32x128xf32, #tpu.memory_space<vmem>>
        %dma_start3A_1759 = tpu.memref_squeeze %dma_start3A_1758 : memref<1x32x128xf32, #tpu.memory_space<vmem>> -> memref<32x128xf32, #tpu.memory_space<vmem>>
        %dma_start3A_1760 = arith.constant 0 : i32
        %dma_start3A_1761 = tpu.memref_slice %arg4[%dma_start3A_1760, %multiple_of3A_1750] : memref<32x1000000xf32, #tpu.memory_space<hbm>> -> memref<32x128xf32, #tpu.memory_space<hbm>>
        %dma_start3A_1762 = tpu.memref_slice %arg12[%dma_start3A_1755] : memref<8x!tpu.dma_semaphore, #tpu.memory_space<semaphore_mem>> -> memref<1x!tpu.dma_semaphore, #tpu.memory_space<semaphore_mem>>
        %dma_start3A_1763 = tpu.memref_squeeze %dma_start3A_1762 : memref<1x!tpu.dma_semaphore, #tpu.memory_space<semaphore_mem>> -> memref<!tpu.dma_semaphore, #tpu.memory_space<semaphore_mem>>
        %dma_start3A_1764 = arith.constant 0 : i32
        %dma_start3A_1765 = arith.constant 0 : i32
        %dma_start3A_1766 = tpu.memref_slice %arg9[%dma_start3A_1754, %dma_start3A_1764, %dma_start3A_1765] : memref<8x32x128xf32, #tpu.memory_space<vmem>> -> memref<1x32x128xf32, #tpu.memory_space<vmem>>
        %dma_start3A_1767 = tpu.memref_squeeze %dma_start3A_1766 : memref<1x32x128xf32, #tpu.memory_space<vmem>> -> memref<32x128xf32, #tpu.memory_space<vmem>>
        %dma_start3A_1768 = arith.constant 0 : i32
        %dma_start3A_1769 = tpu.memref_slice %arg4[%dma_start3A_1768, %multiple_of3A_1750] : memref<32x1000000xf32, #tpu.memory_space<hbm>> -> memref<32x128xf32, #tpu.memory_space<hbm>>
        tpu.enqueue_dma source(%dma_start3A_1769 : memref<32x128xf32, #tpu.memory_space<hbm>>) target(%dma_start3A_1767 : memref<32x128xf32, #tpu.memory_space<vmem>>) target_semaphore(%dma_start3A_1763 : memref<!tpu.dma_semaphore, #tpu.memory_space<semaphore_mem>>)
        %dma_start3A_1770 = arith.constant 7 : i32
        %dma_start3A_1771 = arith.constant 7 : i32
        %dma_start3A_1772 = arith.constant 0 : i32
        %dma_start3A_1773 = arith.constant 0 : i32
        %dma_start3A_1774 = tpu.memref_slice %arg10[%dma_start3A_1770, %dma_start3A_1772, %dma_start3A_1773] : memref<8x32x128xf32, #tpu.memory_space<vmem>> -> memref<1x32x128xf32, #tpu.memory_space<vmem>>
        %dma_start3A_1775 = tpu.memref_squeeze %dma_start3A_1774 : memref<1x32x128xf32, #tpu.memory_space<vmem>> -> memref<32x128xf32, #tpu.memory_space<vmem>>
        %dma_start3A_1776 = arith.constant 0 : i32
        %dma_start3A_1777 = tpu.memref_slice %arg5[%dma_start3A_1776, %multiple_of3A_1753] : memref<32x1000000xf32, #tpu.memory_space<hbm>> -> memref<32x128xf32, #tpu.memory_space<hbm>>
        %dma_start3A_1778 = tpu.memref_slice %arg13[%dma_start3A_1771] : memref<8x!tpu.dma_semaphore, #tpu.memory_space<semaphore_mem>> -> memref<1x!tpu.dma_semaphore, #tpu.memory_space<semaphore_mem>>
        %dma_start3A_1779 = tpu.memref_squeeze %dma_start3A_1778 : memref<1x!tpu.dma_semaphore, #tpu.memory_space<semaphore_mem>> -> memref<!tpu.dma_semaphore, #tpu.memory_space<semaphore_mem>>
        %dma_start3A_1780 = arith.constant 0 : i32
        %dma_start3A_1781 = arith.constant 0 : i32
        %dma_start3A_1782 = tpu.memref_slice %arg10[%dma_start3A_1770, %dma_start3A_1780, %dma_start3A_1781] : memref<8x32x128xf32, #tpu.memory_space<vmem>> -> memref<1x32x128xf32, #tpu.memory_space<vmem>>
        %dma_start3A_1783 = tpu.memref_squeeze %dma_start3A_1782 : memref<1x32x128xf32, #tpu.memory_space<vmem>> -> memref<32x128xf32, #tpu.memory_space<vmem>>
        %dma_start3A_1784 = arith.constant 0 : i32
        %dma_start3A_1785 = tpu.memref_slice %arg5[%dma_start3A_1784, %multiple_of3A_1753] : memref<32x1000000xf32, #tpu.memory_space<hbm>> -> memref<32x128xf32, #tpu.memory_space<hbm>>
        tpu.enqueue_dma source(%dma_start3A_1785 : memref<32x128xf32, #tpu.memory_space<hbm>>) target(%dma_start3A_1783 : memref<32x128xf32, #tpu.memory_space<vmem>>) target_semaphore(%dma_start3A_1779 : memref<!tpu.dma_semaphore, #tpu.memory_space<semaphore_mem>>)
      } else {
      }
      %jit3A_1737 = arith.constant 0.000000e+00 : f32
      %jit3A_1738 = arith.constant 5.000000e+00 : f32
      %max3A = vector.broadcast %jit3A_1737 : f32 to vector<16xf32>
      %max3A_1739 = arith.maximumf %max3A, %select_n3A_1729 : vector<16xf32>
      %min3A = vector.broadcast %jit3A_1738 : f32 to vector<16xf32>
      %min3A_1740 = arith.minimumf %min3A, %max3A_1739 : vector<16xf32>
      %mul3A_1741 = arith.constant 16 : i32
      %mul3A_1742 = arith.muli %scan3A_351, %mul3A_1741 : i32
      %swap3A = arith.index_cast %mul3A_1742 : i32 to index
      %swap3A_1743 = tpu.vector_load %arg11[%swap3A] {strides = array<i32>} : memref<512xf32, #tpu.memory_space<vmem>>, vector<16xf32>,
      tpu.vector_store %arg11[%swap3A], %min3A_1740 {strides = array<i32>} : memref<512xf32, #tpu.memory_space<vmem>>, vector<16xf32>,
    }
    %scan3A_350 = arith.constant 32 : i32
    "tpu.region"() ({
      %run_scoped3A = tpu.sem_alloc : memref<!tpu.dma_semaphore, #tpu.memory_space<semaphore_mem>>
      %dma_start3A_351 = tpu.memref_slice %arg6[%mul3A_2] : memref<16384xf32, #tpu.memory_space<hbm>> -> memref<512xf32, #tpu.memory_space<hbm>>
      %dma_start3A_352 = tpu.memref_slice %arg6[%mul3A_2] : memref<16384xf32, #tpu.memory_space<hbm>> -> memref<512xf32, #tpu.memory_space<hbm>>
      tpu.enqueue_dma source(%arg11 : memref<512xf32, #tpu.memory_space<vmem>>) target(%dma_start3A_352 : memref<512xf32, #tpu.memory_space<hbm>>) target_semaphore(%run_scoped3A : memref<!tpu.dma_semaphore, #tpu.memory_space<semaphore_mem>>)
      %dma_wait3A = tpu.memref_slice %arg6[%mul3A_2] : memref<16384xf32, #tpu.memory_space<hbm>> -> memref<512xf32, #tpu.memory_space<hbm>>
      %dma_wait3A_353 = tpu.memref_slice %arg6[%mul3A_2] : memref<16384xf32, #tpu.memory_space<hbm>> -> memref<512xf32, #tpu.memory_space<hbm>>
      tpu.wait_dma2 semaphore(%run_scoped3A : memref<!tpu.dma_semaphore, #tpu.memory_space<semaphore_mem>>) src(%arg11 : memref<512xf32, #tpu.memory_space<vmem>>) dst(%dma_wait3A_353 : memref<512xf32, #tpu.memory_space<hbm>>)
      tpu.yield
    }) : () -> ()
    return
  }
}

</mosaic_0001>

<sc_bundles>
// kernel: kernel.3.cloned.1.call-start
scs
__scs_entry_jumppad:
0x0: {  	(pc) =	sbr.rel $0x88, $3  }
0x1: {  	(tag) =	ssettag $0x0;
	lr =	simm.s32 $0x1  }
0x2: {  	[smem:$0x3F9E] =	sst lr;
	_ =	strace $0xD0000000  }
0x3: {  	_ = 	snop  }
0x4: {  	_ = 	snop  }
0x5: {  	_ = 	snop  }
0x6: {  	_ = 	snop  }
0x7: {  	_ = 	snop  }
__scs_overlays_trampoline_lowered:
0x8: {  	[smem:$0x3FAD] =	sst s0  }
0x9: {  	[smem:$0x3FAE] =	sst s1  }
0xa: {  	[smem:$0x3FAF] =	sst s2  }
0xb: {  	[smem:$0x3FB0] =	sst s3  }
0xc: {  	[smem:$0x3FB1] =	sst s4  }
0xd: {  	[smem:$0x3FB2] =	sst s5  }
0xe: {  	[smem:$0x3FB3] =	sst s6  }
0xf: {  	[smem:$0x3FB4] =	sst s7  }
0x10: {  	[smem:$0x3FB5] =	sst s8  }
0x11: {  	[smem:$0x3FB6] =	sst s9;
	s0 =	simm.s32 @!p0 $0x0  }
0x12: {  	s1 =	sld [smem:$0x3F9C];
	s0 =	simm.s32 @p0 $0x1  }
0x13: {  	[smem:$0x3FB7] =	sst s0;
	s0 =	simm.s32 @!p1 $0x0  }
0x14: {  	s2 =	sld [smem:$0x3F9B];
	s0 =	simm.s32 @p1 $0x1  }
0x15: {  	[smem:$0x3FB8] =	sst s0;
	s0 =	simm.s32 @!p2 $0x0  }
0x16: {  	s3 =	sld [smem:$0x3FDB];
	s0 =	simm.s32 @p2 $0x1  }
0x17: {  	s4 =	simm.s32 $0x1BF5;
	[smem:$0x3FBA] =	sst s0  }
0x18: {  	s0 =	sld [smem:$0x3F9D];
	_ =	swait.ge [sflag:s4], $0x0  }
0x19: {  	s7 =	sld [smem:$0x3F9E]  }
0x1a: {  	s8 =	sadd.s32 $0xFFFFE003, lr  }
0x1b: {  	s9 =	sadd.s32 $0xFFFFFEF7, lr;
	s5 =	simm.s32 $0xFFFFFFFF;
	p2 =	slt.u32 s8, $0xFFFFF086  }
0x1c: {  	p1 =	slt.u32 s9, $0xF7A;
	s5 =	simm.s32 @!p2 $0x0  }
0x1d: {  	s5 =	simm.s32 @p1 $0x1;
	p0 =	seq.s32 s7, s2  }
0x1e: {  	s7 =	smul.u32 @!p0 $0xF7A, s2;
	p2 =	seq.s32 @!p0 s5, $0x0  }
0x1f: {  	s9 =	smul.u32 $0xF7A, s1;
	s8 =	simm.s32 @!p0 $0x1BF5;
	p2 =	por !p2, p0  }
0x20: {  	[sflag:s8] =	ssyncset.s32 @!p0 $0xFFFFF086;
	s6 =	sadd.s32 @!p0 s3, s7;
	s7 =	simm.s32 @!p0 $0x108  }
0x21: {  	s3 =	sadd.s32 s3, s9;
	s6 =	sadd.s32 @!p0 $0x88, s6;
	s7 =	simm.s32 @p2 $0x1082  }
0x22: {  	[simem:s7], [sflag:s8] =	dma.local @!p0 [hbm:s6], $0xF7A  }
0x23: {  	s9 =	sor.u32 $0xD0000000, s2;
	s6 =	simm.s32 $0x108;
	_ =	swait.ge @!p0 [sflag:s8], $0x0  }
0x24: {  	s3 =	sadd.s32 $0x88, s3;
	s6 =	simm.s32 @!p1 $0x1082;
	[sflag:s4] =	ssyncset.s32 $0xFFFFF086  }
0x25: {  	[simem:s6], [sflag:s4] =	dma.local [hbm:s3], $0xF7A  }
0x26: {  	[smem:$0x3F9E] =	sst s1;
	(tag) =	ssettag s2;
	_ =	strace s9  }
0x27: {  	s1 =	sld [smem:$0x3FAE]  }
0x28: {  	s2 =	sld [smem:$0x3FAF]  }
0x29: {  	s4 =	sld [smem:$0x3FB1]  }
0x2a: {  	p0 =	seq.s32 s5, $0x0;
	s5 =	sld [smem:$0x3FB2]  }
0x2b: {  	s6 =	sld [smem:$0x3FB3]  }
0x2c: {  	s7 =	sld [smem:$0x3FB4]  }
0x2d: {  	s3 =	simm.s32 $0x108;
	s8 =	sld [smem:$0x3FB5]  }
0x2e: {  	s3 =	simm.s32 @!p0 $0x1082;
	s9 =	sld [smem:$0x3FB6]  }
0x2f: {  	lr =	sadd.s32 s0, s3;
	s0 =	sld [smem:$0x3FAD]  }
0x30: {  	s3 =	sld [smem:$0x3FB0]  }
0x31: {  	[smem:$0x3FB9] =	sst s10  }
0x32: {  	s10 =	sld [smem:$0x3FB7];
	_ =	sdelay $0x3  }
0x33: {  	p0 =	seq.s32 s10, $0x1;
	s10 =	sld [smem:$0x3FB9];
	_ =	sdelay $0x3  }
0x34: {  	[smem:$0x3FB9] =	sst s10  }
0x35: {  	s10 =	sld [smem:$0x3FB8];
	_ =	sdelay $0x3  }
0x36: {  	p1 =	seq.s32 s10, $0x1;
	s10 =	sld [smem:$0x3FB9];
	_ =	sdelay $0x3  }
0x37: {  	[smem:$0x3FB9] =	sst s10  }
0x38: {  	s10 =	sld [smem:$0x3FBA]  }
0x39: {  	_ = 	snop;
	(pc) =	sbr.ind lr, $3  }
0x3a: {  	_ = 	snop  }
0x3b: {  	_ = 	snop  }
0x3c: {  	p2 =	seq.s32 s10, $0x1;
	s10 =	sld [smem:$0x3FB9]  }
0x3d: {  	_ =	shalt  }
0x3e: {  	_ =	shalt  }
0x3f: {  	_ =	shalt  }
0x40: {  	_ =	shalt  }
0x41: {  	_ =	shalt  }
0x42: {  	_ =	shalt  }
0x43: {  	_ =	shalt  }
0x44: {  	_ =	shalt  }
0x45: {  	_ =	shalt  }
0x46: {  	_ =	shalt  }
0x47: {  	_ =	shalt  }
0x48: {  	_ =	shalt  }
0x49: {  	_ =	shalt  }
0x4a: {  	_ =	shalt  }
0x4b: {  	_ =	shalt  }
0x4c: {  	_ =	shalt  }
0x4d: {  	_ =	shalt  }
0x4e: {  	_ =	shalt  }
0x4f: {  	_ =	shalt  }
0x50: {  	_ =	shalt  }
0x51: {  	_ =	shalt  }
0x52: {  	_ =	shalt  }
0x53: {  	_ =	shalt  }
0x54: {  	_ =	shalt  }
0x55: {  	_ =	shalt  }
0x56: {  	_ =	shalt  }
0x57: {  	_ =	shalt  }
0x58: {  	_ =	shalt  }
0x59: {  	_ =	shalt  }
0x5a: {  	_ =	shalt  }
0x5b: {  	_ =	shalt  }
0x5c: {  	_ =	shalt  }
0x5d: {  	_ =	shalt  }
0x5e: {  	_ =	shalt  }
0x5f: {  	_ =	shalt  }
0x60: {  	_ =	shalt  }
0x61: {  	_ =	shalt  }
0x62: {  	_ =	shalt  }
0x63: {  	_ =	shalt  }
0x64: {  	_ =	shalt  }
0x65: {  	_ =	shalt  }
0x66: {  	_ =	shalt  }
0x67: {  	_ =	shalt  }
0x68: {  	_ =	shalt  }
0x69: {  	_ =	shalt  }
0x6a: {  	_ =	shalt  }
0x6b: {  	_ =	shalt  }
0x6c: {  	_ =	shalt  }
0x6d: {  	_ =	shalt  }
0x6e: {  	_ =	shalt  }
0x6f: {  	_ =	shalt  }
0x70: {  	_ =	shalt  }
0x71: {  	_ =	shalt  }
0x72: {  	_ =	shalt  }
0x73: {  	_ =	shalt  }
0x74: {  	_ =	shalt  }
0x75: {  	_ =	shalt  }
0x76: {  	_ =	shalt  }
0x77: {  	_ =	shalt  }
0x78: {  	_ =	shalt  }
0x79: {  	_ =	shalt  }
0x7a: {  	_ =	shalt  }
0x7b: {  	_ =	shalt  }
0x7c: {  	_ =	shalt  }
0x7d: {  	_ =	shalt  }
0x7e: {  	_ =	shalt  }
0x7f: {  	_ =	shalt  }
0x80: {  	_ =	shalt  }
0x81: {  	_ =	shalt  }
0x82: {  	_ =	shalt  }
0x83: {  	_ =	shalt  }
0x84: {  	_ =	shalt  }
0x85: {  	_ =	shalt  }
0x86: {  	_ =	shalt  }
0x87: {  	_ =	shalt  }
.Lfunc_end0:
.L_simem_size_0:
called_computation_lowered:
.L_overlay_start_0:
0x88: {  	s2 =	sld [smem:$0x3FD9]  }
0x89: {  	s3 =	sld [smem:$0x3FFE];
	_ =	sdelay $0x1  }
0x8a: {  	s1 =	srdreg.scid  }
0x8b: {  	s0 =	sand.u32 $0x1, s1  }
0x8c: {  	s17 =	sshll.u32 s0, $0xA;
	s2 =	sadd.s32 s3, s2  }
0x8d: {  	s2 =	sadd.s32 s2, s17  }
0x8e: {  	[smem:$0x3FC5] =	sst s2  }
0x8f: {  	_ = 	snop  }
0x90: {  	s2 =	sld [smem:$0x3FC8]  }
0x91: {  	s18 =	sld [smem:$0x3FC7]  }
0x92: {  	s4 =	sld [smem:$0x3FD0];
	(tm) =	ssettm $0x1  }
0x93: {  	s5 =	sld [smem:$0x3FFB];
	_ =	sdelay $0x3  }
0x94: {  	_ =	strace s5  }
0x95: {  	s5 =	sld [smem:$0x3FFC];
	_ =	sdelay $0x3  }
0x96: {  	_ =	strace s5  }
0x97: {  	s5 =	sld [smem:$0x3FFD];
	_ =	sdelay $0x3  }
0x98: {  	_ =	strace s5  }
0x99: {  	_ =	strace $0x8FFFFFFF  }
0x9a: {  	s19 =	sld [smem:$0x3FDB];
	_ =	sdelay $0x1  }
0x9b: {  	s6 =	simm.s32 $_scs_section_size  }
0x9c: {  	s7 =	simm.s32 $_size__tile_overlayer_lowered;
	s8 =	simm.s32 $_tile_overlayer_lowered  }
0x9d: {  	s22 =	simm.s32 $0x1BFF;
	s21 =	sshll.u32 s8, $0x1;
	s5 =	sadd.s32 s6, s19  }
0x9e: {  	s9 =	simm.s32 $0x0;
	s20 =	sshll.u32 s7, $0x1;
	s7 =	sadd.s32 s21, s5  }
0x9f: {  	[timem:s9], [sflag:s22] =	dma.local [hbm:s7], s20  }
0xa0: {  	_ =	swait.ge [sflag:s22], s20  }
0xa1: {  	s6 =	ssub.s32 $0x0, s20;
	[sflag:s22] =	ssyncset.done $0x0  }
0xa2: {  	[sflag:s22] =	ssyncadd.s32 s6;
	_ =	sdelay $0x1  }
0xa3: {  	s23 =	simm.s32 $0x1B8B  }
0xa4: {  	_ =	swait.ge [sflag:s23], $0x1  }
0xa5: {  	[sflag:s23] =	ssyncset.done $0x0  }
0xa6: {  	s25 =	simm.s32 $0x1B8E;
	s24 =	sld [smem:$0x3FFE];
	[sflag:s23] =	ssyncadd.s32 $0xFFFFFFFF  }
0xa7: {  	s26 =	simm.s32 $execute0_lowered;
	[smem:$0x3FD2] =	sst s25  }
0xa8: {  	s7 =	sshll.u32 s26, $0x1;
	_ =	strace $0x80000046;
	[dreg:$0x1] =	wrdreg $0xFFFFFFFF  }
0xa9: {  	s28 =	simm.s32 $_size_execute0_lowered;
	s5 =	sadd.s32 s5, s7;
	[dreg:$0x0] =	wrdreg $0x0  }
0xaa: {  	s7 =	sshll.u32 s28, $0x1;
	[dreg:$0x2] =	wrdreg s5  }
0xab: {  	[dreg:$0x3] =	wrdreg s7  }
0xac: {  	[dreg:$0x4] =	wrdreg $0xC0  }
0xad: {  	_ =	task [dreg:s9], $0x5FFFF  }
0xae: {  	[dreg:$0x1] =	wrdreg $0xFFFFFFFF  }
0xaf: {  	[dreg:$0x0] =	wrdreg $0x60  }
0xb0: {  	[dreg:$0x2] =	wrdreg s24  }
0xb1: {  	[dreg:$0x3] =	wrdreg s2  }
0xb2: {  	[dreg:$0x4] =	wrdreg s18  }
0xb3: {  	[dreg:$0x5] =	wrdreg s4  }
0xb4: {  	[dreg:$0x6] =	wrdreg $0x9  }
0xb5: {  	_ =	task.clear_ibuf [dreg:s9], $0x7FFFF;
	_ =	strace $0x90000046  }
0xb6: {  	s29 =	simm.s32 $0x9;
	_ =	strace $0x80000048  }
0xb7: {  	_ =	swait.ge [sflag:s29], $0x1  }
0xb8: {  	[sflag:s29] =	ssyncadd.s32 $0xFFFFFFFF  }
0xb9: {  	_ =	strace $0x90000048  }
0xba: {  	_ =	sfence  }
0xbb: {  	s30 =	sld [smem:$0x0];
	_ =	sdelay $0x2  }
0xbc: {  	s31 =	sshll.u32 s1, $0xD;
	s1 =	sshrl.u32 s1, $0x2  }
0xbd: {  	s3 =	sand.u32 $0x4000, s31;
	s1 =	sadd.s32 s1, s30  }
0xbe: {  	s0 =	sor.u32 s3, s0;
	s1 =	sshll.u32 s1, $0x11  }
0xbf: {  	s0 =	sor.u32 s1, s0  }
0xc0: {  	s0 =	sadd.s32 $0x8F2B, s0  }
0xc1: {  	[sflag:s0] =	ssyncadd.remote.s32 $0x1  }
0xc2: {  	_ =	sfence.sel $0xFFFF  }
0xc3: {  	[dreg:$0x0] =	wrdreg $0xFFFFFFFF;
	(pc) =	sbr.abs _section_cstart, $3  }
0xc4: {  	[dreg:$0x1] =	wrdreg $0xFFFFFFFF  }
0xc5: {  	_ =	task.clear_ibuf [dreg:s9], $0x2FFFF;
	_ =	strace $0x9FFFFFFF  }
0xc6: {  	(tm) =	ssettm $0x7FFFFFFF  }
0xc7: {  	_ =	shalt  }
tec
execute0_lowered:
.L_overlay_start_1:
0x0: {  	(tag) =	ssettag $0x1  }
0x1: {  	s0 =	rddreg [dreg:$0x0]  }
0x2: {  	s2 =	rddreg [dreg:$0x1]  }
0x3: {  	s3 =	rddreg [dreg:$0x2]  }
0x4: {  	s1 =	srdreg.scid;
	s4 =	rddreg [dreg:$0x3]  }
0x5: {  	s5 =	stileid.u32;
	s18 =	simm.s32 $0x0;
	s20 =	simm.s32 $0x11  }
0x6: {  	s10 =	simm.s32 $0x7A1400;
	s11 =	simm.s32 $0x400;
	s12 =	simm.s32 $0x8400  }
0x7: {  	s29 =	simm.s32 $0x9;
	s30 =	simm.s32 $0x2;
	s31 =	simm.s32 $0xA  }
0x8: {  	s7 =	simm.s32 $0x5;
	s8 =	simm.s32 $0xD;
	s9 =	simm.s32 $0xE  }
0x9: {  	v0 =	vlaneseq.u32;
	vm0 =	vmmov $0x1;
	s13 =	simm.s32 $0x7;
	s14 =	simm.s32 $0xF;
	s15 =	simm.s32 $0x8  }
0xa: {  	vm1 =	vmmov $0x3;
	vm2 =	vmmov $0x7;
	vm3 =	vmmov $0xf;
	s16 =	simm.s32 $0x10;
	s19 =	simm.s32 $0x0;
	s28 =	simm.s32 $0xF400  }
0xb: {  	vm4 =	vmmov $0x1f;
	vm5 =	vmmov $0x3f;
	vm6 =	vmmov $0x7f;
	s1 =	sand.u32 $0x1, s1;
	s5 =	sshll.u32 s5, $0x7;
	[smem:$0x7FF] =	sst s18  }
0xc: {  	vm7 =	vmmov $0xff;
	vm8 =	vcmask $0x2724;
	vm9 =	vcmask $0x2B28;
	s6 =	sshll.u32 s1, $0x6;
	s1 =	ssub.s32 $0x2, s1;
	_ =	strace $0x80000047  }
0xd: {  	vm10 =	vcmask $0x2F2C;
	vm11 =	vcmask $0x3330;
	v0 =	vmul.u32 $0x80, v0;
	s5 =	sor.u32 s6, s5;
	s23 =	sshrl.u32 s1, $0x1;
	s6 =	simm.s32 $0xC  }
0xe: {  	vm12 =	vcmask $0x3734;
	vm13 =	vcmask $0x3B38;
	vm14 =	vmmov $0x7fff;
	s0 =	sadd.s32 s5, s0;
	s1 =	ssub.s32 s1, s23;
	s25 =	sadd.s32 s4, s5  }
.Ltmp0:
0xf: {  	v1 =	vor.u32 $0x800, v0;
	v2 =	vor.u32 $0x1000, v0;
	v3 =	vor.u32 $0x1800, v0;
	s24 =	sadd.s32 $0xE00, s0;
	[dreg:$0x7] =	wrdreg s25;
	(pc) =	sbr.rel .LBB2_1-.Ltmp0, $4  }
0x10: {  	v4 =	vor.u32 $0x2000, v0;
	v5 =	vor.u32 $0x2800, v0;
	v6 =	vor.u32 $0x3000, v0;
	s23 =	simm.s32 $0x7400;
	s0 =	sadd.s32 $0x600, s0;
	[dreg:$0x5] =	wrdreg s24  }
0x11: {  	v7 =	vor.u32 $0x3800, v0;
	v8 =	vor.u32 $0x4000, v0;
	v9 =	vor.u32 $0x4800, v0;
	s5 =	simm.s32 $0x4;
	s26 =	smax.u32 s1, $0x1;
	[dreg:$0x6] =	wrdreg s0  }
0x12: {  	v10 =	vor.u32 $0x5000, v0;
	v11 =	vor.u32 $0x5800, v0;
	v12 =	vor.u32 $0x6000, v0;
	s4 =	simm.s32 $0x6;
	s1 =	simm.s32 $0xB;
	[dreg:$0x8] =	wrdreg s26  }
0x13: {  	v13 =	vor.u32 $0x6800, v0;
	v14 =	vor.u32 $0x7000, v0;
	v15 =	vor.u32 $0x7800, v0;
	s24 =	simm.s32 $0xF400;
	s0 =	simm.s32 $0x3;
	s26 =	simm.s32 $0x7400  }
.LBB2_3:
0x14: {  	v16 =	vmax.f32 v16, $0.0e+00  }
0x15: {  	v16 =	vmin.f32 v16, $5.000000000e+00  }
0x16: {  	s23 =	simm.s32 $0x7400;
	s24 =	simm.s32 $0xF400;
	[tilespmem:s18+$0x0] =	vst v16  }
.LBB2_5:
0x17: {  	s18 =	simm.s32 $0x0  }
0x18: {  	s17 =	rddreg [dreg:$0x7];
	s19 =	simm.s32 $0x10400;
	s20 =	simm.s32 $0x11  }
0x19: {  	[hbm4b:s17+s18] =	stream.linear.scatter [tilespmem:s19], [sflag:$0x11], $0x200, $0x38;
	[tilespmem:$0x10600] =	vst v63  }
0x1a: {  	_ =	swait.ge [sflag:s20], $0x200  }
0x1b: {  	s22 =	rddreg [dreg:$0x9]  }
0x1c: {  	s25 =	rddreg [dreg:$0x8];
	s19 =	sadd.s32 $0x1, s22  }
0x1d: {  	p0 =	sne.s32 s19, s25  }
.Ltmp1:
0x1e: {  	_ = 	snop;
	(pc) =	sbr.rel @!p0 .LBB2_6-.Ltmp1, $3  }
0x1f: {  	_ =	sdelay $0x1  }
0x20: {  	[sflag:s20] =	ssyncset.done $0x0  }
0x21: {  	[sflag:s20] =	ssyncadd.s32 $0xFFFFFE00  }
.LBB2_1:
0x22: {  	[dreg:$0x9] =	wrdreg s19  }
0x23: {  	s17 =	rddreg [dreg:$0x5]  }
0x24: {  	[tilespmem:s18], [sflag:$0x11] =	stream.linear.gather [hbm4b:s17+s18], $0x200, $0x38;
	[tilespmem:$0x10600] =	vst v63  }
0x25: {  	_ =	swait.ge [sflag:s20], $0x200  }
0x26: {  	[sflag:s20] =	ssyncset.done $0x0  }
0x27: {  	s17 =	simm.s32 $0x200;
	s25 =	rddreg [dreg:$0x6];
	[sflag:s20] =	ssyncadd.s32 $0xFFFFFE00  }
0x28: {  	[tilespmem:s17], [sflag:$0x11] =	stream.linear.gather [hbm4b:s25+s18], $0x200, $0x38;
	[tilespmem:$0x10600] =	vst v63  }
0x29: {  	_ =	swait.ge [sflag:s20], $0x200  }
0x2a: {  	[sflag:s20] =	ssyncset.done $0x0  }
0x2b: {  	[sflag:s20] =	ssyncadd.s32 $0xFFFFFE00  }
0x2c: {  	v16 =	vld [tilespmem:$0x0]  }
0x2d: {  	v17 =	vld [tilespmem:$0x200];
	_ =	sdelay $0x3  }
0x2e: {  	v16 =	vshrl.u32 v16, $0x7  }
0x2f: {  	v17 =	vshrl.u32 v17, $0x7;
	v16 =	vshll.u32 v16, $0x7  }
0x30: {  	v17 =	vshll.u32 v17, $0x7;
	(v2sf) =	vpush v16, $0x0  }
0x31: {  	(v2sf) =	vpush v17, $0x0;
	_ =	sdelay $0x5  }
0x32: {  	(v2sf) =	vpush v16, $0x1;
	_ =	sdelay $0x1  }
0x33: {  	(v2sf) =	vpush v17, $0x1;
	_ =	sdelay $0x5  }
0x34: {  	s20 =	spop (v2sf);
	(v2sf) =	vpush v16, $0x2  }
0x35: {  	s21 =	spop (v2sf);
	(v2sf) =	vpush v17, $0x2;
	_ =	sdelay $0x4  }
0x36: {  	s18 =	sand.u32 $0x1FFFFF80, s20  }
0x37: {  	s18 =	sadd.s32 s2, s18;
	s22 =	spop (v2sf);
	(v2sf) =	vpush v16, $0x3  }
0x38: {  	[tilespmem:s11], [sflag:$0x1] =	stream.strided.gather [hbm4b:s18+s11], $0x1000, s10, s11, $0x38;
	[tilespmem:$0x10600] =	vst v63  }
0x39: {  	s18 =	sand.u32 $0x1FFFFF80, s21;
	s20 =	spop (v2sf);
	(v2sf) =	vpush v17, $0x3  }
0x3a: {  	s18 =	sadd.s32 s3, s18  }
0x3b: {  	[tilespmem:s12], [sflag:$0x9] =	stream.strided.gather [hbm4b:s18+s11], $0x1000, s10, s11, $0x38;
	[tilespmem:$0x10600] =	vst v63  }
0x3c: {  	s18 =	sand.u32 $0x1FFFFF80, s22  }
0x3d: {  	s25 =	simm.s32 $0x1400;
	s18 =	sadd.s32 s2, s18  }
0x3e: {  	[tilespmem:s25], [sflag:$0x2] =	stream.strided.gather [hbm4b:s18+s11], $0x1000, s10, s11, $0x38;
	[tilespmem:$0x10600] =	vst v63  }
0x3f: {  	s18 =	sand.u32 $0x1FFFFF80, s20;
	s22 =	spop (v2sf);
	(v2sf) =	vpush v16, $0x4  }
0x40: {  	s21 =	simm.s32 $0x9400;
	s18 =	sadd.s32 s3, s18;
	s20 =	spop (v2sf);
	(v2sf) =	vpush v17, $0x4  }
0x41: {  	[tilespmem:s21], [sflag:$0xA] =	stream.strided.gather [hbm4b:s18+s11], $0x1000, s10, s11, $0x38;
	[tilespmem:$0x10600] =	vst v63  }
0x42: {  	s18 =	sand.u32 $0x1FFFFF80, s22;
	(v2sf) =	vpush v16, $0x5  }
0x43: {  	s25 =	simm.s32 $0x2400;
	s18 =	sadd.s32 s2, s18  }
0x44: {  	[tilespmem:s25], [sflag:$0x3] =	stream.strided.gather [hbm4b:s18+s11], $0x1000, s10, s11, $0x38;
	[tilespmem:$0x10600] =	vst v63  }
0x45: {  	s18 =	sand.u32 $0x1FFFFF80, s20  }
0x46: {  	s21 =	simm.s32 $0xA400;
	s22 =	spop (v2sf);
	s18 =	sadd.s32 s3, s18  }
0x47: {  	(v2sf) =	vpush v17, $0x5;
	[tilespmem:s21], [sflag:$0xB] =	stream.strided.gather [hbm4b:s18+s11], $0x1000, s10, s11, $0x38;
	[tilespmem:$0x10600] =	vst v63  }
0x48: {  	s20 =	spop (v2sf);
	(v2sf) =	vpush v16, $0x6;
	s18 =	sand.u32 $0x1FFFFF80, s22  }
0x49: {  	s25 =	simm.s32 $0x3400;
	s18 =	sadd.s32 s2, s18  }
0x4a: {  	[tilespmem:s25], [sflag:$0x4] =	stream.strided.gather [hbm4b:s18+s11], $0x1000, s10, s11, $0x38;
	[tilespmem:$0x10600] =	vst v63  }
0x4b: {  	s18 =	sand.u32 $0x1FFFFF80, s20  }
0x4c: {  	s21 =	simm.s32 $0xB400;
	s18 =	sadd.s32 s3, s18  }
0x4d: {  	[tilespmem:s21], [sflag:$0xC] =	stream.strided.gather [hbm4b:s18+s11], $0x1000, s10, s11, $0x38;
	[tilespmem:$0x10600] =	vst v63  }
0x4e: {  	s22 =	spop (v2sf);
	(v2sf) =	vpush v17, $0x6  }
0x4f: {  	s20 =	spop (v2sf);
	(v2sf) =	vpush v16, $0x7  }
0x50: {  	s18 =	sand.u32 $0x1FFFFF80, s22  }
0x51: {  	s25 =	simm.s32 $0x4400;
	s18 =	sadd.s32 s2, s18;
	s22 =	spop (v2sf)  }
0x52: {  	(v2sf) =	vpush v17, $0x7;
	[tilespmem:s25], [sflag:$0x5] =	stream.strided.gather [hbm4b:s18+s11], $0x1000, s10, s11, $0x38;
	[tilespmem:$0x10600] =	vst v63  }
0x53: {  	s18 =	sand.u32 $0x1FFFFF80, s20  }
0x54: {  	s21 =	simm.s32 $0xC400;
	s18 =	sadd.s32 s3, s18  }
0x55: {  	[tilespmem:s21], [sflag:$0xD] =	stream.strided.gather [hbm4b:s18+s11], $0x1000, s10, s11, $0x38;
	[tilespmem:$0x10600] =	vst v63  }
0x56: {  	s25 =	spop (v2sf);
	s18 =	sand.u32 $0x1FFFFF80, s22;
	s21 =	simm.s32 $0x5400  }
0x57: {  	s22 =	sand.u32 $0x1FFFFF80, s25;
	s25 =	spop (v2sf);
	s18 =	sadd.s32 s2, s18  }
0x58: {  	[tilespmem:s21], [sflag:$0x6] =	stream.strided.gather [hbm4b:s18+s11], $0x1000, s10, s11, $0x38;
	[tilespmem:$0x10600] =	vst v63  }
0x59: {  	s18 =	sadd.s32 s3, s22;
	s21 =	simm.s32 $0xD400;
	s22 =	sand.u32 $0x1FFFFF80, s25  }
0x5a: {  	[tilespmem:s21], [sflag:$0xE] =	stream.strided.gather [hbm4b:s18+s11], $0x1000, s10, s11, $0x38;
	[tilespmem:$0x10600] =	vst v63  }
0x5b: {  	s18 =	sadd.s32 s2, s22;
	s21 =	simm.s32 $0x6400  }
0x5c: {  	[tilespmem:s21], [sflag:$0x7] =	stream.strided.gather [hbm4b:s18+s11], $0x1000, s10, s11, $0x38;
	[tilespmem:$0x10600] =	vst v63  }
0x5d: {  	s25 =	spop (v2sf)  }
0x5e: {  	s22 =	sand.u32 $0x1FFFFF80, s25;
	s25 =	spop (v2sf)  }
0x5f: {  	s21 =	simm.s32 $0xE400;
	s18 =	sadd.s32 s3, s22;
	s22 =	sand.u32 $0x1FFFFF80, s25  }
0x60: {  	[tilespmem:s21], [sflag:$0xF] =	stream.strided.gather [hbm4b:s18+s11], $0x1000, s10, s11, $0x38;
	[tilespmem:$0x10600] =	vst v63  }
0x61: {  	s25 =	spop (v2sf);
	s18 =	sadd.s32 s2, s22  }
0x62: {  	[tilespmem:s23], [sflag:$0x8] =	stream.strided.gather [hbm4b:s18+s11], $0x1000, s10, s11, $0x38;
	[tilespmem:$0x10600] =	vst v63  }
0x63: {  	s18 =	sand.u32 $0x1FFFFF80, s25  }
0x64: {  	s18 =	sadd.s32 s3, s18  }
0x65: {  	[tilespmem:s24], [sflag:$0x10] =	stream.strided.gather [hbm4b:s18+s11], $0x1000, s10, s11, $0x38;
	[tilespmem:$0x10600] =	vst v63  }
0x66: {  	s19 =	simm.s32 $0x0;
	s20 =	simm.s32 $0x10;
	s18 =	simm.s32 $0x10400  }
.LBB2_2:
0x67: {  	v18 =	vld [tilespmem:s19+$0x0];
	_ =	sdelay $0x1  }
0x68: {  	v19 =	vld [tilespmem:s17+$0x0];
	_ =	sdelay $0x1  }
0x69: {  	p0 =	seq.s32 s20, $0x200;
	s21 =	smov.u32 s20  }
0x6a: {  	s21 =	simm.s32 @p0 $0x0;
	v16 =	vand.u32 $0x7F, v18  }
0x6b: {  	s25 =	simm.s32 $0x1;
	v26 =	vld [tilespmem:s21+$0x0];
	v20 =	vbroadcast v16, $0x0  }
0x6c: {  	v25 =	vld [tilespmem:s21+$0x200];
	_ =	swait.ge [sflag:s25], $0x1000;
	v17 =	vand.u32 $0x7F, v19  }
0x6d: {  	[sflag:s25] =	ssyncset.done $0x0;
	v21 =	vbroadcast v17, $0x0;
	v22 =	vor.u32 v0, v20  }
0x6e: {  	[sflag:s25] =	ssyncadd.s32 $0xFFFFF000;
	v20 =	vor.u32 v1, v20  }
0x6f: {  	_ =	swait.ge [sflag:s29], $0x1000;
	v23 =	vor.u32 v0, v21  }
0x70: {  	[sflag:s29] =	ssyncset.done $0x0;
	v21 =	vor.u32 v1, v21  }
0x71: {  	v18 =	vshrl.u32 v18, $0x7;
	[sflag:s29] =	ssyncadd.s32 $0xFFFFF000  }
0x72: {  	v27 =	vshll.u32 v18, $0x7;
	v18 =	vld.idx.msk [tilespmem:v22+s11+$0x0], $0xffff  }
0x73: {  	v19 =	vshrl.u32 v19, $0x7;
	(v2sf) =	vpush v27, $0x8;
	v20 =	vld.idx.msk [tilespmem:v20+s11+$0x0], $0xffff  }
0x74: {  	v28 =	vshll.u32 v19, $0x7;
	v45 =	vld.idx.msk [tilespmem:v23+s12+$0x0], $0xffff  }
0x75: {  	(v2sf) =	vpush v28, $0x8;
	v21 =	vld.idx.msk [tilespmem:v21+s12+$0x0], $0xffff;
	_ =	sdelay $0x4  }
0x76: {  	v18 =	vmul.f32 v45, v18;
	v19 =	vmul.f32 v21, v20;
	_ =	sdelay $0x1  }
0x77: {  	v18 =	vadd.f32 v19, v18;
	_ =	sdelay $0x1  }
0x78: {  	(xrf2) =	vadd.scan.msk.f32 $0xffff, v18;
	_ =	sdelay $0x3  }
0x79: {  	s22 =	spop (v2sf)  }
0x7a: {  	s21 =	sand.u32 $0x1FFFFF80, s22  }
0x7b: {  	s22 =	spop (v2sf);
	s21 =	sadd.s32 s2, s21  }
0x7c: {  	[tilespmem:s11], [sflag:$0x1] =	stream.strided.gather [hbm4b:s21+s11], $0x1000, s10, s11, $0x38;
	[tilespmem:$0x10600] =	vst v63  }
0x7d: {  	s21 =	sand.u32 $0x1FFFFF80, s22  }
0x7e: {  	s21 =	sadd.s32 s3, s21  }
0x7f: {  	v19 =	vbroadcast v16, $0x1;
	[tilespmem:s12], [sflag:$0x9] =	stream.strided.gather [hbm4b:s21+s11], $0x1000, s10, s11, $0x38;
	v18, _, _ =	vpop (xrf2);
	[tilespmem:$0x10600] =	vst v63  }
0x80: {  	_ =	swait.ge [sflag:s30], $0x1000  }
0x81: {  	v46 =	vbroadcast v17, $0x1;
	v47 =	vor.u32 v2, v19;
	[sflag:s30] =	ssyncset.done $0x0  }
0x82: {  	v19 =	vor.u32 v3, v19;
	[sflag:s30] =	ssyncadd.s32 $0xFFFFF000  }
0x83: {  	v48 =	vor.u32 v2, v46;
	_ =	swait.ge [sflag:s31], $0x1000  }
0x84: {  	v20 =	vor.u32 v3, v46;
	[sflag:s31] =	ssyncset.done $0x0  }
0x85: {  	[sflag:s31] =	ssyncadd.s32 $0xFFFFF000  }
0x86: {  	(v2sf) =	vpush v27, $0x9;
	v21 =	vld.idx.msk [tilespmem:v47+s11+$0x0], $0xffff  }
0x87: {  	v19 =	vld.idx.msk [tilespmem:v19+s11+$0x0], $0xffff  }
0x88: {  	v22 =	vld.idx.msk [tilespmem:v48+s12+$0x0], $0xffff  }
0x89: {  	v20 =	vld.idx.msk [tilespmem:v20+s12+$0x0], $0xffff  }
0x8a: {  	(v2sf) =	vpush v28, $0x9;
	_ =	sdelay $0x3  }
0x8b: {  	v21 =	vmul.f32 v22, v21;
	v19 =	vmul.f32 v20, v19;
	_ =	sdelay $0x1  }
0x8c: {  	v19 =	vadd.f32 v19, v21;
	_ =	sdelay $0x1  }
0x8d: {  	(xrf2) =	vadd.scan.msk.f32 $0xffff, v19;
	_ =	sdelay $0x2  }
0x8e: {  	s22 =	spop (v2sf)  }
0x8f: {  	s21 =	sand.u32 $0x1FFFFF80, s22  }
0x90: {  	s22 =	simm.s32 $0x1400;
	s21 =	sadd.s32 s2, s21  }
0x91: {  	[tilespmem:s22], [sflag:$0x2] =	stream.strided.gather [hbm4b:s21+s11], $0x1000, s10, s11, $0x38;
	[tilespmem:$0x10600] =	vst v63  }
0x92: {  	s22 =	spop (v2sf)  }
0x93: {  	s21 =	sand.u32 $0x1FFFFF80, s22  }
0x94: {  	s22 =	simm.s32 $0x9400;
	s21 =	sadd.s32 s3, s21  }
0x95: {  	v49 =	vbroadcast v16, $0x2;
	v19, _, _ =	vpop (xrf2);
	[tilespmem:s22], [sflag:$0xA] =	stream.strided.gather [hbm4b:s21+s11], $0x1000, s10, s11, $0x38;
	[tilespmem:$0x10600] =	vst v63  }
0x96: {  	_ =	swait.ge [sflag:s0], $0x1000  }
0x97: {  	v50 =	vbroadcast v17, $0x2;
	v51 =	vor.u32 v4, v49;
	[sflag:s0] =	ssyncset.done $0x0  }
0x98: {  	v20 =	vor.u32 v5, v49;
	[sflag:s0] =	ssyncadd.s32 $0xFFFFF000  }
0x99: {  	v52 =	vor.u32 v4, v50;
	_ =	swait.ge [sflag:s1], $0x1000  }
0x9a: {  	v21 =	vor.u32 v5, v50;
	[sflag:s1] =	ssyncset.done $0x0  }
0x9b: {  	[sflag:s1] =	ssyncadd.s32 $0xFFFFF000  }
0x9c: {  	(v2sf) =	vpush v27, $0xA;
	v22 =	vld.idx.msk [tilespmem:v51+s11+$0x0], $0xffff  }
0x9d: {  	v20 =	vld.idx.msk [tilespmem:v20+s11+$0x0], $0xffff  }
0x9e: {  	v23 =	vld.idx.msk [tilespmem:v52+s12+$0x0], $0xffff  }
0x9f: {  	v21 =	vld.idx.msk [tilespmem:v21+s12+$0x0], $0xffff  }
0xa0: {  	(v2sf) =	vpush v28, $0xA;
	_ =	sdelay $0x3  }
0xa1: {  	v22 =	vmul.f32 v23, v22;
	v20 =	vmul.f32 v21, v20;
	_ =	sdelay $0x1  }
0xa2: {  	v20 =	vadd.f32 v20, v22;
	_ =	sdelay $0x1  }
0xa3: {  	(xrf2) =	vadd.scan.msk.f32 $0xffff, v20;
	_ =	sdelay $0x2  }
0xa4: {  	s22 =	spop (v2sf)  }
0xa5: {  	s21 =	sand.u32 $0x1FFFFF80, s22  }
0xa6: {  	s22 =	simm.s32 $0x2400;
	s21 =	sadd.s32 s2, s21  }
0xa7: {  	[tilespmem:s22], [sflag:$0x3] =	stream.strided.gather [hbm4b:s21+s11], $0x1000, s10, s11, $0x38;
	[tilespmem:$0x10600] =	vst v63  }
0xa8: {  	s22 =	spop (v2sf)  }
0xa9: {  	s21 =	sand.u32 $0x1FFFFF80, s22  }
0xaa: {  	s22 =	simm.s32 $0xA400;
	s21 =	sadd.s32 s3, s21  }
0xab: {  	v53 =	vbroadcast v16, $0x3;
	v20, _, _ =	vpop (xrf2);
	[tilespmem:s22], [sflag:$0xB] =	stream.strided.gather [hbm4b:s21+s11], $0x1000, s10, s11, $0x38;
	[tilespmem:$0x10600] =	vst v63  }
0xac: {  	_ =	swait.ge [sflag:s5], $0x1000  }
0xad: {  	v54 =	vbroadcast v17, $0x3;
	v55 =	vor.u32 v6, v53;
	[sflag:s5] =	ssyncset.done $0x0  }
0xae: {  	v21 =	vor.u32 v7, v53;
	[sflag:s5] =	ssyncadd.s32 $0xFFFFF000  }
0xaf: {  	v24 =	vor.u32 v6, v54;
	_ =	swait.ge [sflag:s6], $0x1000  }
0xb0: {  	v22 =	vor.u32 v7, v54;
	[sflag:s6] =	ssyncset.done $0x0  }
0xb1: {  	[sflag:s6] =	ssyncadd.s32 $0xFFFFF000  }
0xb2: {  	(v2sf) =	vpush v27, $0xB;
	v23 =	vld.idx.msk [tilespmem:v55+s11+$0x0], $0xffff  }
0xb3: {  	v21 =	vld.idx.msk [tilespmem:v21+s11+$0x0], $0xffff  }
0xb4: {  	v24 =	vld.idx.msk [tilespmem:v24+s12+$0x0], $0xffff  }
0xb5: {  	v22 =	vld.idx.msk [tilespmem:v22+s12+$0x0], $0xffff  }
0xb6: {  	(v2sf) =	vpush v28, $0xB;
	_ =	sdelay $0x3  }
0xb7: {  	v23 =	vmul.f32 v24, v23;
	v21 =	vmul.f32 v22, v21;
	_ =	sdelay $0x1  }
0xb8: {  	v21 =	vadd.f32 v21, v23;
	_ =	sdelay $0x1  }
0xb9: {  	(xrf2) =	vadd.scan.msk.f32 $0xffff, v21;
	_ =	sdelay $0x2  }
0xba: {  	s22 =	spop (v2sf)  }
0xbb: {  	s21 =	sand.u32 $0x1FFFFF80, s22  }
0xbc: {  	s22 =	simm.s32 $0x3400;
	s21 =	sadd.s32 s2, s21  }
0xbd: {  	[tilespmem:s22], [sflag:$0x4] =	stream.strided.gather [hbm4b:s21+s11], $0x1000, s10, s11, $0x38;
	[tilespmem:$0x10600] =	vst v63  }
0xbe: {  	s22 =	spop (v2sf)  }
0xbf: {  	s21 =	sand.u32 $0x1FFFFF80, s22  }
0xc0: {  	s22 =	simm.s32 $0xB400;
	s21 =	sadd.s32 s3, s21  }
0xc1: {  	v56 =	vbroadcast v16, $0x4;
	v21, _, _ =	vpop (xrf2);
	[tilespmem:s22], [sflag:$0xC] =	stream.strided.gather [hbm4b:s21+s11], $0x1000, s10, s11, $0x38;
	[tilespmem:$0x10600] =	vst v63  }
0xc2: {  	_ =	swait.ge [sflag:s7], $0x1000  }
0xc3: {  	v57 =	vbroadcast v17, $0x4;
	v24 =	vor.u32 v8, v56;
	[sflag:s7] =	ssyncset.done $0x0  }
0xc4: {  	v22 =	vor.u32 v9, v56;
	[sflag:s7] =	ssyncadd.s32 $0xFFFFF000  }
0xc5: {  	v29 =	vor.u32 v8, v57;
	_ =	swait.ge [sflag:s8], $0x1000  }
0xc6: {  	v23 =	vor.u32 v9, v57;
	[sflag:s8] =	ssyncset.done $0x0  }
0xc7: {  	[sflag:s8] =	ssyncadd.s32 $0xFFFFF000  }
0xc8: {  	(v2sf) =	vpush v27, $0xC;
	v24 =	vld.idx.msk [tilespmem:v24+s11+$0x0], $0xffff  }
0xc9: {  	v22 =	vld.idx.msk [tilespmem:v22+s11+$0x0], $0xffff  }
0xca: {  	v29 =	vld.idx.msk [tilespmem:v29+s12+$0x0], $0xffff  }
0xcb: {  	v23 =	vld.idx.msk [tilespmem:v23+s12+$0x0], $0xffff  }
0xcc: {  	(v2sf) =	vpush v28, $0xC;
	_ =	sdelay $0x3  }
0xcd: {  	v24 =	vmul.f32 v29, v24;
	v22 =	vmul.f32 v23, v22;
	_ =	sdelay $0x1  }
0xce: {  	v22 =	vadd.f32 v22, v24;
	_ =	sdelay $0x1  }
0xcf: {  	(xrf2) =	vadd.scan.msk.f32 $0xffff, v22;
	_ =	sdelay $0x2  }
0xd0: {  	s22 =	spop (v2sf)  }
0xd1: {  	s21 =	sand.u32 $0x1FFFFF80, s22  }
0xd2: {  	s22 =	simm.s32 $0x4400;
	s21 =	sadd.s32 s2, s21  }
0xd3: {  	[tilespmem:s22], [sflag:$0x5] =	stream.strided.gather [hbm4b:s21+s11], $0x1000, s10, s11, $0x38;
	[tilespmem:$0x10600] =	vst v63  }
0xd4: {  	s22 =	spop (v2sf)  }
0xd5: {  	s21 =	sand.u32 $0x1FFFFF80, s22  }
0xd6: {  	s22 =	simm.s32 $0xC400;
	s21 =	sadd.s32 s3, s21  }
0xd7: {  	v58 =	vbroadcast v16, $0x5;
	v22, _, _ =	vpop (xrf2);
	[tilespmem:s22], [sflag:$0xD] =	stream.strided.gather [hbm4b:s21+s11], $0x1000, s10, s11, $0x38;
	[tilespmem:$0x10600] =	vst v63  }
0xd8: {  	_ =	swait.ge [sflag:s4], $0x1000  }
0xd9: {  	v59 =	vor.u32 v10, v58;
	v24 =	vbroadcast v17, $0x5;
	[sflag:s4] =	ssyncset.done $0x0  }
0xda: {  	v23 =	vor.u32 v11, v58;
	[sflag:s4] =	ssyncadd.s32 $0xFFFFF000  }
0xdb: {  	v30 =	vor.u32 v10, v24;
	_ =	swait.ge [sflag:s9], $0x1000  }
0xdc: {  	v24 =	vor.u32 v11, v24;
	[sflag:s9] =	ssyncset.done $0x0  }
0xdd: {  	[sflag:s9] =	ssyncadd.s32 $0xFFFFF000  }
0xde: {  	(v2sf) =	vpush v27, $0xD;
	v29 =	vld.idx.msk [tilespmem:v59+s11+$0x0], $0xffff  }
0xdf: {  	v23 =	vld.idx.msk [tilespmem:v23+s11+$0x0], $0xffff  }
0xe0: {  	v30 =	vld.idx.msk [tilespmem:v30+s12+$0x0], $0xffff  }
0xe1: {  	v24 =	vld.idx.msk [tilespmem:v24+s12+$0x0], $0xffff  }
0xe2: {  	(v2sf) =	vpush v28, $0xD;
	_ =	sdelay $0x3  }
0xe3: {  	v29 =	vmul.f32 v30, v29;
	v23 =	vmul.f32 v24, v23;
	_ =	sdelay $0x1  }
0xe4: {  	v23 =	vadd.f32 v23, v29;
	_ =	sdelay $0x1  }
0xe5: {  	(xrf2) =	vadd.scan.msk.f32 $0xffff, v23;
	_ =	sdelay $0x2  }
0xe6: {  	s22 =	spop (v2sf)  }
0xe7: {  	s21 =	sand.u32 $0x1FFFFF80, s22  }
0xe8: {  	s22 =	simm.s32 $0x5400;
	s21 =	sadd.s32 s2, s21  }
0xe9: {  	[tilespmem:s22], [sflag:$0x6] =	stream.strided.gather [hbm4b:s21+s11], $0x1000, s10, s11, $0x38;
	[tilespmem:$0x10600] =	vst v63  }
0xea: {  	s22 =	spop (v2sf)  }
0xeb: {  	s21 =	sand.u32 $0x1FFFFF80, s22  }
0xec: {  	s22 =	simm.s32 $0xD400;
	s21 =	sadd.s32 s3, s21  }
0xed: {  	v24 =	vbroadcast v16, $0x6;
	v23, _, _ =	vpop (xrf2);
	[tilespmem:s22], [sflag:$0xE] =	stream.strided.gather [hbm4b:s21+s11], $0x1000, s10, s11, $0x38;
	[tilespmem:$0x10600] =	vst v63  }
0xee: {  	_ =	swait.ge [sflag:s13], $0x1000  }
0xef: {  	v60 =	vbroadcast v17, $0x6;
	v61 =	vor.u32 v12, v24;
	[sflag:s13] =	ssyncset.done $0x0  }
0xf0: {  	v24 =	vor.u32 v13, v24;
	[sflag:s13] =	ssyncadd.s32 $0xFFFFF000  }
0xf1: {  	v31 =	vor.u32 v12, v60;
	_ =	swait.ge [sflag:s14], $0x1000  }
0xf2: {  	v29 =	vor.u32 v13, v60;
	[sflag:s14] =	ssyncset.done $0x0  }
0xf3: {  	[sflag:s14] =	ssyncadd.s32 $0xFFFFF000  }
0xf4: {  	(v2sf) =	vpush v27, $0xE;
	v30 =	vld.idx.msk [tilespmem:v61+s11+$0x0], $0xffff  }
0xf5: {  	v24 =	vld.idx.msk [tilespmem:v24+s11+$0x0], $0xffff  }
0xf6: {  	v31 =	vld.idx.msk [tilespmem:v31+s12+$0x0], $0xffff  }
0xf7: {  	v29 =	vld.idx.msk [tilespmem:v29+s12+$0x0], $0xffff  }
0xf8: {  	(v2sf) =	vpush v28, $0xE;
	_ =	sdelay $0x3  }
0xf9: {  	v30 =	vmul.f32 v31, v30;
	v24 =	vmul.f32 v29, v24;
	_ =	sdelay $0x1  }
0xfa: {  	v24 =	vadd.f32 v24, v30;
	_ =	sdelay $0x1  }
0xfb: {  	(xrf2) =	vadd.scan.msk.f32 $0xffff, v24;
	_ =	sdelay $0x2  }
0xfc: {  	s22 =	spop (v2sf)  }
0xfd: {  	s21 =	sand.u32 $0x1FFFFF80, s22  }
0xfe: {  	s22 =	simm.s32 $0x6400;
	s21 =	sadd.s32 s2, s21  }
0xff: {  	[tilespmem:s22], [sflag:$0x7] =	stream.strided.gather [hbm4b:s21+s11], $0x1000, s10, s11, $0x38;
	[tilespmem:$0x10600] =	vst v63  }
0x100: {  	s22 =	spop (v2sf)  }
0x101: {  	s21 =	sand.u32 $0x1FFFFF80, s22  }
0x102: {  	s22 =	simm.s32 $0xE400;
	s21 =	sadd.s32 s3, s21  }
0x103: {  	v62 =	vbroadcast v16, $0x7;
	v24, _, _ =	vpop (xrf2);
	[tilespmem:s22], [sflag:$0xF] =	stream.strided.gather [hbm4b:s21+s11], $0x1000, s10, s11, $0x38;
	[tilespmem:$0x10600] =	vst v63  }
0x104: {  	_ =	swait.ge [sflag:s15], $0x1000  }
0x105: {  	v63 =	vbroadcast v17, $0x7;
	v36 =	vor.u32 v14, v62;
	[sflag:s15] =	ssyncset.done $0x0  }
0x106: {  	v29 =	vor.u32 v15, v62;
	[sflag:s15] =	ssyncadd.s32 $0xFFFFF000  }
0x107: {  	v32 =	vor.u32 v14, v63;
	_ =	swait.ge [sflag:s16], $0x1000  }
0x108: {  	v30 =	vor.u32 v15, v63;
	[sflag:s16] =	ssyncset.done $0x0  }
0x109: {  	[sflag:s16] =	ssyncadd.s32 $0xFFFFF000  }
0x10a: {  	(v2sf) =	vpush v27, $0xF;
	v31 =	vld.idx.msk [tilespmem:v36+s11+$0x0], $0xffff  }
0x10b: {  	v27 =	vld.idx.msk [tilespmem:v29+s11+$0x0], $0xffff  }
0x10c: {  	v37 =	vld.idx.msk [tilespmem:v32+s12+$0x0], $0xffff  }
0x10d: {  	v30 =	vld.idx.msk [tilespmem:v30+s12+$0x0], $0xffff  }
0x10e: {  	(v2sf) =	vpush v28, $0xF;
	_ =	sdelay $0x3  }
0x10f: {  	v38 =	vmul.f32 v37, v31;
	v27 =	vmul.f32 v30, v27;
	_ =	sdelay $0x1  }
0x110: {  	v27 =	vadd.f32 v27, v38;
	_ =	sdelay $0x1  }
0x111: {  	(xrf2) =	vadd.scan.msk.f32 $0xffff, v27;
	_ =	sdelay $0x2  }
0x112: {  	s22 =	spop (v2sf)  }
0x113: {  	s21 =	sand.u32 $0x1FFFFF80, s22  }
0x114: {  	s21 =	sadd.s32 s2, s21  }
0x115: {  	[tilespmem:s23], [sflag:$0x8] =	stream.strided.gather [hbm4b:s21+s11], $0x1000, s10, s11, $0x38;
	[tilespmem:$0x10600] =	vst v63  }
0x116: {  	s23 =	spop (v2sf)  }
0x117: {  	s21 =	sand.u32 $0x1FFFFF80, s23  }
0x118: {  	s21 =	sadd.s32 s3, s21  }
0x119: {  	v39 =	vbroadcast v16, $0x8;
	v27, _, _ =	vpop (xrf2);
	[tilespmem:s24], [sflag:$0x10] =	stream.strided.gather [hbm4b:s21+s11], $0x1000, s10, s11, $0x38;
	[tilespmem:$0x10600] =	vst v63  }
0x11a: {  	_ =	swait.ge [sflag:s25], $0x1000  }
0x11b: {  	v40 =	vbroadcast v17, $0x8;
	v41 =	vor.u32 v0, v39;
	[sflag:s25] =	ssyncset.done $0x0  }
0x11c: {  	v28 =	vor.u32 v1, v39;
	[sflag:s25] =	ssyncadd.s32 $0xFFFFF000  }
0x11d: {  	v42 =	vor.u32 v0, v40;
	_ =	swait.ge [sflag:s29], $0x1000  }
0x11e: {  	v29 =	vor.u32 v1, v40;
	[sflag:s29] =	ssyncset.done $0x0  }
0x11f: {  	v25 =	vshrl.u32 v25, $0x7;
	[sflag:s29] =	ssyncadd.s32 $0xFFFFF000  }
0x120: {  	v26 =	vshrl.u32 v26, $0x7;
	(v2sf) =	vpush @!p0 v25, $0x0;
	v30 =	vld.idx.msk [tilespmem:v41+s11+$0x0], $0xffff  }
0x121: {  	(v2sf) =	vpush @!p0 v26, $0x0;
	v28 =	vld.idx.msk [tilespmem:v28+s11+$0x0], $0xffff  }
0x122: {  	v31 =	vld.idx.msk [tilespmem:v42+s12+$0x0], $0xffff  }
0x123: {  	v29 =	vld.idx.msk [tilespmem:v29+s12+$0x0], $0xffff;
	_ =	sdelay $0x4  }
0x124: {  	v30 =	vmul.f32 v31, v30;
	v28 =	vmul.f32 v29, v28;
	_ =	sdelay $0x1  }
0x125: {  	v28 =	vadd.f32 v28, v30;
	_ =	sdelay $0x1  }
0x126: {  	(xrf2) =	vadd.scan.msk.f32 $0xffff, v28;
	_ =	sdelay $0x2  }
0x127: {  	s23 =	spop @!p0 (v2sf)  }
0x128: {  	s21 =	spop @!p0 (v2sf)  }
0x129: {  	s21 =	sshll.u32 @!p0 s21, $0x7  }
0x12a: {  	s22 =	simm.s32 @!p0 $0x400;
	s23 =	sshll.u32 @!p0 s23, $0x7;
	s21 =	sand.u32 @!p0 $0x1FFFFF80, s21  }
0x12b: {  	s23 =	sand.u32 @!p0 $0x1FFFFF80, s23;
	s24 =	sadd.s32 @!p0 s2, s21;
	s21 =	simm.s32 @!p0 $0x7A1400  }
0x12c: {  	[tilespmem:s22], [sflag:$0x1] =	stream.strided.gather @!p0 [hbm4b:s24+s22], $0x1000, s21, s22, $0x38;
	[tilespmem:$0x10600] =	vst v63  }
0x12d: {  	s23 =	sadd.s32 @!p0 s3, s23;
	s24 =	simm.s32 @!p0 $0x8400  }
0x12e: {  	v43 =	vbroadcast v16, $0x9;
	v28, _, _ =	vpop (xrf2);
	[tilespmem:s24], [sflag:$0x9] =	stream.strided.gather @!p0 [hbm4b:s23+s22], $0x1000, s21, s22, $0x38;
	[tilespmem:$0x10600] =	vst v63  }
0x12f: {  	_ =	swait.ge [sflag:s30], $0x1000  }
0x130: {  	v44 =	vbroadcast v17, $0x9;
	v45 =	vor.u32 v2, v43;
	[sflag:s30] =	ssyncset.done $0x0  }
0x131: {  	v29 =	vor.u32 v3, v43;
	[sflag:s30] =	ssyncadd.s32 $0xFFFFF000  }
0x132: {  	v46 =	vor.u32 v2, v44;
	_ =	swait.ge [sflag:s31], $0x1000  }
0x133: {  	v30 =	vor.u32 v3, v44;
	[sflag:s31] =	ssyncset.done $0x0  }
0x134: {  	[sflag:s31] =	ssyncadd.s32 $0xFFFFF000  }
0x135: {  	(v2sf) =	vpush @!p0 v25, $0x1;
	v31 =	vld.idx.msk [tilespmem:v45+s11+$0x0], $0xffff  }
0x136: {  	(v2sf) =	vpush @!p0 v26, $0x1;
	v29 =	vld.idx.msk [tilespmem:v29+s11+$0x0], $0xffff  }
0x137: {  	v32 =	vld.idx.msk [tilespmem:v46+s12+$0x0], $0xffff  }
0x138: {  	v30 =	vld.idx.msk [tilespmem:v30+s12+$0x0], $0xffff;
	_ =	sdelay $0x4  }
0x139: {  	v31 =	vmul.f32 v32, v31;
	v29 =	vmul.f32 v30, v29;
	_ =	sdelay $0x1  }
0x13a: {  	v29 =	vadd.f32 v29, v31;
	_ =	sdelay $0x1  }
0x13b: {  	(xrf2) =	vadd.scan.msk.f32 $0xffff, v29;
	_ =	sdelay $0x2  }
0x13c: {  	s23 =	spop @!p0 (v2sf)  }
0x13d: {  	s24 =	spop @!p0 (v2sf)  }
0x13e: {  	s24 =	sshll.u32 @!p0 s24, $0x7  }
0x13f: {  	s23 =	sshll.u32 @!p0 s23, $0x7;
	s24 =	sand.u32 @!p0 $0x1FFFFF80, s24  }
0x140: {  	s25 =	simm.s32 @!p0 $0x1400;
	s23 =	sand.u32 @!p0 $0x1FFFFF80, s23;
	s24 =	sadd.s32 @!p0 s2, s24  }
0x141: {  	[tilespmem:s25], [sflag:$0x2] =	stream.strided.gather @!p0 [hbm4b:s24+s22], $0x1000, s21, s22, $0x38;
	[tilespmem:$0x10600] =	vst v63  }
0x142: {  	s23 =	sadd.s32 @!p0 s3, s23;
	s24 =	simm.s32 @!p0 $0x9400  }
0x143: {  	v47 =	vbroadcast v16, $0xA;
	v29, _, _ =	vpop (xrf2);
	[tilespmem:s24], [sflag:$0xA] =	stream.strided.gather @!p0 [hbm4b:s23+s22], $0x1000, s21, s22, $0x38;
	[tilespmem:$0x10600] =	vst v63  }
0x144: {  	_ =	swait.ge [sflag:s0], $0x1000  }
0x145: {  	v48 =	vbroadcast v17, $0xA;
	v49 =	vor.u32 v4, v47;
	[sflag:s0] =	ssyncset.done $0x0  }
0x146: {  	v30 =	vor.u32 v5, v47;
	[sflag:s0] =	ssyncadd.s32 $0xFFFFF000  }
0x147: {  	v33 =	vor.u32 v4, v48;
	_ =	swait.ge [sflag:s1], $0x1000  }
0x148: {  	v31 =	vor.u32 v5, v48;
	[sflag:s1] =	ssyncset.done $0x0  }
0x149: {  	[sflag:s1] =	ssyncadd.s32 $0xFFFFF000  }
0x14a: {  	(v2sf) =	vpush @!p0 v25, $0x2;
	v32 =	vld.idx.msk [tilespmem:v49+s11+$0x0], $0xffff  }
0x14b: {  	(v2sf) =	vpush @!p0 v26, $0x2;
	v30 =	vld.idx.msk [tilespmem:v30+s11+$0x0], $0xffff  }
0x14c: {  	v33 =	vld.idx.msk [tilespmem:v33+s12+$0x0], $0xffff  }
0x14d: {  	v31 =	vld.idx.msk [tilespmem:v31+s12+$0x0], $0xffff;
	_ =	sdelay $0x4  }
0x14e: {  	v32 =	vmul.f32 v33, v32;
	v30 =	vmul.f32 v31, v30;
	_ =	sdelay $0x1  }
0x14f: {  	v30 =	vadd.f32 v30, v32;
	_ =	sdelay $0x1  }
0x150: {  	(xrf2) =	vadd.scan.msk.f32 $0xffff, v30;
	_ =	sdelay $0x2  }
0x151: {  	s23 =	spop @!p0 (v2sf)  }
0x152: {  	s24 =	spop @!p0 (v2sf)  }
0x153: {  	s24 =	sshll.u32 @!p0 s24, $0x7  }
0x154: {  	s23 =	sshll.u32 @!p0 s23, $0x7;
	s24 =	sand.u32 @!p0 $0x1FFFFF80, s24  }
0x155: {  	s25 =	simm.s32 @!p0 $0x2400;
	s23 =	sand.u32 @!p0 $0x1FFFFF80, s23;
	s24 =	sadd.s32 @!p0 s2, s24  }
0x156: {  	[tilespmem:s25], [sflag:$0x3] =	stream.strided.gather @!p0 [hbm4b:s24+s22], $0x1000, s21, s22, $0x38;
	[tilespmem:$0x10600] =	vst v63  }
0x157: {  	s23 =	sadd.s32 @!p0 s3, s23;
	s24 =	simm.s32 @!p0 $0xA400  }
0x158: {  	v50 =	vbroadcast v16, $0xB;
	v30, _, _ =	vpop (xrf2);
	[tilespmem:s24], [sflag:$0xB] =	stream.strided.gather @!p0 [hbm4b:s23+s22], $0x1000, s21, s22, $0x38;
	[tilespmem:$0x10600] =	vst v63  }
0x159: {  	_ =	swait.ge [sflag:s5], $0x1000  }
0x15a: {  	v51 =	vbroadcast v17, $0xB;
	v52 =	vor.u32 v6, v50;
	[sflag:s5] =	ssyncset.done $0x0  }
0x15b: {  	v31 =	vor.u32 v7, v50;
	[sflag:s5] =	ssyncadd.s32 $0xFFFFF000  }
0x15c: {  	v34 =	vor.u32 v6, v51;
	_ =	swait.ge [sflag:s6], $0x1000  }
0x15d: {  	v32 =	vor.u32 v7, v51;
	[sflag:s6] =	ssyncset.done $0x0  }
0x15e: {  	[sflag:s6] =	ssyncadd.s32 $0xFFFFF000  }
0x15f: {  	(v2sf) =	vpush @!p0 v25, $0x3;
	v33 =	vld.idx.msk [tilespmem:v52+s11+$0x0], $0xffff  }
0x160: {  	(v2sf) =	vpush @!p0 v26, $0x3;
	v31 =	vld.idx.msk [tilespmem:v31+s11+$0x0], $0xffff  }
0x161: {  	v34 =	vld.idx.msk [tilespmem:v34+s12+$0x0], $0xffff  }
0x162: {  	v32 =	vld.idx.msk [tilespmem:v32+s12+$0x0], $0xffff;
	_ =	sdelay $0x4  }
0x163: {  	v33 =	vmul.f32 v34, v33;
	v31 =	vmul.f32 v32, v31;
	_ =	sdelay $0x1  }
0x164: {  	v31 =	vadd.f32 v31, v33;
	_ =	sdelay $0x1  }
0x165: {  	(xrf2) =	vadd.scan.msk.f32 $0xffff, v31;
	_ =	sdelay $0x2  }
0x166: {  	s23 =	spop @!p0 (v2sf)  }
0x167: {  	s24 =	spop @!p0 (v2sf)  }
0x168: {  	s24 =	sshll.u32 @!p0 s24, $0x7  }
0x169: {  	s23 =	sshll.u32 @!p0 s23, $0x7;
	s24 =	sand.u32 @!p0 $0x1FFFFF80, s24  }
0x16a: {  	s25 =	simm.s32 @!p0 $0x3400;
	s23 =	sand.u32 @!p0 $0x1FFFFF80, s23;
	s24 =	sadd.s32 @!p0 s2, s24  }
0x16b: {  	[tilespmem:s25], [sflag:$0x4] =	stream.strided.gather @!p0 [hbm4b:s24+s22], $0x1000, s21, s22, $0x38;
	[tilespmem:$0x10600] =	vst v63  }
0x16c: {  	s23 =	sadd.s32 @!p0 s3, s23;
	s24 =	simm.s32 @!p0 $0xB400  }
0x16d: {  	v53 =	vbroadcast v16, $0xC;
	v31, _, _ =	vpop (xrf2);
	[tilespmem:s24], [sflag:$0xC] =	stream.strided.gather @!p0 [hbm4b:s23+s22], $0x1000, s21, s22, $0x38;
	[tilespmem:$0x10600] =	vst v63  }
0x16e: {  	_ =	swait.ge [sflag:s7], $0x1000  }
0x16f: {  	v54 =	vbroadcast v17, $0xC;
	v55 =	vor.u32 v8, v53;
	[sflag:s7] =	ssyncset.done $0x0  }
0x170: {  	v32 =	vor.u32 v9, v53;
	[sflag:s7] =	ssyncadd.s32 $0xFFFFF000  }
0x171: {  	v35 =	vor.u32 v8, v54;
	_ =	swait.ge [sflag:s8], $0x1000  }
0x172: {  	v33 =	vor.u32 v9, v54;
	[sflag:s8] =	ssyncset.done $0x0  }
0x173: {  	[sflag:s8] =	ssyncadd.s32 $0xFFFFF000  }
0x174: {  	(v2sf) =	vpush @!p0 v25, $0x4;
	v34 =	vld.idx.msk [tilespmem:v55+s11+$0x0], $0xffff  }
0x175: {  	(v2sf) =	vpush @!p0 v26, $0x4;
	v32 =	vld.idx.msk [tilespmem:v32+s11+$0x0], $0xffff  }
0x176: {  	v35 =	vld.idx.msk [tilespmem:v35+s12+$0x0], $0xffff  }
0x177: {  	v33 =	vld.idx.msk [tilespmem:v33+s12+$0x0], $0xffff;
	_ =	sdelay $0x4  }
0x178: {  	v34 =	vmul.f32 v35, v34;
	v32 =	vmul.f32 v33, v32;
	_ =	sdelay $0x1  }
0x179: {  	v32 =	vadd.f32 v32, v34;
	_ =	sdelay $0x1  }
0x17a: {  	(xrf2) =	vadd.scan.msk.f32 $0xffff, v32;
	_ =	sdelay $0x2  }
0x17b: {  	s23 =	spop @!p0 (v2sf)  }
0x17c: {  	s24 =	spop @!p0 (v2sf)  }
0x17d: {  	s24 =	sshll.u32 @!p0 s24, $0x7  }
0x17e: {  	s23 =	sshll.u32 @!p0 s23, $0x7;
	s24 =	sand.u32 @!p0 $0x1FFFFF80, s24  }
0x17f: {  	s25 =	simm.s32 @!p0 $0x4400;
	s23 =	sand.u32 @!p0 $0x1FFFFF80, s23;
	s24 =	sadd.s32 @!p0 s2, s24  }
0x180: {  	[tilespmem:s25], [sflag:$0x5] =	stream.strided.gather @!p0 [hbm4b:s24+s22], $0x1000, s21, s22, $0x38;
	[tilespmem:$0x10600] =	vst v63  }
0x181: {  	s23 =	sadd.s32 @!p0 s3, s23;
	s24 =	simm.s32 @!p0 $0xC400  }
0x182: {  	v56 =	vbroadcast v16, $0xD;
	v32, _, _ =	vpop (xrf2);
	[tilespmem:s24], [sflag:$0xD] =	stream.strided.gather @!p0 [hbm4b:s23+s22], $0x1000, s21, s22, $0x38;
	[tilespmem:$0x10600] =	vst v63  }
0x183: {  	_ =	swait.ge [sflag:s4], $0x1000  }
0x184: {  	v57 =	vbroadcast v17, $0xD;
	v58 =	vor.u32 v10, v56;
	[sflag:s4] =	ssyncset.done $0x0  }
0x185: {  	v33 =	vor.u32 v11, v56;
	[sflag:s4] =	ssyncadd.s32 $0xFFFFF000  }
0x186: {  	v36 =	vor.u32 v10, v57;
	_ =	swait.ge [sflag:s9], $0x1000  }
0x187: {  	v34 =	vor.u32 v11, v57;
	[sflag:s9] =	ssyncset.done $0x0  }
0x188: {  	[sflag:s9] =	ssyncadd.s32 $0xFFFFF000  }
0x189: {  	(v2sf) =	vpush @!p0 v25, $0x5;
	v35 =	vld.idx.msk [tilespmem:v58+s11+$0x0], $0xffff  }
0x18a: {  	(v2sf) =	vpush @!p0 v26, $0x5;
	v33 =	vld.idx.msk [tilespmem:v33+s11+$0x0], $0xffff  }
0x18b: {  	v36 =	vld.idx.msk [tilespmem:v36+s12+$0x0], $0xffff  }
0x18c: {  	v34 =	vld.idx.msk [tilespmem:v34+s12+$0x0], $0xffff;
	_ =	sdelay $0x4  }
0x18d: {  	v35 =	vmul.f32 v36, v35;
	v33 =	vmul.f32 v34, v33;
	_ =	sdelay $0x1  }
0x18e: {  	v33 =	vadd.f32 v33, v35;
	_ =	sdelay $0x1  }
0x18f: {  	(xrf2) =	vadd.scan.msk.f32 $0xffff, v33;
	_ =	sdelay $0x2  }
0x190: {  	s23 =	spop @!p0 (v2sf)  }
0x191: {  	s24 =	spop @!p0 (v2sf)  }
0x192: {  	s24 =	sshll.u32 @!p0 s24, $0x7  }
0x193: {  	s23 =	sshll.u32 @!p0 s23, $0x7;
	s24 =	sand.u32 @!p0 $0x1FFFFF80, s24  }
0x194: {  	s25 =	simm.s32 @!p0 $0x5400;
	s23 =	sand.u32 @!p0 $0x1FFFFF80, s23;
	s24 =	sadd.s32 @!p0 s2, s24  }
0x195: {  	[tilespmem:s25], [sflag:$0x6] =	stream.strided.gather @!p0 [hbm4b:s24+s22], $0x1000, s21, s22, $0x38;
	[tilespmem:$0x10600] =	vst v63  }
0x196: {  	s23 =	sadd.s32 @!p0 s3, s23;
	s24 =	simm.s32 @!p0 $0xD400  }
0x197: {  	v59 =	vbroadcast v16, $0xE;
	v33, _, _ =	vpop (xrf2);
	[tilespmem:s24], [sflag:$0xE] =	stream.strided.gather @!p0 [hbm4b:s23+s22], $0x1000, s21, s22, $0x38;
	[tilespmem:$0x10600] =	vst v63  }
0x198: {  	_ =	swait.ge [sflag:s13], $0x1000  }
0x199: {  	v60 =	vbroadcast v17, $0xE;
	v61 =	vor.u32 v12, v59;
	[sflag:s13] =	ssyncset.done $0x0  }
0x19a: {  	v34 =	vor.u32 v13, v59;
	[sflag:s13] =	ssyncadd.s32 $0xFFFFF000  }
0x19b: {  	v37 =	vor.u32 v12, v60;
	_ =	swait.ge [sflag:s14], $0x1000  }
0x19c: {  	v35 =	vor.u32 v13, v60;
	[sflag:s14] =	ssyncset.done $0x0  }
0x19d: {  	[sflag:s14] =	ssyncadd.s32 $0xFFFFF000  }
0x19e: {  	(v2sf) =	vpush @!p0 v25, $0x6;
	v36 =	vld.idx.msk [tilespmem:v61+s11+$0x0], $0xffff  }
0x19f: {  	(v2sf) =	vpush @!p0 v26, $0x6;
	v34 =	vld.idx.msk [tilespmem:v34+s11+$0x0], $0xffff  }
0x1a0: {  	v37 =	vld.idx.msk [tilespmem:v37+s12+$0x0], $0xffff  }
0x1a1: {  	v35 =	vld.idx.msk [tilespmem:v35+s12+$0x0], $0xffff;
	_ =	sdelay $0x4  }
0x1a2: {  	v36 =	vmul.f32 v37, v36;
	v34 =	vmul.f32 v35, v34;
	_ =	sdelay $0x1  }
0x1a3: {  	v34 =	vadd.f32 v34, v36;
	_ =	sdelay $0x1  }
0x1a4: {  	(xrf2) =	vadd.scan.msk.f32 $0xffff, v34;
	_ =	sdelay $0x2  }
0x1a5: {  	s23 =	spop @!p0 (v2sf)  }
0x1a6: {  	s24 =	spop @!p0 (v2sf)  }
0x1a7: {  	s24 =	sshll.u32 @!p0 s24, $0x7  }
0x1a8: {  	s23 =	sshll.u32 @!p0 s23, $0x7;
	s24 =	sand.u32 @!p0 $0x1FFFFF80, s24  }
0x1a9: {  	s25 =	simm.s32 @!p0 $0x6400;
	s23 =	sand.u32 @!p0 $0x1FFFFF80, s23;
	s24 =	sadd.s32 @!p0 s2, s24  }
0x1aa: {  	[tilespmem:s25], [sflag:$0x7] =	stream.strided.gather @!p0 [hbm4b:s24+s22], $0x1000, s21, s22, $0x38;
	[tilespmem:$0x10600] =	vst v63  }
0x1ab: {  	s23 =	sadd.s32 @!p0 s3, s23;
	s24 =	simm.s32 @!p0 $0xE400  }
0x1ac: {  	v16 =	vbroadcast v16, $0xF;
	v34, _, _ =	vpop (xrf2);
	[tilespmem:s24], [sflag:$0xF] =	stream.strided.gather @!p0 [hbm4b:s23+s22], $0x1000, s21, s22, $0x38;
	[tilespmem:$0x10600] =	vst v63  }
0x1ad: {  	v17 =	vbroadcast v17, $0xF;
	_ =	swait.ge [sflag:s15], $0x1000  }
0x1ae: {  	v62 =	vor.u32 v14, v16;
	[sflag:s15] =	ssyncset.done $0x0  }
0x1af: {  	v63 =	vor.u32 v14, v17;
	[sflag:s15] =	ssyncadd.s32 $0xFFFFF000  }
0x1b0: {  	v16 =	vor.u32 v15, v16;
	_ =	swait.ge [sflag:s16], $0x1000  }
0x1b1: {  	v17 =	vor.u32 v15, v17;
	[sflag:s16] =	ssyncset.done $0x0  }
0x1b2: {  	[sflag:s16] =	ssyncadd.s32 $0xFFFFF000  }
0x1b3: {  	v35 =	vld.idx.msk [tilespmem:v62+s11+$0x0], $0xffff  }
0x1b4: {  	v36 =	vld.idx.msk [tilespmem:v63+s12+$0x0], $0xffff  }
0x1b5: {  	v16 =	vld.idx.msk [tilespmem:v16+s11+$0x0], $0xffff  }
0x1b6: {  	v17 =	vld.idx.msk [tilespmem:v17+s12+$0x0], $0xffff;
	_ =	sdelay $0x2  }
0x1b7: {  	v18 =	vbroadcast v18, $0xF  }
0x1b8: {  	v19 =	vbroadcast v19, $0xF;
	v35 =	vmul.f32 v36, v35  }
0x1b9: {  	v16 =	vmul.f32 v17, v16;
	v17 =	vbroadcast v20, $0xF  }
0x1ba: {  	v18 =	vsel vm0, v18, v19;
	v19 =	vbroadcast v21, $0xF  }
0x1bb: {  	v17 =	vsel vm1, v18, v17;
	v16 =	vadd.f32 v16, v35;
	v18 =	vbroadcast v22, $0xF  }
0x1bc: {  	v17 =	vsel vm2, v17, v19;
	v19 =	vbroadcast v23, $0xF  }
0x1bd: {  	v17 =	vsel vm3, v17, v18;
	(xrf2) =	vadd.scan.msk.f32 $0xffff, v16;
	v16 =	vbroadcast v24, $0xF  }
0x1be: {  	v18 =	vbroadcast v27, $0xF;
	v17 =	vsel vm4, v17, v19  }
0x1bf: {  	v16 =	vsel vm5, v17, v16;
	v17 =	vbroadcast v28, $0xF  }
0x1c0: {  	v16 =	vsel vm6, v16, v18;
	v18 =	vbroadcast v29, $0xF  }
0x1c1: {  	v16 =	vsel vm7, v16, v17;
	v17 =	vbroadcast v30, $0xF  }
0x1c2: {  	v16 =	vsel vm8, v18, v16;
	v18 =	vbroadcast v31, $0xF  }
0x1c3: {  	v16 =	vsel vm9, v17, v16;
	v17 =	vbroadcast v32, $0xF  }
0x1c4: {  	v16 =	vsel vm10, v18, v16  }
0x1c5: {  	p0 =	sne.s32 s20, $0x200;
	v16 =	vsel vm11, v17, v16;
	v17 =	vbroadcast v34, $0xF  }
.Ltmp2:
0x1c6: {  	v18 =	vbroadcast v33, $0xF;
	(pc) =	sbr.rel @!p0 .LBB2_3-.Ltmp2, $4  }
0x1c7: {  	_ = 	snop  }
0x1c8: {  	v16 =	vsel vm12, v18, v16  }
0x1c9: {  	v16 =	vsel vm13, v17, v16;
	v17, _, _ =	vpop (xrf2)  }
0x1ca: {  	v16 =	vsel vm14, v16, v17  }
0x1cb: {  	(v2sf) =	vpush v25, $0x7  }
0x1cc: {  	(v2sf) =	vpush v26, $0x7;
	_ =	sdelay $0xd  }
0x1cd: {  	s21 =	spop (v2sf)  }
0x1ce: {  	s22 =	spop (v2sf)  }
0x1cf: {  	s22 =	sshll.u32 s22, $0x7  }
0x1d0: {  	s20 =	sadd.s32 $0x10, s20;
	s22 =	sand.u32 $0x1FFFFF80, s22  }
0x1d1: {  	p0 =	sne.s32 s20, $0x210;
	s22 =	sadd.s32 s2, s22  }
0x1d2: {  	[tilespmem:s26], [sflag:$0x8] =	stream.strided.gather [hbm4b:s22+s11], $0x1000, s10, s11, $0x38;
	[tilespmem:$0x10600] =	vst v63  }
.Ltmp3:
0x1d3: {  	s21 =	sshll.u32 s21, $0x7;
	(pc) =	sbr.rel @p0 .LBB2_2-.Ltmp3, $4  }
.Ltmp4:
0x1d4: {  	s21 =	sand.u32 $0x1FFFFF80, s21;
	(pc) =	sbr.rel @!p0 .LBB2_5-.Ltmp4, $4  }
0x1d5: {  	v16 =	vmax.f32 v16, $0.0e+00;
	s19 =	sadd.s32 $0x10, s19;
	s17 =	sadd.s32 $0x10, s17;
	s21 =	sadd.s32 s3, s21  }
0x1d6: {  	v16 =	vmin.f32 v16, $5.000000000e+00;
	[tilespmem:s28], [sflag:$0x10] =	stream.strided.gather [hbm4b:s21+s11], $0x1000, s10, s11, $0x38;
	[tilespmem:$0x10600] =	vst v63  }
0x1d7: {  	s23 =	simm.s32 $0x7400;
	s24 =	simm.s32 $0xF400;
	[tilespmem:s18+$0x0] =	vst v16;
	s18 =	sadd.s32 $0x10, s18  }
0x1d8: {  	_ = 	snop  }
.LBB2_6:
0x1d9: {  	_ =	sfence.sel $0x180000  }
0x1da: {  	[bflag:$0x0] =	sbarrier.arrive $0xFFFF  }
0x1db: {  	_ =	strace $0x90000047  }
0x1dc: {  	s0 =	stileid.u32;
	[bflag:$0x2] =	sbarrier.arrive $0xFFFF  }
0x1dd: {  	p0 =	sne.s32 s0, $0x0;
	s0 =	rddreg [dreg:$0x4]  }
0x1de: {  	s0 =	sadd.s32 @!p0 $0x100000, s0  }
0x1df: {  	[sflag:s0] =	ssyncadd.tile.s32 @!p0 $0x1;
	_ =	shalt  }
.Lfunc_end2:
_tile_overlayer_lowered:
.L_overlay_start_2:
0x1e0: {  	(tag) =	ssettag $0x2  }
0x1e1: {  	s0 =	rddreg [dreg:$0x0];
	s2 =	stileid.u32  }
0x1e2: {  	s1 =	rddreg [dreg:$0x1];
	p0 =	sne.s32 s2, $0x0  }
0x1e3: {  	s3 =	rddreg [dreg:$0x2];
	[bflag:$0x3] =	sbarrier.arrive $0xFFFF;
	s2 =	simm.s32 @!p0 $0x1C11  }
0x1e4: {  	[timem:s3], [sflag:s2] =	dma.local @!p0 [hbm:s0], s1  }
0x1e5: {  	s0 =	simm.s32 @!p0 $0x11  }
0x1e6: {  	_ =	swait.ge @!p0 [sflag:s0], s1  }
0x1e7: {  	s1 =	ssub.s32 @!p0 $0x0, s1;
	[sflag:s0] =	ssyncset.done @!p0 $0x0  }
0x1e8: {  	[sflag:s0] =	ssyncadd.s32 @!p0 s1  }
0x1e9: {  	[bflag:$0x3] =	sbarrier.arrive $0xFFFF  }
0x1ea: {  	_ =	shalt  }

</sc_bundles>
